<compile_context>
chip_gen: v7x
topology: tpu7x:2x2x1
jax: 0.10.2.dev20260603
libtpu: 0.0.44.dev20260713+nightly
codegen_flags: <defaults>
</compile_context>

<pallas_src>
import functools
import numpy as np
import jax
import jax.numpy as jnp
from jax import lax
from jax.experimental import pallas as pl
from jax.experimental.pallas import tpu as pltpu
from jax.experimental.pallas import tpu_sc as plsc

N = 10000
D = 128
E = 320000
NPAD = 10240
NC, NS, LANES = 2, 16, 16
NW = NC * NS
B = 128
CHUNKS = 81
EPT = CHUNKS * B
EPAD = NW * EPT
RPS = NPAD // NS



_GATHER_DNUMS = lax.GatherDimensionNumbers(
    offset_dims=(), collapsed_slice_dims=(0,), start_index_map=(0,))


def _take16(v, idx):
    return lax.gather(v, idx[:, None], _GATHER_DNUMS, (1,),
                      mode=lax.GatherScatterMode.PROMISE_IN_BOUNDS)


@functools.lru_cache
def _sc_edge(F, nheads):
    grp = F // LANES
    head_of_grp = [min(j, nheads - 1) for j in range(grp)]
    mesh = plsc.VectorSubcoreMesh(core_axis_name="c", subcore_axis_name="s")

    @functools.partial(
        pl.kernel,
        out_type=(
            jax.ShapeDtypeStruct((NC, NPAD, F), jnp.float32),
            jax.ShapeDtypeStruct((NC, NPAD, 16), jnp.float32),
        ),
        mesh=mesh,
        compiler_params=pltpu.CompilerParams(use_tc_tiling_on_sc=False),
        scratch_types=[
            pltpu.VMEM_SHARED((NPAD, F), jnp.float32),
            pltpu.VMEM_SHARED((NPAD, 16), jnp.float32),
            pltpu.VMEM((B,), jnp.int32),
            pltpu.VMEM((B,), jnp.int32),
            pltpu.VMEM((B, 16), jnp.float32),
            pltpu.VMEM((B, 16), jnp.float32),
            pltpu.VMEM((B, 16), jnp.float32),
            pltpu.VMEM((B, F), jnp.float32),
            pltpu.SemaphoreType.DMA,
            pltpu.SemaphoreType.DMA,
            pltpu.SemaphoreType.DMA,
        ],
    )
    def body(h_hbm, av_hbm, src_hbm, dst_hbm, zf_hbm, zd_hbm,
             num_hbm, den_hbm,
             num_s, den_s, src_v, dst_v, avs_v, avd_v, w_v, h_v,
             sem_a, sem_b, sem_h):
        c = lax.axis_index("c")
        s = lax.axis_index("s")
        wid = s * NC + c
        r0 = s * RPS

        pltpu.sync_copy(zf_hbm.at[pl.ds(r0, RPS)], num_s.at[pl.ds(r0, RPS)])
        pltpu.sync_copy(zd_hbm.at[pl.ds(r0, RPS)], den_s.at[pl.ds(r0, RPS)])
        plsc.subcore_barrier()

        perm = (lax.iota(jnp.int32, LANES) + 8) & 15
        dmask = lax.iota(jnp.int32, LANES) < nheads

        def chunk_body(k, _):
            base = wid * EPT + k * B
            pltpu.sync_copy(src_hbm.at[pl.ds(base, B)], src_v)
            pltpu.sync_copy(dst_hbm.at[pl.ds(base, B)], dst_v)
            cp_a = pltpu.async_copy(av_hbm.at[src_v], avs_v, sem_a)
            cp_b = pltpu.async_copy(av_hbm.at[dst_v], avd_v, sem_b)
            cp_h = pltpu.async_copy(h_hbm.at[src_v], h_v, sem_h)
            cp_a.wait()
            cp_b.wait()

            def wbody(b, _):
                e = avs_v[b, :] + _take16(avd_v[b, :], perm)
                e = jnp.maximum(e, 0.2 * e)
                ww = jnp.where(dmask, jnp.exp(e), 0.0)
                w_v[b, :] = ww
                return 0

            lax.fori_loop(0, B, wbody, 0)
            cp_h.wait()

            def mbody(b, _):
                ww = w_v[b, :]
                for j in range(grp):
                    sp = _take16(ww, jnp.full((LANES,), head_of_grp[j], jnp.int32))
                    sl = pl.ds(j * LANES, LANES)
                    h_v[b, sl] = h_v[b, sl] * sp
                return 0

            lax.fori_loop(0, B, mbody, 0)
            pltpu.sync_copy(w_v, den_s.at[dst_v], add=True)
            pltpu.sync_copy(h_v, num_s.at[dst_v], add=True)
            return 0

        lax.fori_loop(0, CHUNKS, chunk_body, 0)
        plsc.subcore_barrier()
        pltpu.sync_copy(num_s.at[pl.ds(r0, RPS)], num_hbm.at[c, pl.ds(r0, RPS)])
        pltpu.sync_copy(den_s.at[pl.ds(r0, RPS)], den_hbm.at[c, pl.ds(r0, RPS)])

    return body



def _tc_pre1(x, W, V):
    def body(x_ref, w_ref, v_ref, h_ref, av_ref):
        xx = x_ref[...]
        h_ref[...] = jnp.dot(xx, w_ref[...], preferred_element_type=jnp.float32)
        av_ref[...] = jnp.dot(xx, v_ref[...], preferred_element_type=jnp.float32)

    return pl.pallas_call(
        body,
        out_shape=(
            jax.ShapeDtypeStruct((NPAD, D), jnp.float32),
            jax.ShapeDtypeStruct((NPAD, 16), jnp.float32),
        ),
    )(x, W, V)


def _tc_mid(n0, n1, d0, d1, K, brow, resid, W, V):
    Fout = W.shape[1]
    has_res = resid is not None

    def body(*refs):
        if has_res:
            (n0r, n1r, d0r, d1r, kr, br, rr, wr, vr, xn_ref, h_ref, av_ref) = refs
        else:
            (n0r, n1r, d0r, d1r, kr, br, wr, vr, xn_ref, h_ref, av_ref) = refs
        den = d0r[...] + d1r[...]
        dexp = jnp.dot(den, kr[...], preferred_element_type=jnp.float32)
        g = (n0r[...] + n1r[...]) / (dexp + 1e-16) + br[...]
        xn = jnp.maximum(g, 0.0)
        if has_res:
            xn = xn + rr[...]
        xn_ref[...] = xn
        h_ref[...] = jnp.dot(xn, wr[...], preferred_element_type=jnp.float32)
        av_ref[...] = jnp.dot(xn, vr[...], preferred_element_type=jnp.float32)

    args = [n0, n1, d0, d1, K, brow] + ([resid] if has_res else []) + [W, V]
    return pl.pallas_call(
        body,
        out_shape=(
            jax.ShapeDtypeStruct((NPAD, D), jnp.float32),
            jax.ShapeDtypeStruct((NPAD, Fout), jnp.float32),
            jax.ShapeDtypeStruct((NPAD, 16), jnp.float32),
        ),
    )(*args)


def _tc_final(n0, n1, d0, d1, K4, brow):
    def body(n0r, n1r, d0r, d1r, kr, br, out_ref):
        den = d0r[...] + d1r[...]
        dexp = jnp.dot(den, kr[...], preferred_element_type=jnp.float32)
        g = (n0r[...] + n1r[...]) / (dexp + 1e-16) + br[...]
        col = lax.broadcasted_iota(jnp.int32, (NPAD, 64), 1)
        gm = jnp.where(col < 40, g, -jnp.inf)
        m = jnp.max(gm, axis=1, keepdims=True)
        lse = m + jnp.log(jnp.sum(jnp.exp(gm - m), axis=1, keepdims=True))
        out_ref[...] = g - lse

    return pl.pallas_call(
        body,
        out_shape=jax.ShapeDtypeStruct((NPAD, 64), jnp.float32),
    )(n0, n1, d0, d1, K4, brow)



def _fold_att(W, a_s, a_d, heads, outc):
    Wr = W.reshape(W.shape[0], heads, outc)
    vs = jnp.einsum("dhc,hc->dh", Wr, a_s)
    vd = jnp.einsum("dhc,hc->dh", Wr, a_d)
    return vs, vd


_KF = np.zeros((16, 128), np.float32)
for _hd in range(8):
    _KF[_hd, _hd * 16:(_hd + 1) * 16] = 1.0
_K4 = np.zeros((16, 64), np.float32)
_K4[0, :40] = 1.0


def kernel(x, edge_index, W1, as1, ad1, b1, W2, as2, ad2, b2,
           W3, as3, ad3, b3, W4, as4, ad4, b4):
    f32 = jnp.float32
    loops = jnp.arange(N, dtype=jnp.int32)
    npad_e = EPAD - E - N
    src = jnp.concatenate([edge_index[0].astype(jnp.int32), loops,
                           jnp.zeros((npad_e,), jnp.int32)])
    dst = jnp.concatenate([edge_index[1].astype(jnp.int32), loops,
                           jnp.full((npad_e,), N, jnp.int32)])
    x_pad = jnp.pad(x, ((0, NPAD - N), (0, 0)))

    zf128 = jnp.zeros((NPAD, 128), f32)
    zf64 = jnp.zeros((NPAD, 64), f32)
    zd = jnp.zeros((NPAD, 16), f32)
    K = jnp.asarray(_KF)
    K4 = jnp.asarray(_K4)

    vs1, vd1 = _fold_att(W1, as1, ad1, 8, 16)
    vs2, vd2 = _fold_att(W2, as2, ad2, 8, 16)
    vs3, vd3 = _fold_att(W3, as3, ad3, 8, 16)
    V1 = jnp.concatenate([vs1, vd1], axis=1)
    V2 = jnp.concatenate([vs2, vd2], axis=1)
    V3 = jnp.concatenate([vs3, vd3], axis=1)
    vs4 = W4 @ as4[0]
    vd4 = W4 @ ad4[0]
    V4 = jnp.zeros((D, 16), f32).at[:, 0].set(vs4).at[:, 8].set(vd4)
    W4p = jnp.pad(W4, ((0, 0), (0, 24)))
    b4p = jnp.pad(b4, (0, 24)).reshape(1, 64)

    sc128 = _sc_edge(128, 8)
    sc64 = _sc_edge(64, 1)

    h1, av1 = _tc_pre1(x_pad, W1, V1)
    num, den = sc128(h1, av1, src, dst, zf128, zd)
    x1, h2, av2 = _tc_mid(num[0], num[1], den[0], den[1], K,
                          b1.reshape(1, 128), None, W2, V2)
    num, den = sc128(h2, av2, src, dst, zf128, zd)
    x2, h3, av3 = _tc_mid(num[0], num[1], den[0], den[1], K,
                          b2.reshape(1, 128), x1, W3, V3)
    num, den = sc128(h3, av3, src, dst, zf128, zd)
    x3, h4, av4 = _tc_mid(num[0], num[1], den[0], den[1], K,
                          b3.reshape(1, 128), x2, W4p, V4)
    num, den = sc64(h4, av4, src, dst, zf64, zd)
    out = _tc_final(num[0], num[1], den[0], den[1], K4, b4p)
    return out[:N, :40]

# --- scband reference (transcript-rebuilt; emitter-appended) ---
"""Pipeline reference for scband-gnn-50087908606226 (READ-ONLY COPY).

The authoritative reference and input builder live on the scoring server;
editing this copy changes nothing except your own understanding.
"""

import jax, jax.numpy as jnp
import numpy as np


def _gat(x, ei, W, a_s, a_d, b, heads, outc):
    N = x.shape[0]
    h = (x @ W).reshape(N, heads, outc)
    src, dst = ei[0], ei[1]
    alpha_src = (h * a_s[None, :, :]).sum(-1)
    alpha_dst = (h * a_d[None, :, :]).sum(-1)
    e = jax.nn.leaky_relu(alpha_src[src] + alpha_dst[dst], 0.2)
    m = jax.lax.stop_gradient(jax.ops.segment_max(e, dst, num_segments=N))
    ee = jnp.exp(e - m[dst])
    s = jax.ops.segment_sum(ee, dst, num_segments=N)
    alpha = ee / (s[dst] + 1e-16)
    out = jax.ops.segment_sum(h[src] * alpha[:, :, None], dst, num_segments=N)
    return out.reshape(N, heads * outc) + b


def setup_inputs(seed: int = 0):
    key = jax.random.key(seed)
    ks = jax.random.split(key, 24)
    N, E, D, H, C, O = 10000, 320000, 128, 8, 16, 40
    inp = {}
    inp['x'] = jax.random.normal(ks[0], (N, D), jnp.float32)
    inp['edge_index'] = jax.random.randint(ks[1], (2, E), 0, N, dtype=jnp.int32)
    dims = [(D, H, C), (H * C, H, C), (H * C, H, C), (H * C, 1, O)]
    for i, (din, h, c) in enumerate(dims, 1):
        inp['W%d' % i] = jax.random.normal(ks[4 * i - 2], (din, h * c), jnp.float32) / np.sqrt(din)
        inp['as%d' % i] = jax.random.normal(ks[4 * i - 1], (h, c), jnp.float32) * 0.1
        inp['ad%d' % i] = jax.random.normal(ks[4 * i], (h, c), jnp.float32) * 0.1
        inp['b%d' % i] = jnp.zeros((h * c,), jnp.float32)
    return inp


def reference(x, edge_index, W1, as1, ad1, b1, W2, as2, ad2, b2, W3, as3, ad3, b3, W4, as4, ad4, b4):
    N = x.shape[0]
    loops = jnp.arange(N, dtype=edge_index.dtype)
    ei = jnp.concatenate([edge_index, jnp.stack([loops, loops])], axis=1)
    x1 = jax.nn.relu(_gat(x, ei, W1, as1, ad1, b1, 8, 16))
    x2 = jax.nn.relu(_gat(x1, ei, W2, as2, ad2, b2, 8, 16)) + x1
    x3 = jax.nn.relu(_gat(x2, ei, W3, as3, ad3, b3, 8, 16)) + x2
    out = _gat(x3, ei, W4, as4, ad4, b4, 1, 40)
    return jax.nn.log_softmax(out, axis=1)

if __name__ == "__main__":
    import jax
    _d = setup_inputs()
    print(jax.jit(kernel)(*tuple(_d.values())))

</pallas_src>

<mosaic_0001>
#map = affine_map<(d0, d1) -> (0, 0)>
#map1 = affine_map<(d0, d1) -> (0)>
#map2 = affine_map<(d0, d1) -> (0, 0, 0)>
module attributes {stable_mosaic.version = 14 : i64} {
  func.func @body(%arg0: i32, %arg1: i32, %arg2: memref<10240x64xf32, #tpu.memory_space<hbm>>, %arg3: memref<10240x16xf32, #tpu.memory_space<hbm>>, %arg4: memref<331776xi32, #tpu.memory_space<hbm>>, %arg5: memref<331776xi32, #tpu.memory_space<hbm>>, %arg6: memref<10240x64xf32, #tpu.memory_space<hbm>>, %arg7: memref<10240x16xf32, #tpu.memory_space<hbm>>, %arg8: memref<2x10240x64xf32, #tpu.memory_space<hbm>>, %arg9: memref<2x10240x16xf32, #tpu.memory_space<hbm>>, %arg10: memref<10240x64xf32, #tpu.memory_space<vmem_shared>>, %arg11: memref<10240x16xf32, #tpu.memory_space<vmem_shared>>, %arg12: memref<128xi32, #tpu.memory_space<vmem>>, %arg13: memref<128xi32, #tpu.memory_space<vmem>>, %arg14: memref<128x16xf32, #tpu.memory_space<vmem>>, %arg15: memref<128x16xf32, #tpu.memory_space<vmem>>, %arg16: memref<128x16xf32, #tpu.memory_space<vmem>>, %arg17: memref<128x64xf32, #tpu.memory_space<vmem>>, %arg18: memref<!tpu.dma_semaphore, #tpu.memory_space<semaphore_mem>>, %arg19: memref<!tpu.dma_semaphore, #tpu.memory_space<semaphore_mem>>, %arg20: memref<!tpu.dma_semaphore, #tpu.memory_space<semaphore_mem>>) attributes {dimension_semantics = [#tpu.dimension_semantics<core_parallel>, #tpu.dimension_semantics<subcore_parallel>], iteration_bounds = array<i64: 2, 16>, scalar_prefetch = 0 : i64, scratch_operands = 11 : i64, tpu.core_type = #tpu.core_type<sc_vector_subcore>, window_params = [{transform_indices = #map}, {transform_indices = #map}, {transform_indices = #map1}, {transform_indices = #map1}, {transform_indices = #map}, {transform_indices = #map}, {transform_indices = #map2}, {transform_indices = #map2}]} {
    %mul3A = arith.constant 2 : i32
    %mul3A_0 = arith.muli %arg1, %mul3A : i32
    %add3A = arith.addi %mul3A_0, %arg0 : i32
    %mul3A_1 = arith.constant 640 : i32
    %mul3A_2 = arith.muli %arg1, %mul3A_1 : i32
    "tpu.region"() ({
      %run_scoped3A = tpu.sem_alloc : memref<!tpu.dma_semaphore, #tpu.memory_space<semaphore_mem>>
      %dma_start3A = arith.constant 0 : i32
      %dma_start3A_18 = tpu.memref_slice %arg10[%mul3A_2, %dma_start3A] : memref<10240x64xf32, #tpu.memory_space<vmem_shared>> -> memref<640x64xf32, #tpu.memory_space<vmem_shared>>
      %dma_start3A_19 = arith.constant 0 : i32
      %dma_start3A_20 = tpu.memref_slice %arg6[%mul3A_2, %dma_start3A_19] : memref<10240x64xf32, #tpu.memory_space<hbm>> -> memref<640x64xf32, #tpu.memory_space<hbm>>
      tpu.enqueue_dma source(%dma_start3A_20 : memref<640x64xf32, #tpu.memory_space<hbm>>) target(%dma_start3A_18 : memref<640x64xf32, #tpu.memory_space<vmem_shared>>) target_semaphore(%run_scoped3A : memref<!tpu.dma_semaphore, #tpu.memory_space<semaphore_mem>>)
      %dma_wait3A = arith.constant 0 : i32
      %dma_wait3A_21 = tpu.memref_slice %arg10[%mul3A_2, %dma_wait3A] : memref<10240x64xf32, #tpu.memory_space<vmem_shared>> -> memref<640x64xf32, #tpu.memory_space<vmem_shared>>
      %dma_wait3A_22 = arith.constant 0 : i32
      %dma_wait3A_23 = tpu.memref_slice %arg6[%mul3A_2, %dma_wait3A_22] : memref<10240x64xf32, #tpu.memory_space<hbm>> -> memref<640x64xf32, #tpu.memory_space<hbm>>
      tpu.wait_dma2 semaphore(%run_scoped3A : memref<!tpu.dma_semaphore, #tpu.memory_space<semaphore_mem>>) src(%dma_wait3A_23 : memref<640x64xf32, #tpu.memory_space<hbm>>) dst(%dma_wait3A_21 : memref<640x64xf32, #tpu.memory_space<vmem_shared>>)
      tpu.yield
    }) : () -> ()
    "tpu.region"() ({
      %run_scoped3A = tpu.sem_alloc : memref<!tpu.dma_semaphore, #tpu.memory_space<semaphore_mem>>
      %dma_start3A = arith.constant 0 : i32
      %dma_start3A_18 = tpu.memref_slice %arg11[%mul3A_2, %dma_start3A] : memref<10240x16xf32, #tpu.memory_space<vmem_shared>> -> memref<640x16xf32, #tpu.memory_space<vmem_shared>>
      %dma_start3A_19 = arith.constant 0 : i32
      %dma_start3A_20 = tpu.memref_slice %arg7[%mul3A_2, %dma_start3A_19] : memref<10240x16xf32, #tpu.memory_space<hbm>> -> memref<640x16xf32, #tpu.memory_space<hbm>>
      tpu.enqueue_dma source(%dma_start3A_20 : memref<640x16xf32, #tpu.memory_space<hbm>>) target(%dma_start3A_18 : memref<640x16xf32, #tpu.memory_space<vmem_shared>>) target_semaphore(%run_scoped3A : memref<!tpu.dma_semaphore, #tpu.memory_space<semaphore_mem>>)
      %dma_wait3A = arith.constant 0 : i32
      %dma_wait3A_21 = tpu.memref_slice %arg11[%mul3A_2, %dma_wait3A] : memref<10240x16xf32, #tpu.memory_space<vmem_shared>> -> memref<640x16xf32, #tpu.memory_space<vmem_shared>>
      %dma_wait3A_22 = arith.constant 0 : i32
      %dma_wait3A_23 = tpu.memref_slice %arg7[%mul3A_2, %dma_wait3A_22] : memref<10240x16xf32, #tpu.memory_space<hbm>> -> memref<640x16xf32, #tpu.memory_space<hbm>>
      tpu.wait_dma2 semaphore(%run_scoped3A : memref<!tpu.dma_semaphore, #tpu.memory_space<semaphore_mem>>) src(%dma_wait3A_23 : memref<640x16xf32, #tpu.memory_space<hbm>>) dst(%dma_wait3A_21 : memref<640x16xf32, #tpu.memory_space<vmem_shared>>)
      tpu.yield
    }) : () -> ()
    %barrier3A = arith.constant 0 : index
    tpu.barrier barrier_id(%barrier3A)
    %iota3A = tpu.iota {dimensions = array<i32: 0>} : vector<16xi32>
    %add3A_3 = arith.constant 8 : i32
    %add3A_4 = vector.broadcast %add3A_3 : i32 to vector<16xi32>
    %add3A_5 = arith.addi %iota3A, %add3A_4 : vector<16xi32>
    %and3A = arith.constant 15 : i32
    %and3A_6 = vector.broadcast %and3A : i32 to vector<16xi32>
    %and3A_7 = arith.andi %add3A_5, %and3A_6 : vector<16xi32>
    %iota3A_8 = tpu.iota {dimensions = array<i32: 0>} : vector<16xi32>
    %lt3A = arith.constant 1 : i32
    %lt3A_9 = vector.broadcast %lt3A : i32 to vector<16xi32>
    %lt3A_10 = arith.cmpi slt, %iota3A_8, %lt3A_9 : vector<16xi32>
    %scan3A = arith.constant 0 : i32
    %scan3A_11 = arith.constant 0 : i32
    %scan3A_12 = arith.constant 81 : i32
    %scan3A_13 = arith.addi %scan3A_11, %scan3A_12 : i32
    %scan3A_14 = arith.constant 1 : i32
    %scan3A_15 = scf.for %scan3A_18 = %scan3A_11 to %scan3A_13 step %scan3A_14 iter_args(%scan3A_19 = %scan3A) -> (i32)  : i32 {
      %mul3A_20 = arith.constant 10368 : i32
      %mul3A_21 = arith.muli %add3A, %mul3A_20 : i32
      %mul3A_22 = arith.constant 128 : i32
      %mul3A_23 = arith.muli %scan3A_18, %mul3A_22 : i32
      %add3A_24 = arith.addi %mul3A_21, %mul3A_23 : i32
      "tpu.region"() ({
        %run_scoped3A = tpu.sem_alloc : memref<!tpu.dma_semaphore, #tpu.memory_space<semaphore_mem>>
        %dma_start3A_56 = tpu.memref_slice %arg4[%add3A_24] : memref<331776xi32, #tpu.memory_space<hbm>> -> memref<128xi32, #tpu.memory_space<hbm>>
        %dma_start3A_57 = tpu.memref_slice %arg4[%add3A_24] : memref<331776xi32, #tpu.memory_space<hbm>> -> memref<128xi32, #tpu.memory_space<hbm>>
        tpu.enqueue_dma source(%dma_start3A_57 : memref<128xi32, #tpu.memory_space<hbm>>) target(%arg12 : memref<128xi32, #tpu.memory_space<vmem>>) target_semaphore(%run_scoped3A : memref<!tpu.dma_semaphore, #tpu.memory_space<semaphore_mem>>)
        %dma_wait3A_58 = tpu.memref_slice %arg4[%add3A_24] : memref<331776xi32, #tpu.memory_space<hbm>> -> memref<128xi32, #tpu.memory_space<hbm>>
        %dma_wait3A_59 = tpu.memref_slice %arg4[%add3A_24] : memref<331776xi32, #tpu.memory_space<hbm>> -> memref<128xi32, #tpu.memory_space<hbm>>
        tpu.wait_dma2 semaphore(%run_scoped3A : memref<!tpu.dma_semaphore, #tpu.memory_space<semaphore_mem>>) src(%dma_wait3A_59 : memref<128xi32, #tpu.memory_space<hbm>>) dst(%arg12 : memref<128xi32, #tpu.memory_space<vmem>>)
        tpu.yield
      }) : () -> ()
      "tpu.region"() ({
        %run_scoped3A = tpu.sem_alloc : memref<!tpu.dma_semaphore, #tpu.memory_space<semaphore_mem>>
        %dma_start3A_56 = tpu.memref_slice %arg5[%add3A_24] : memref<331776xi32, #tpu.memory_space<hbm>> -> memref<128xi32, #tpu.memory_space<hbm>>
        %dma_start3A_57 = tpu.memref_slice %arg5[%add3A_24] : memref<331776xi32, #tpu.memory_space<hbm>> -> memref<128xi32, #tpu.memory_space<hbm>>
        tpu.enqueue_dma source(%dma_start3A_57 : memref<128xi32, #tpu.memory_space<hbm>>) target(%arg13 : memref<128xi32, #tpu.memory_space<vmem>>) target_semaphore(%run_scoped3A : memref<!tpu.dma_semaphore, #tpu.memory_space<semaphore_mem>>)
        %dma_wait3A_58 = tpu.memref_slice %arg5[%add3A_24] : memref<331776xi32, #tpu.memory_space<hbm>> -> memref<128xi32, #tpu.memory_space<hbm>>
        %dma_wait3A_59 = tpu.memref_slice %arg5[%add3A_24] : memref<331776xi32, #tpu.memory_space<hbm>> -> memref<128xi32, #tpu.memory_space<hbm>>
        tpu.wait_dma2 semaphore(%run_scoped3A : memref<!tpu.dma_semaphore, #tpu.memory_space<semaphore_mem>>) src(%dma_wait3A_59 : memref<128xi32, #tpu.memory_space<hbm>>) dst(%arg13 : memref<128xi32, #tpu.memory_space<vmem>>)
        tpu.yield
      }) : () -> ()
      %dma_start3A = arith.constant 0 : i32
      %dma_start3A_25 = arith.constant 0 : i32
      %dma_start3A_26 = tpu.memref_slice %arg3[%dma_start3A, %dma_start3A_25] : memref<10240x16xf32, #tpu.memory_space<hbm>> -> memref<10240x16xf32, #tpu.memory_space<hbm>>
      tpu.enqueue_indirect_dma source(%dma_start3A_26 : memref<10240x16xf32, #tpu.memory_space<hbm>>) target(%arg14 : memref<128x16xf32, #tpu.memory_space<vmem>>) offsets(%arg12 : memref<128xi32, #tpu.memory_space<vmem>>) semaphore(%arg18 : memref<!tpu.dma_semaphore, #tpu.memory_space<semaphore_mem>>)
      %dma_start3A_27 = arith.constant 0 : i32
      %dma_start3A_28 = arith.constant 0 : i32
      %dma_start3A_29 = tpu.memref_slice %arg3[%dma_start3A_27, %dma_start3A_28] : memref<10240x16xf32, #tpu.memory_space<hbm>> -> memref<10240x16xf32, #tpu.memory_space<hbm>>
      tpu.enqueue_indirect_dma source(%dma_start3A_29 : memref<10240x16xf32, #tpu.memory_space<hbm>>) target(%arg15 : memref<128x16xf32, #tpu.memory_space<vmem>>) offsets(%arg13 : memref<128xi32, #tpu.memory_space<vmem>>) semaphore(%arg19 : memref<!tpu.dma_semaphore, #tpu.memory_space<semaphore_mem>>)
      %dma_start3A_30 = arith.constant 0 : i32
      %dma_start3A_31 = arith.constant 0 : i32
      %dma_start3A_32 = tpu.memref_slice %arg2[%dma_start3A_30, %dma_start3A_31] : memref<10240x64xf32, #tpu.memory_space<hbm>> -> memref<10240x64xf32, #tpu.memory_space<hbm>>
      tpu.enqueue_indirect_dma source(%dma_start3A_32 : memref<10240x64xf32, #tpu.memory_space<hbm>>) target(%arg17 : memref<128x64xf32, #tpu.memory_space<vmem>>) offsets(%arg12 : memref<128xi32, #tpu.memory_space<vmem>>) semaphore(%arg20 : memref<!tpu.dma_semaphore, #tpu.memory_space<semaphore_mem>>)
      %dma_wait3A = arith.constant 0 : i32
      %dma_wait3A_33 = arith.constant 0 : i32
      %dma_wait3A_34 = tpu.memref_slice %arg3[%dma_wait3A, %dma_wait3A_33] : memref<10240x16xf32, #tpu.memory_space<hbm>> -> memref<10240x16xf32, #tpu.memory_space<hbm>>
      tpu.wait_indirect_dma semaphore(%arg18 : memref<!tpu.dma_semaphore, #tpu.memory_space<semaphore_mem>>) src(%dma_wait3A_34 : memref<10240x16xf32, #tpu.memory_space<hbm>>) dst(%arg14 : memref<128x16xf32, #tpu.memory_space<vmem>>)
      %dma_wait3A_35 = arith.constant 0 : i32
      %dma_wait3A_36 = arith.constant 0 : i32
      %dma_wait3A_37 = tpu.memref_slice %arg3[%dma_wait3A_35, %dma_wait3A_36] : memref<10240x16xf32, #tpu.memory_space<hbm>> -> memref<10240x16xf32, #tpu.memory_space<hbm>>
      tpu.wait_indirect_dma semaphore(%arg19 : memref<!tpu.dma_semaphore, #tpu.memory_space<semaphore_mem>>) src(%dma_wait3A_37 : memref<10240x16xf32, #tpu.memory_space<hbm>>) dst(%arg15 : memref<128x16xf32, #tpu.memory_space<vmem>>)
      %scan3A_38 = arith.constant 0 : i32
      %scan3A_39 = arith.constant 0 : i32
      %scan3A_40 = arith.constant 128 : i32
      %scan3A_41 = arith.addi %scan3A_39, %scan3A_40 : i32
      %scan3A_42 = arith.constant 1 : i32
      %scan3A_43 = scf.for %scan3A_56 = %scan3A_39 to %scan3A_41 step %scan3A_42 iter_args(%scan3A_57 = %scan3A_38) -> (i32)  : i32 {
        %get3A = arith.index_cast %scan3A_56 : i32 to index
        %get3A_58 = arith.constant 0 : index
        %get3A_59 = tpu.vector_load %arg14[%get3A, %get3A_58] {strides = array<i32>} : memref<128x16xf32, #tpu.memory_space<vmem>>, vector<1x16xf32>,
        %get3A_60 = vector.shape_cast %get3A_59 : vector<1x16xf32> to vector<16xf32>
        %get3A_61 = arith.index_cast %scan3A_56 : i32 to index
        %get3A_62 = arith.constant 0 : index
        %get3A_63 = tpu.vector_load %arg15[%get3A_61, %get3A_62] {strides = array<i32>} : memref<128x16xf32, #tpu.memory_space<vmem>>, vector<1x16xf32>,
        %get3A_64 = vector.shape_cast %get3A_63 : vector<1x16xf32> to vector<16xf32>
        %broadcast_in_dim3A = vector.shape_cast %and3A_7 : vector<16xi32> to vector<16x1xi32>
        %gather3A = vector.shape_cast %broadcast_in_dim3A : vector<16x1xi32> to vector<16xi32>
        %gather3A_65 = tpu.dynamic_gather %get3A_64[%gather3A] in [0] : vector<16xf32>, vector<16xi32> -> vector<16xf32>
        %add3A_66 = arith.addf %get3A_60, %gather3A_65 : vector<16xf32>
        %mul3A_67 = arith.constant 2.000000e-01 : f32
        %mul3A_68 = vector.broadcast %mul3A_67 : f32 to vector<16xf32>
        %mul3A_69 = arith.mulf %mul3A_68, %add3A_66 : vector<16xf32>
        %max3A = arith.maximumf %add3A_66, %mul3A_69 : vector<16xf32>
        %exp3A = math.exp %max3A : vector<16xf32>
        %jit3A = arith.constant 0.000000e+00 : f32
        %broadcast_in_dim3A_70 = vector.broadcast %jit3A : f32 to vector<16xf32>
        %select_n3A = arith.select %lt3A_10, %exp3A, %broadcast_in_dim3A_70 : vector<16xi1>, vector<16xf32>
        %swap3A = arith.index_cast %scan3A_56 : i32 to index
        %swap3A_71 = arith.constant 0 : index
        %swap3A_72 = tpu.vector_load %arg16[%swap3A, %swap3A_71] {strides = array<i32>} : memref<128x16xf32, #tpu.memory_space<vmem>>, vector<1x16xf32>,
        %swap3A_73 = vector.shape_cast %swap3A_72 : vector<1x16xf32> to vector<16xf32>
        %swap3A_74 = vector.shape_cast %select_n3A : vector<16xf32> to vector<1x16xf32>
        tpu.vector_store %arg16[%swap3A, %swap3A_71], %swap3A_74 {strides = array<i32>} : memref<128x16xf32, #tpu.memory_space<vmem>>, vector<1x16xf32>,
        %scan3A_75 = arith.constant 0 : i32
        scf.yield %scan3A_75 : i32
      }
      %scan3A_44 = arith.constant 128 : i32
      %dma_wait3A_45 = arith.constant 0 : i32
      %dma_wait3A_46 = arith.constant 0 : i32
      %dma_wait3A_47 = tpu.memref_slice %arg2[%dma_wait3A_45, %dma_wait3A_46] : memref<10240x64xf32, #tpu.memory_space<hbm>> -> memref<10240x64xf32, #tpu.memory_space<hbm>>
      tpu.wait_indirect_dma semaphore(%arg20 : memref<!tpu.dma_semaphore, #tpu.memory_space<semaphore_mem>>) src(%dma_wait3A_47 : memref<10240x64xf32, #tpu.memory_space<hbm>>) dst(%arg17 : memref<128x64xf32, #tpu.memory_space<vmem>>)
      %scan3A_48 = arith.constant 0 : i32
      %scan3A_49 = arith.constant 0 : i32
      %scan3A_50 = arith.constant 128 : i32
      %scan3A_51 = arith.addi %scan3A_49, %scan3A_50 : i32
      %scan3A_52 = arith.constant 1 : i32
      %scan3A_53 = scf.for %scan3A_56 = %scan3A_49 to %scan3A_51 step %scan3A_52 iter_args(%scan3A_57 = %scan3A_48) -> (i32)  : i32 {
        %get3A = arith.index_cast %scan3A_56 : i32 to index
        %get3A_58 = arith.constant 0 : index
        %get3A_59 = tpu.vector_load %arg16[%get3A, %get3A_58] {strides = array<i32>} : memref<128x16xf32, #tpu.memory_space<vmem>>, vector<1x16xf32>,
        %get3A_60 = vector.shape_cast %get3A_59 : vector<1x16xf32> to vector<16xf32>
        %broadcast_in_dim3A = arith.constant 0 : i32
        %broadcast_in_dim3A_61 = vector.broadcast %broadcast_in_dim3A : i32 to vector<16xi32>
        %broadcast_in_dim3A_62 = vector.shape_cast %broadcast_in_dim3A_61 : vector<16xi32> to vector<16x1xi32>
        %gather3A = vector.shape_cast %broadcast_in_dim3A_62 : vector<16x1xi32> to vector<16xi32>
        %gather3A_63 = tpu.dynamic_gather %get3A_60[%gather3A] in [0] : vector<16xf32>, vector<16xi32> -> vector<16xf32>
        %get3A_64 = arith.index_cast %scan3A_56 : i32 to index
        %get3A_65 = arith.constant 0 : index
        %get3A_66 = tpu.vector_load %arg17[%get3A_64, %get3A_65] {strides = array<i32>} : memref<128x64xf32, #tpu.memory_space<vmem>>, vector<1x16xf32>,
        %get3A_67 = vector.shape_cast %get3A_66 : vector<1x16xf32> to vector<16xf32>
        %mul3A_68 = arith.mulf %get3A_67, %gather3A_63 : vector<16xf32>
        %swap3A = arith.index_cast %scan3A_56 : i32 to index
        %swap3A_69 = arith.constant 0 : index
        %swap3A_70 = tpu.vector_load %arg17[%swap3A, %swap3A_69] {strides = array<i32>} : memref<128x64xf32, #tpu.memory_space<vmem>>, vector<1x16xf32>,
        %swap3A_71 = vector.shape_cast %swap3A_70 : vector<1x16xf32> to vector<16xf32>
        %swap3A_72 = vector.shape_cast %mul3A_68 : vector<16xf32> to vector<1x16xf32>
        tpu.vector_store %arg17[%swap3A, %swap3A_69], %swap3A_72 {strides = array<i32>} : memref<128x64xf32, #tpu.memory_space<vmem>>, vector<1x16xf32>,
        %broadcast_in_dim3A_73 = arith.constant 0 : i32
        %broadcast_in_dim3A_74 = vector.broadcast %broadcast_in_dim3A_73 : i32 to vector<16xi32>
        %broadcast_in_dim3A_75 = vector.shape_cast %broadcast_in_dim3A_74 : vector<16xi32> to vector<16x1xi32>
        %gather3A_76 = vector.shape_cast %broadcast_in_dim3A_75 : vector<16x1xi32> to vector<16xi32>
        %gather3A_77 = tpu.dynamic_gather %get3A_60[%gather3A_76] in [0] : vector<16xf32>, vector<16xi32> -> vector<16xf32>
        %get3A_78 = arith.index_cast %scan3A_56 : i32 to index
        %get3A_79 = arith.constant 16 : index
        %get3A_80 = tpu.vector_load %arg17[%get3A_78, %get3A_79] {strides = array<i32>} : memref<128x64xf32, #tpu.memory_space<vmem>>, vector<1x16xf32>,
        %get3A_81 = vector.shape_cast %get3A_80 : vector<1x16xf32> to vector<16xf32>
        %mul3A_82 = arith.mulf %get3A_81, %gather3A_77 : vector<16xf32>
        %swap3A_83 = arith.index_cast %scan3A_56 : i32 to index
        %swap3A_84 = arith.constant 16 : index
        %swap3A_85 = tpu.vector_load %arg17[%swap3A_83, %swap3A_84] {strides = array<i32>} : memref<128x64xf32, #tpu.memory_space<vmem>>, vector<1x16xf32>,
        %swap3A_86 = vector.shape_cast %swap3A_85 : vector<1x16xf32> to vector<16xf32>
        %swap3A_87 = vector.shape_cast %mul3A_82 : vector<16xf32> to vector<1x16xf32>
        tpu.vector_store %arg17[%swap3A_83, %swap3A_84], %swap3A_87 {strides = array<i32>} : memref<128x64xf32, #tpu.memory_space<vmem>>, vector<1x16xf32>,
        %broadcast_in_dim3A_88 = arith.constant 0 : i32
        %broadcast_in_dim3A_89 = vector.broadcast %broadcast_in_dim3A_88 : i32 to vector<16xi32>
        %broadcast_in_dim3A_90 = vector.shape_cast %broadcast_in_dim3A_89 : vector<16xi32> to vector<16x1xi32>
        %gather3A_91 = vector.shape_cast %broadcast_in_dim3A_90 : vector<16x1xi32> to vector<16xi32>
        %gather3A_92 = tpu.dynamic_gather %get3A_60[%gather3A_91] in [0] : vector<16xf32>, vector<16xi32> -> vector<16xf32>
        %get3A_93 = arith.index_cast %scan3A_56 : i32 to index
        %get3A_94 = arith.constant 32 : index
        %get3A_95 = tpu.vector_load %arg17[%get3A_93, %get3A_94] {strides = array<i32>} : memref<128x64xf32, #tpu.memory_space<vmem>>, vector<1x16xf32>,
        %get3A_96 = vector.shape_cast %get3A_95 : vector<1x16xf32> to vector<16xf32>
        %mul3A_97 = arith.mulf %get3A_96, %gather3A_92 : vector<16xf32>
        %swap3A_98 = arith.index_cast %scan3A_56 : i32 to index
        %swap3A_99 = arith.constant 32 : index
        %swap3A_100 = tpu.vector_load %arg17[%swap3A_98, %swap3A_99] {strides = array<i32>} : memref<128x64xf32, #tpu.memory_space<vmem>>, vector<1x16xf32>,
        %swap3A_101 = vector.shape_cast %swap3A_100 : vector<1x16xf32> to vector<16xf32>
        %swap3A_102 = vector.shape_cast %mul3A_97 : vector<16xf32> to vector<1x16xf32>
        tpu.vector_store %arg17[%swap3A_98, %swap3A_99], %swap3A_102 {strides = array<i32>} : memref<128x64xf32, #tpu.memory_space<vmem>>, vector<1x16xf32>,
        %broadcast_in_dim3A_103 = arith.constant 0 : i32
        %broadcast_in_dim3A_104 = vector.broadcast %broadcast_in_dim3A_103 : i32 to vector<16xi32>
        %broadcast_in_dim3A_105 = vector.shape_cast %broadcast_in_dim3A_104 : vector<16xi32> to vector<16x1xi32>
        %gather3A_106 = vector.shape_cast %broadcast_in_dim3A_105 : vector<16x1xi32> to vector<16xi32>
        %gather3A_107 = tpu.dynamic_gather %get3A_60[%gather3A_106] in [0] : vector<16xf32>, vector<16xi32> -> vector<16xf32>
        %get3A_108 = arith.index_cast %scan3A_56 : i32 to index
        %get3A_109 = arith.constant 48 : index
        %get3A_110 = tpu.vector_load %arg17[%get3A_108, %get3A_109] {strides = array<i32>} : memref<128x64xf32, #tpu.memory_space<vmem>>, vector<1x16xf32>,
        %get3A_111 = vector.shape_cast %get3A_110 : vector<1x16xf32> to vector<16xf32>
        %mul3A_112 = arith.mulf %get3A_111, %gather3A_107 : vector<16xf32>
        %swap3A_113 = arith.index_cast %scan3A_56 : i32 to index
        %swap3A_114 = arith.constant 48 : index
        %swap3A_115 = tpu.vector_load %arg17[%swap3A_113, %swap3A_114] {strides = array<i32>} : memref<128x64xf32, #tpu.memory_space<vmem>>, vector<1x16xf32>,
        %swap3A_116 = vector.shape_cast %swap3A_115 : vector<1x16xf32> to vector<16xf32>
        %swap3A_117 = vector.shape_cast %mul3A_112 : vector<16xf32> to vector<1x16xf32>
        tpu.vector_store %arg17[%swap3A_113, %swap3A_114], %swap3A_117 {strides = array<i32>} : memref<128x64xf32, #tpu.memory_space<vmem>>, vector<1x16xf32>,
        %scan3A_118 = arith.constant 0 : i32
        scf.yield %scan3A_118 : i32
      }
      %scan3A_54 = arith.constant 128 : i32
      "tpu.region"() ({
        %run_scoped3A = tpu.sem_alloc : memref<!tpu.dma_semaphore, #tpu.memory_space<semaphore_mem>>
        %dma_start3A_56 = arith.constant 0 : i32
        %dma_start3A_57 = arith.constant 0 : i32
        %dma_start3A_58 = tpu.memref_slice %arg11[%dma_start3A_56, %dma_start3A_57] : memref<10240x16xf32, #tpu.memory_space<vmem_shared>> -> memref<10240x16xf32, #tpu.memory_space<vmem_shared>>
        tpu.enqueue_indirect_dma source(%arg16 : memref<128x16xf32, #tpu.memory_space<vmem>>) target(%dma_start3A_58 : memref<10240x16xf32, #tpu.memory_space<vmem_shared>>) offsets(%arg13 : memref<128xi32, #tpu.memory_space<vmem>>) semaphore(%run_scoped3A : memref<!tpu.dma_semaphore, #tpu.memory_space<semaphore_mem>>) {add = true}
        %dma_wait3A_59 = arith.constant 0 : i32
        %dma_wait3A_60 = arith.constant 0 : i32
        %dma_wait3A_61 = tpu.memref_slice %arg11[%dma_wait3A_59, %dma_wait3A_60] : memref<10240x16xf32, #tpu.memory_space<vmem_shared>> -> memref<10240x16xf32, #tpu.memory_space<vmem_shared>>
        tpu.wait_indirect_dma semaphore(%run_scoped3A : memref<!tpu.dma_semaphore, #tpu.memory_space<semaphore_mem>>) src(%arg16 : memref<128x16xf32, #tpu.memory_space<vmem>>) dst(%dma_wait3A_61 : memref<10240x16xf32, #tpu.memory_space<vmem_shared>>)
        tpu.yield
      }) : () -> ()
      "tpu.region"() ({
        %run_scoped3A = tpu.sem_alloc : memref<!tpu.dma_semaphore, #tpu.memory_space<semaphore_mem>>
        %dma_start3A_56 = arith.constant 0 : i32
        %dma_start3A_57 = arith.constant 0 : i32
        %dma_start3A_58 = tpu.memref_slice %arg10[%dma_start3A_56, %dma_start3A_57] : memref<10240x64xf32, #tpu.memory_space<vmem_shared>> -> memref<10240x64xf32, #tpu.memory_space<vmem_shared>>
        tpu.enqueue_indirect_dma source(%arg17 : memref<128x64xf32, #tpu.memory_space<vmem>>) target(%dma_start3A_58 : memref<10240x64xf32, #tpu.memory_space<vmem_shared>>) offsets(%arg13 : memref<128xi32, #tpu.memory_space<vmem>>) semaphore(%run_scoped3A : memref<!tpu.dma_semaphore, #tpu.memory_space<semaphore_mem>>) {add = true}
        %dma_wait3A_59 = arith.constant 0 : i32
        %dma_wait3A_60 = arith.constant 0 : i32
        %dma_wait3A_61 = tpu.memref_slice %arg10[%dma_wait3A_59, %dma_wait3A_60] : memref<10240x64xf32, #tpu.memory_space<vmem_shared>> -> memref<10240x64xf32, #tpu.memory_space<vmem_shared>>
        tpu.wait_indirect_dma semaphore(%run_scoped3A : memref<!tpu.dma_semaphore, #tpu.memory_space<semaphore_mem>>) src(%arg17 : memref<128x64xf32, #tpu.memory_space<vmem>>) dst(%dma_wait3A_61 : memref<10240x64xf32, #tpu.memory_space<vmem_shared>>)
        tpu.yield
      }) : () -> ()
      %scan3A_55 = arith.constant 0 : i32
      scf.yield %scan3A_55 : i32
    }
    %scan3A_16 = arith.constant 81 : i32
    %barrier3A_17 = arith.constant 0 : index
    tpu.barrier barrier_id(%barrier3A_17)
    "tpu.region"() ({
      %run_scoped3A = tpu.sem_alloc : memref<!tpu.dma_semaphore, #tpu.memory_space<semaphore_mem>>
      %dma_start3A = arith.constant 0 : i32
      %dma_start3A_18 = tpu.memref_slice %arg8[%arg0, %mul3A_2, %dma_start3A] : memref<2x10240x64xf32, #tpu.memory_space<hbm>> -> memref<1x640x64xf32, #tpu.memory_space<hbm>>
      %dma_start3A_19 = tpu.memref_squeeze %dma_start3A_18 : memref<1x640x64xf32, #tpu.memory_space<hbm>> -> memref<640x64xf32, #tpu.memory_space<hbm>>
      %dma_start3A_20 = arith.constant 0 : i32
      %dma_start3A_21 = tpu.memref_slice %arg10[%mul3A_2, %dma_start3A_20] : memref<10240x64xf32, #tpu.memory_space<vmem_shared>> -> memref<640x64xf32, #tpu.memory_space<vmem_shared>>
      tpu.enqueue_dma source(%dma_start3A_21 : memref<640x64xf32, #tpu.memory_space<vmem_shared>>) target(%dma_start3A_19 : memref<640x64xf32, #tpu.memory_space<hbm>>) target_semaphore(%run_scoped3A : memref<!tpu.dma_semaphore, #tpu.memory_space<semaphore_mem>>)
      %dma_wait3A = arith.constant 0 : i32
      %dma_wait3A_22 = tpu.memref_slice %arg8[%arg0, %mul3A_2, %dma_wait3A] : memref<2x10240x64xf32, #tpu.memory_space<hbm>> -> memref<1x640x64xf32, #tpu.memory_space<hbm>>
      %dma_wait3A_23 = tpu.memref_squeeze %dma_wait3A_22 : memref<1x640x64xf32, #tpu.memory_space<hbm>> -> memref<640x64xf32, #tpu.memory_space<hbm>>
      %dma_wait3A_24 = arith.constant 0 : i32
      %dma_wait3A_25 = tpu.memref_slice %arg10[%mul3A_2, %dma_wait3A_24] : memref<10240x64xf32, #tpu.memory_space<vmem_shared>> -> memref<640x64xf32, #tpu.memory_space<vmem_shared>>
      tpu.wait_dma2 semaphore(%run_scoped3A : memref<!tpu.dma_semaphore, #tpu.memory_space<semaphore_mem>>) src(%dma_wait3A_25 : memref<640x64xf32, #tpu.memory_space<vmem_shared>>) dst(%dma_wait3A_23 : memref<640x64xf32, #tpu.memory_space<hbm>>)
      tpu.yield
    }) : () -> ()
    "tpu.region"() ({
      %run_scoped3A = tpu.sem_alloc : memref<!tpu.dma_semaphore, #tpu.memory_space<semaphore_mem>>
      %dma_start3A = arith.constant 0 : i32
      %dma_start3A_18 = tpu.memref_slice %arg9[%arg0, %mul3A_2, %dma_start3A] : memref<2x10240x16xf32, #tpu.memory_space<hbm>> -> memref<1x640x16xf32, #tpu.memory_space<hbm>>
      %dma_start3A_19 = tpu.memref_squeeze %dma_start3A_18 : memref<1x640x16xf32, #tpu.memory_space<hbm>> -> memref<640x16xf32, #tpu.memory_space<hbm>>
      %dma_start3A_20 = arith.constant 0 : i32
      %dma_start3A_21 = tpu.memref_slice %arg11[%mul3A_2, %dma_start3A_20] : memref<10240x16xf32, #tpu.memory_space<vmem_shared>> -> memref<640x16xf32, #tpu.memory_space<vmem_shared>>
      tpu.enqueue_dma source(%dma_start3A_21 : memref<640x16xf32, #tpu.memory_space<vmem_shared>>) target(%dma_start3A_19 : memref<640x16xf32, #tpu.memory_space<hbm>>) target_semaphore(%run_scoped3A : memref<!tpu.dma_semaphore, #tpu.memory_space<semaphore_mem>>)
      %dma_wait3A = arith.constant 0 : i32
      %dma_wait3A_22 = tpu.memref_slice %arg9[%arg0, %mul3A_2, %dma_wait3A] : memref<2x10240x16xf32, #tpu.memory_space<hbm>> -> memref<1x640x16xf32, #tpu.memory_space<hbm>>
      %dma_wait3A_23 = tpu.memref_squeeze %dma_wait3A_22 : memref<1x640x16xf32, #tpu.memory_space<hbm>> -> memref<640x16xf32, #tpu.memory_space<hbm>>
      %dma_wait3A_24 = arith.constant 0 : i32
      %dma_wait3A_25 = tpu.memref_slice %arg11[%mul3A_2, %dma_wait3A_24] : memref<10240x16xf32, #tpu.memory_space<vmem_shared>> -> memref<640x16xf32, #tpu.memory_space<vmem_shared>>
      tpu.wait_dma2 semaphore(%run_scoped3A : memref<!tpu.dma_semaphore, #tpu.memory_space<semaphore_mem>>) src(%dma_wait3A_25 : memref<640x16xf32, #tpu.memory_space<vmem_shared>>) dst(%dma_wait3A_23 : memref<640x16xf32, #tpu.memory_space<hbm>>)
      tpu.yield
    }) : () -> ()
    return
  }
}

#map = affine_map<(d0, d1) -> (0, 0)>
#map1 = affine_map<(d0, d1) -> (0)>
#map2 = affine_map<(d0, d1) -> (0, 0, 0)>
module attributes {stable_mosaic.version = 14 : i64} {
  func.func @body(%arg0: i32, %arg1: i32, %arg2: memref<10240x128xf32, #tpu.memory_space<hbm>>, %arg3: memref<10240x16xf32, #tpu.memory_space<hbm>>, %arg4: memref<331776xi32, #tpu.memory_space<hbm>>, %arg5: memref<331776xi32, #tpu.memory_space<hbm>>, %arg6: memref<10240x128xf32, #tpu.memory_space<hbm>>, %arg7: memref<10240x16xf32, #tpu.memory_space<hbm>>, %arg8: memref<2x10240x128xf32, #tpu.memory_space<hbm>>, %arg9: memref<2x10240x16xf32, #tpu.memory_space<hbm>>, %arg10: memref<10240x128xf32, #tpu.memory_space<vmem_shared>>, %arg11: memref<10240x16xf32, #tpu.memory_space<vmem_shared>>, %arg12: memref<128xi32, #tpu.memory_space<vmem>>, %arg13: memref<128xi32, #tpu.memory_space<vmem>>, %arg14: memref<128x16xf32, #tpu.memory_space<vmem>>, %arg15: memref<128x16xf32, #tpu.memory_space<vmem>>, %arg16: memref<128x16xf32, #tpu.memory_space<vmem>>, %arg17: memref<128x128xf32, #tpu.memory_space<vmem>>, %arg18: memref<!tpu.dma_semaphore, #tpu.memory_space<semaphore_mem>>, %arg19: memref<!tpu.dma_semaphore, #tpu.memory_space<semaphore_mem>>, %arg20: memref<!tpu.dma_semaphore, #tpu.memory_space<semaphore_mem>>) attributes {dimension_semantics = [#tpu.dimension_semantics<core_parallel>, #tpu.dimension_semantics<subcore_parallel>], iteration_bounds = array<i64: 2, 16>, scalar_prefetch = 0 : i64, scratch_operands = 11 : i64, tpu.core_type = #tpu.core_type<sc_vector_subcore>, window_params = [{transform_indices = #map}, {transform_indices = #map}, {transform_indices = #map1}, {transform_indices = #map1}, {transform_indices = #map}, {transform_indices = #map}, {transform_indices = #map2}, {transform_indices = #map2}]} {
    %mul3A = arith.constant 2 : i32
    %mul3A_0 = arith.muli %arg1, %mul3A : i32
    %add3A = arith.addi %mul3A_0, %arg0 : i32
    %mul3A_1 = arith.constant 640 : i32
    %mul3A_2 = arith.muli %arg1, %mul3A_1 : i32
    "tpu.region"() ({
      %run_scoped3A = tpu.sem_alloc : memref<!tpu.dma_semaphore, #tpu.memory_space<semaphore_mem>>
      %dma_start3A = arith.constant 0 : i32
      %dma_start3A_18 = tpu.memref_slice %arg10[%mul3A_2, %dma_start3A] : memref<10240x128xf32, #tpu.memory_space<vmem_shared>> -> memref<640x128xf32, #tpu.memory_space<vmem_shared>>
      %dma_start3A_19 = arith.constant 0 : i32
      %dma_start3A_20 = tpu.memref_slice %arg6[%mul3A_2, %dma_start3A_19] : memref<10240x128xf32, #tpu.memory_space<hbm>> -> memref<640x128xf32, #tpu.memory_space<hbm>>
      tpu.enqueue_dma source(%dma_start3A_20 : memref<640x128xf32, #tpu.memory_space<hbm>>) target(%dma_start3A_18 : memref<640x128xf32, #tpu.memory_space<vmem_shared>>) target_semaphore(%run_scoped3A : memref<!tpu.dma_semaphore, #tpu.memory_space<semaphore_mem>>)
      %dma_wait3A = arith.constant 0 : i32
      %dma_wait3A_21 = tpu.memref_slice %arg10[%mul3A_2, %dma_wait3A] : memref<10240x128xf32, #tpu.memory_space<vmem_shared>> -> memref<640x128xf32, #tpu.memory_space<vmem_shared>>
      %dma_wait3A_22 = arith.constant 0 : i32
      %dma_wait3A_23 = tpu.memref_slice %arg6[%mul3A_2, %dma_wait3A_22] : memref<10240x128xf32, #tpu.memory_space<hbm>> -> memref<640x128xf32, #tpu.memory_space<hbm>>
      tpu.wait_dma2 semaphore(%run_scoped3A : memref<!tpu.dma_semaphore, #tpu.memory_space<semaphore_mem>>) src(%dma_wait3A_23 : memref<640x128xf32, #tpu.memory_space<hbm>>) dst(%dma_wait3A_21 : memref<640x128xf32, #tpu.memory_space<vmem_shared>>)
      tpu.yield
    }) : () -> ()
    "tpu.region"() ({
      %run_scoped3A = tpu.sem_alloc : memref<!tpu.dma_semaphore, #tpu.memory_space<semaphore_mem>>
      %dma_start3A = arith.constant 0 : i32
      %dma_start3A_18 = tpu.memref_slice %arg11[%mul3A_2, %dma_start3A] : memref<10240x16xf32, #tpu.memory_space<vmem_shared>> -> memref<640x16xf32, #tpu.memory_space<vmem_shared>>
      %dma_start3A_19 = arith.constant 0 : i32
      %dma_start3A_20 = tpu.memref_slice %arg7[%mul3A_2, %dma_start3A_19] : memref<10240x16xf32, #tpu.memory_space<hbm>> -> memref<640x16xf32, #tpu.memory_space<hbm>>
      tpu.enqueue_dma source(%dma_start3A_20 : memref<640x16xf32, #tpu.memory_space<hbm>>) target(%dma_start3A_18 : memref<640x16xf32, #tpu.memory_space<vmem_shared>>) target_semaphore(%run_scoped3A : memref<!tpu.dma_semaphore, #tpu.memory_space<semaphore_mem>>)
      %dma_wait3A = arith.constant 0 : i32
      %dma_wait3A_21 = tpu.memref_slice %arg11[%mul3A_2, %dma_wait3A] : memref<10240x16xf32, #tpu.memory_space<vmem_shared>> -> memref<640x16xf32, #tpu.memory_space<vmem_shared>>
      %dma_wait3A_22 = arith.constant 0 : i32
      %dma_wait3A_23 = tpu.memref_slice %arg7[%mul3A_2, %dma_wait3A_22] : memref<10240x16xf32, #tpu.memory_space<hbm>> -> memref<640x16xf32, #tpu.memory_space<hbm>>
      tpu.wait_dma2 semaphore(%run_scoped3A : memref<!tpu.dma_semaphore, #tpu.memory_space<semaphore_mem>>) src(%dma_wait3A_23 : memref<640x16xf32, #tpu.memory_space<hbm>>) dst(%dma_wait3A_21 : memref<640x16xf32, #tpu.memory_space<vmem_shared>>)
      tpu.yield
    }) : () -> ()
    %barrier3A = arith.constant 0 : index
    tpu.barrier barrier_id(%barrier3A)
    %iota3A = tpu.iota {dimensions = array<i32: 0>} : vector<16xi32>
    %add3A_3 = arith.constant 8 : i32
    %add3A_4 = vector.broadcast %add3A_3 : i32 to vector<16xi32>
    %add3A_5 = arith.addi %iota3A, %add3A_4 : vector<16xi32>
    %and3A = arith.constant 15 : i32
    %and3A_6 = vector.broadcast %and3A : i32 to vector<16xi32>
    %and3A_7 = arith.andi %add3A_5, %and3A_6 : vector<16xi32>
    %iota3A_8 = tpu.iota {dimensions = array<i32: 0>} : vector<16xi32>
    %lt3A = arith.constant 8 : i32
    %lt3A_9 = vector.broadcast %lt3A : i32 to vector<16xi32>
    %lt3A_10 = arith.cmpi slt, %iota3A_8, %lt3A_9 : vector<16xi32>
    %scan3A = arith.constant 0 : i32
    %scan3A_11 = arith.constant 0 : i32
    %scan3A_12 = arith.constant 81 : i32
    %scan3A_13 = arith.addi %scan3A_11, %scan3A_12 : i32
    %scan3A_14 = arith.constant 1 : i32
    %scan3A_15 = scf.for %scan3A_18 = %scan3A_11 to %scan3A_13 step %scan3A_14 iter_args(%scan3A_19 = %scan3A) -> (i32)  : i32 {
      %mul3A_20 = arith.constant 10368 : i32
      %mul3A_21 = arith.muli %add3A, %mul3A_20 : i32
      %mul3A_22 = arith.constant 128 : i32
      %mul3A_23 = arith.muli %scan3A_18, %mul3A_22 : i32
      %add3A_24 = arith.addi %mul3A_21, %mul3A_23 : i32
      "tpu.region"() ({
        %run_scoped3A = tpu.sem_alloc : memref<!tpu.dma_semaphore, #tpu.memory_space<semaphore_mem>>
        %dma_start3A_56 = tpu.memref_slice %arg4[%add3A_24] : memref<331776xi32, #tpu.memory_space<hbm>> -> memref<128xi32, #tpu.memory_space<hbm>>
        %dma_start3A_57 = tpu.memref_slice %arg4[%add3A_24] : memref<331776xi32, #tpu.memory_space<hbm>> -> memref<128xi32, #tpu.memory_space<hbm>>
        tpu.enqueue_dma source(%dma_start3A_57 : memref<128xi32, #tpu.memory_space<hbm>>) target(%arg12 : memref<128xi32, #tpu.memory_space<vmem>>) target_semaphore(%run_scoped3A : memref<!tpu.dma_semaphore, #tpu.memory_space<semaphore_mem>>)
        %dma_wait3A_58 = tpu.memref_slice %arg4[%add3A_24] : memref<331776xi32, #tpu.memory_space<hbm>> -> memref<128xi32, #tpu.memory_space<hbm>>
        %dma_wait3A_59 = tpu.memref_slice %arg4[%add3A_24] : memref<331776xi32, #tpu.memory_space<hbm>> -> memref<128xi32, #tpu.memory_space<hbm>>
        tpu.wait_dma2 semaphore(%run_scoped3A : memref<!tpu.dma_semaphore, #tpu.memory_space<semaphore_mem>>) src(%dma_wait3A_59 : memref<128xi32, #tpu.memory_space<hbm>>) dst(%arg12 : memref<128xi32, #tpu.memory_space<vmem>>)
        tpu.yield
      }) : () -> ()
      "tpu.region"() ({
        %run_scoped3A = tpu.sem_alloc : memref<!tpu.dma_semaphore, #tpu.memory_space<semaphore_mem>>
        %dma_start3A_56 = tpu.memref_slice %arg5[%add3A_24] : memref<331776xi32, #tpu.memory_space<hbm>> -> memref<128xi32, #tpu.memory_space<hbm>>
        %dma_start3A_57 = tpu.memref_slice %arg5[%add3A_24] : memref<331776xi32, #tpu.memory_space<hbm>> -> memref<128xi32, #tpu.memory_space<hbm>>
        tpu.enqueue_dma source(%dma_start3A_57 : memref<128xi32, #tpu.memory_space<hbm>>) target(%arg13 : memref<128xi32, #tpu.memory_space<vmem>>) target_semaphore(%run_scoped3A : memref<!tpu.dma_semaphore, #tpu.memory_space<semaphore_mem>>)
        %dma_wait3A_58 = tpu.memref_slice %arg5[%add3A_24] : memref<331776xi32, #tpu.memory_space<hbm>> -> memref<128xi32, #tpu.memory_space<hbm>>
        %dma_wait3A_59 = tpu.memref_slice %arg5[%add3A_24] : memref<331776xi32, #tpu.memory_space<hbm>> -> memref<128xi32, #tpu.memory_space<hbm>>
        tpu.wait_dma2 semaphore(%run_scoped3A : memref<!tpu.dma_semaphore, #tpu.memory_space<semaphore_mem>>) src(%dma_wait3A_59 : memref<128xi32, #tpu.memory_space<hbm>>) dst(%arg13 : memref<128xi32, #tpu.memory_space<vmem>>)
        tpu.yield
      }) : () -> ()
      %dma_start3A = arith.constant 0 : i32
      %dma_start3A_25 = arith.constant 0 : i32
      %dma_start3A_26 = tpu.memref_slice %arg3[%dma_start3A, %dma_start3A_25] : memref<10240x16xf32, #tpu.memory_space<hbm>> -> memref<10240x16xf32, #tpu.memory_space<hbm>>
      tpu.enqueue_indirect_dma source(%dma_start3A_26 : memref<10240x16xf32, #tpu.memory_space<hbm>>) target(%arg14 : memref<128x16xf32, #tpu.memory_space<vmem>>) offsets(%arg12 : memref<128xi32, #tpu.memory_space<vmem>>) semaphore(%arg18 : memref<!tpu.dma_semaphore, #tpu.memory_space<semaphore_mem>>)
      %dma_start3A_27 = arith.constant 0 : i32
      %dma_start3A_28 = arith.constant 0 : i32
      %dma_start3A_29 = tpu.memref_slice %arg3[%dma_start3A_27, %dma_start3A_28] : memref<10240x16xf32, #tpu.memory_space<hbm>> -> memref<10240x16xf32, #tpu.memory_space<hbm>>
      tpu.enqueue_indirect_dma source(%dma_start3A_29 : memref<10240x16xf32, #tpu.memory_space<hbm>>) target(%arg15 : memref<128x16xf32, #tpu.memory_space<vmem>>) offsets(%arg13 : memref<128xi32, #tpu.memory_space<vmem>>) semaphore(%arg19 : memref<!tpu.dma_semaphore, #tpu.memory_space<semaphore_mem>>)
      %dma_start3A_30 = arith.constant 0 : i32
      %dma_start3A_31 = arith.constant 0 : i32
      %dma_start3A_32 = tpu.memref_slice %arg2[%dma_start3A_30, %dma_start3A_31] : memref<10240x128xf32, #tpu.memory_space<hbm>> -> memref<10240x128xf32, #tpu.memory_space<hbm>>
      tpu.enqueue_indirect_dma source(%dma_start3A_32 : memref<10240x128xf32, #tpu.memory_space<hbm>>) target(%arg17 : memref<128x128xf32, #tpu.memory_space<vmem>>) offsets(%arg12 : memref<128xi32, #tpu.memory_space<vmem>>) semaphore(%arg20 : memref<!tpu.dma_semaphore, #tpu.memory_space<semaphore_mem>>)
      %dma_wait3A = arith.constant 0 : i32
      %dma_wait3A_33 = arith.constant 0 : i32
      %dma_wait3A_34 = tpu.memref_slice %arg3[%dma_wait3A, %dma_wait3A_33] : memref<10240x16xf32, #tpu.memory_space<hbm>> -> memref<10240x16xf32, #tpu.memory_space<hbm>>
      tpu.wait_indirect_dma semaphore(%arg18 : memref<!tpu.dma_semaphore, #tpu.memory_space<semaphore_mem>>) src(%dma_wait3A_34 : memref<10240x16xf32, #tpu.memory_space<hbm>>) dst(%arg14 : memref<128x16xf32, #tpu.memory_space<vmem>>)
      %dma_wait3A_35 = arith.constant 0 : i32
      %dma_wait3A_36 = arith.constant 0 : i32
      %dma_wait3A_37 = tpu.memref_slice %arg3[%dma_wait3A_35, %dma_wait3A_36] : memref<10240x16xf32, #tpu.memory_space<hbm>> -> memref<10240x16xf32, #tpu.memory_space<hbm>>
      tpu.wait_indirect_dma semaphore(%arg19 : memref<!tpu.dma_semaphore, #tpu.memory_space<semaphore_mem>>) src(%dma_wait3A_37 : memref<10240x16xf32, #tpu.memory_space<hbm>>) dst(%arg15 : memref<128x16xf32, #tpu.memory_space<vmem>>)
      %scan3A_38 = arith.constant 0 : i32
      %scan3A_39 = arith.constant 0 : i32
      %scan3A_40 = arith.constant 128 : i32
      %scan3A_41 = arith.addi %scan3A_39, %scan3A_40 : i32
      %scan3A_42 = arith.constant 1 : i32
      %scan3A_43 = scf.for %scan3A_56 = %scan3A_39 to %scan3A_41 step %scan3A_42 iter_args(%scan3A_57 = %scan3A_38) -> (i32)  : i32 {
        %get3A = arith.index_cast %scan3A_56 : i32 to index
        %get3A_58 = arith.constant 0 : index
        %get3A_59 = tpu.vector_load %arg14[%get3A, %get3A_58] {strides = array<i32>} : memref<128x16xf32, #tpu.memory_space<vmem>>, vector<1x16xf32>,
        %get3A_60 = vector.shape_cast %get3A_59 : vector<1x16xf32> to vector<16xf32>
        %get3A_61 = arith.index_cast %scan3A_56 : i32 to index
        %get3A_62 = arith.constant 0 : index
        %get3A_63 = tpu.vector_load %arg15[%get3A_61, %get3A_62] {strides = array<i32>} : memref<128x16xf32, #tpu.memory_space<vmem>>, vector<1x16xf32>,
        %get3A_64 = vector.shape_cast %get3A_63 : vector<1x16xf32> to vector<16xf32>
        %broadcast_in_dim3A = vector.shape_cast %and3A_7 : vector<16xi32> to vector<16x1xi32>
        %gather3A = vector.shape_cast %broadcast_in_dim3A : vector<16x1xi32> to vector<16xi32>
        %gather3A_65 = tpu.dynamic_gather %get3A_64[%gather3A] in [0] : vector<16xf32>, vector<16xi32> -> vector<16xf32>
        %add3A_66 = arith.addf %get3A_60, %gather3A_65 : vector<16xf32>
        %mul3A_67 = arith.constant 2.000000e-01 : f32
        %mul3A_68 = vector.broadcast %mul3A_67 : f32 to vector<16xf32>
        %mul3A_69 = arith.mulf %mul3A_68, %add3A_66 : vector<16xf32>
        %max3A = arith.maximumf %add3A_66, %mul3A_69 : vector<16xf32>
        %exp3A = math.exp %max3A : vector<16xf32>
        %jit3A = arith.constant 0.000000e+00 : f32
        %broadcast_in_dim3A_70 = vector.broadcast %jit3A : f32 to vector<16xf32>
        %select_n3A = arith.select %lt3A_10, %exp3A, %broadcast_in_dim3A_70 : vector<16xi1>, vector<16xf32>
        %swap3A = arith.index_cast %scan3A_56 : i32 to index
        %swap3A_71 = arith.constant 0 : index
        %swap3A_72 = tpu.vector_load %arg16[%swap3A, %swap3A_71] {strides = array<i32>} : memref<128x16xf32, #tpu.memory_space<vmem>>, vector<1x16xf32>,
        %swap3A_73 = vector.shape_cast %swap3A_72 : vector<1x16xf32> to vector<16xf32>
        %swap3A_74 = vector.shape_cast %select_n3A : vector<16xf32> to vector<1x16xf32>
        tpu.vector_store %arg16[%swap3A, %swap3A_71], %swap3A_74 {strides = array<i32>} : memref<128x16xf32, #tpu.memory_space<vmem>>, vector<1x16xf32>,
        %scan3A_75 = arith.constant 0 : i32
        scf.yield %scan3A_75 : i32
      }
      %scan3A_44 = arith.constant 128 : i32
      %dma_wait3A_45 = arith.constant 0 : i32
      %dma_wait3A_46 = arith.constant 0 : i32
      %dma_wait3A_47 = tpu.memref_slice %arg2[%dma_wait3A_45, %dma_wait3A_46] : memref<10240x128xf32, #tpu.memory_space<hbm>> -> memref<10240x128xf32, #tpu.memory_space<hbm>>
      tpu.wait_indirect_dma semaphore(%arg20 : memref<!tpu.dma_semaphore, #tpu.memory_space<semaphore_mem>>) src(%dma_wait3A_47 : memref<10240x128xf32, #tpu.memory_space<hbm>>) dst(%arg17 : memref<128x128xf32, #tpu.memory_space<vmem>>)
      %scan3A_48 = arith.constant 0 : i32
      %scan3A_49 = arith.constant 0 : i32
      %scan3A_50 = arith.constant 128 : i32
      %scan3A_51 = arith.addi %scan3A_49, %scan3A_50 : i32
      %scan3A_52 = arith.constant 1 : i32
      %scan3A_53 = scf.for %scan3A_56 = %scan3A_49 to %scan3A_51 step %scan3A_52 iter_args(%scan3A_57 = %scan3A_48) -> (i32)  : i32 {
        %get3A = arith.index_cast %scan3A_56 : i32 to index
        %get3A_58 = arith.constant 0 : index
        %get3A_59 = tpu.vector_load %arg16[%get3A, %get3A_58] {strides = array<i32>} : memref<128x16xf32, #tpu.memory_space<vmem>>, vector<1x16xf32>,
        %get3A_60 = vector.shape_cast %get3A_59 : vector<1x16xf32> to vector<16xf32>
        %broadcast_in_dim3A = arith.constant 0 : i32
        %broadcast_in_dim3A_61 = vector.broadcast %broadcast_in_dim3A : i32 to vector<16xi32>
        %broadcast_in_dim3A_62 = vector.shape_cast %broadcast_in_dim3A_61 : vector<16xi32> to vector<16x1xi32>
        %gather3A = vector.shape_cast %broadcast_in_dim3A_62 : vector<16x1xi32> to vector<16xi32>
        %gather3A_63 = tpu.dynamic_gather %get3A_60[%gather3A] in [0] : vector<16xf32>, vector<16xi32> -> vector<16xf32>
        %get3A_64 = arith.index_cast %scan3A_56 : i32 to index
        %get3A_65 = arith.constant 0 : index
        %get3A_66 = tpu.vector_load %arg17[%get3A_64, %get3A_65] {strides = array<i32>} : memref<128x128xf32, #tpu.memory_space<vmem>>, vector<1x16xf32>,
        %get3A_67 = vector.shape_cast %get3A_66 : vector<1x16xf32> to vector<16xf32>
        %mul3A_68 = arith.mulf %get3A_67, %gather3A_63 : vector<16xf32>
        %swap3A = arith.index_cast %scan3A_56 : i32 to index
        %swap3A_69 = arith.constant 0 : index
        %swap3A_70 = tpu.vector_load %arg17[%swap3A, %swap3A_69] {strides = array<i32>} : memref<128x128xf32, #tpu.memory_space<vmem>>, vector<1x16xf32>,
        %swap3A_71 = vector.shape_cast %swap3A_70 : vector<1x16xf32> to vector<16xf32>
        %swap3A_72 = vector.shape_cast %mul3A_68 : vector<16xf32> to vector<1x16xf32>
        tpu.vector_store %arg17[%swap3A, %swap3A_69], %swap3A_72 {strides = array<i32>} : memref<128x128xf32, #tpu.memory_space<vmem>>, vector<1x16xf32>,
        %broadcast_in_dim3A_73 = arith.constant 1 : i32
        %broadcast_in_dim3A_74 = vector.broadcast %broadcast_in_dim3A_73 : i32 to vector<16xi32>
        %broadcast_in_dim3A_75 = vector.shape_cast %broadcast_in_dim3A_74 : vector<16xi32> to vector<16x1xi32>
        %gather3A_76 = vector.shape_cast %broadcast_in_dim3A_75 : vector<16x1xi32> to vector<16xi32>
        %gather3A_77 = tpu.dynamic_gather %get3A_60[%gather3A_76] in [0] : vector<16xf32>, vector<16xi32> -> vector<16xf32>
        %get3A_78 = arith.index_cast %scan3A_56 : i32 to index
        %get3A_79 = arith.constant 16 : index
        %get3A_80 = tpu.vector_load %arg17[%get3A_78, %get3A_79] {strides = array<i32>} : memref<128x128xf32, #tpu.memory_space<vmem>>, vector<1x16xf32>,
        %get3A_81 = vector.shape_cast %get3A_80 : vector<1x16xf32> to vector<16xf32>
        %mul3A_82 = arith.mulf %get3A_81, %gather3A_77 : vector<16xf32>
        %swap3A_83 = arith.index_cast %scan3A_56 : i32 to index
        %swap3A_84 = arith.constant 16 : index
        %swap3A_85 = tpu.vector_load %arg17[%swap3A_83, %swap3A_84] {strides = array<i32>} : memref<128x128xf32, #tpu.memory_space<vmem>>, vector<1x16xf32>,
        %swap3A_86 = vector.shape_cast %swap3A_85 : vector<1x16xf32> to vector<16xf32>
        %swap3A_87 = vector.shape_cast %mul3A_82 : vector<16xf32> to vector<1x16xf32>
        tpu.vector_store %arg17[%swap3A_83, %swap3A_84], %swap3A_87 {strides = array<i32>} : memref<128x128xf32, #tpu.memory_space<vmem>>, vector<1x16xf32>,
        %broadcast_in_dim3A_88 = arith.constant 2 : i32
        %broadcast_in_dim3A_89 = vector.broadcast %broadcast_in_dim3A_88 : i32 to vector<16xi32>
        %broadcast_in_dim3A_90 = vector.shape_cast %broadcast_in_dim3A_89 : vector<16xi32> to vector<16x1xi32>
        %gather3A_91 = vector.shape_cast %broadcast_in_dim3A_90 : vector<16x1xi32> to vector<16xi32>
        %gather3A_92 = tpu.dynamic_gather %get3A_60[%gather3A_91] in [0] : vector<16xf32>, vector<16xi32> -> vector<16xf32>
        %get3A_93 = arith.index_cast %scan3A_56 : i32 to index
        %get3A_94 = arith.constant 32 : index
        %get3A_95 = tpu.vector_load %arg17[%get3A_93, %get3A_94] {strides = array<i32>} : memref<128x128xf32, #tpu.memory_space<vmem>>, vector<1x16xf32>,
        %get3A_96 = vector.shape_cast %get3A_95 : vector<1x16xf32> to vector<16xf32>
        %mul3A_97 = arith.mulf %get3A_96, %gather3A_92 : vector<16xf32>
        %swap3A_98 = arith.index_cast %scan3A_56 : i32 to index
        %swap3A_99 = arith.constant 32 : index
        %swap3A_100 = tpu.vector_load %arg17[%swap3A_98, %swap3A_99] {strides = array<i32>} : memref<128x128xf32, #tpu.memory_space<vmem>>, vector<1x16xf32>,
        %swap3A_101 = vector.shape_cast %swap3A_100 : vector<1x16xf32> to vector<16xf32>
        %swap3A_102 = vector.shape_cast %mul3A_97 : vector<16xf32> to vector<1x16xf32>
        tpu.vector_store %arg17[%swap3A_98, %swap3A_99], %swap3A_102 {strides = array<i32>} : memref<128x128xf32, #tpu.memory_space<vmem>>, vector<1x16xf32>,
        %broadcast_in_dim3A_103 = arith.constant 3 : i32
        %broadcast_in_dim3A_104 = vector.broadcast %broadcast_in_dim3A_103 : i32 to vector<16xi32>
        %broadcast_in_dim3A_105 = vector.shape_cast %broadcast_in_dim3A_104 : vector<16xi32> to vector<16x1xi32>
        %gather3A_106 = vector.shape_cast %broadcast_in_dim3A_105 : vector<16x1xi32> to vector<16xi32>
        %gather3A_107 = tpu.dynamic_gather %get3A_60[%gather3A_106] in [0] : vector<16xf32>, vector<16xi32> -> vector<16xf32>
        %get3A_108 = arith.index_cast %scan3A_56 : i32 to index
        %get3A_109 = arith.constant 48 : index
        %get3A_110 = tpu.vector_load %arg17[%get3A_108, %get3A_109] {strides = array<i32>} : memref<128x128xf32, #tpu.memory_space<vmem>>, vector<1x16xf32>,
        %get3A_111 = vector.shape_cast %get3A_110 : vector<1x16xf32> to vector<16xf32>
        %mul3A_112 = arith.mulf %get3A_111, %gather3A_107 : vector<16xf32>
        %swap3A_113 = arith.index_cast %scan3A_56 : i32 to index
        %swap3A_114 = arith.constant 48 : index
        %swap3A_115 = tpu.vector_load %arg17[%swap3A_113, %swap3A_114] {strides = array<i32>} : memref<128x128xf32, #tpu.memory_space<vmem>>, vector<1x16xf32>,
        %swap3A_116 = vector.shape_cast %swap3A_115 : vector<1x16xf32> to vector<16xf32>
        %swap3A_117 = vector.shape_cast %mul3A_112 : vector<16xf32> to vector<1x16xf32>
        tpu.vector_store %arg17[%swap3A_113, %swap3A_114], %swap3A_117 {strides = array<i32>} : memref<128x128xf32, #tpu.memory_space<vmem>>, vector<1x16xf32>,
        %broadcast_in_dim3A_118 = arith.constant 4 : i32
        %broadcast_in_dim3A_119 = vector.broadcast %broadcast_in_dim3A_118 : i32 to vector<16xi32>
        %broadcast_in_dim3A_120 = vector.shape_cast %broadcast_in_dim3A_119 : vector<16xi32> to vector<16x1xi32>
        %gather3A_121 = vector.shape_cast %broadcast_in_dim3A_120 : vector<16x1xi32> to vector<16xi32>
        %gather3A_122 = tpu.dynamic_gather %get3A_60[%gather3A_121] in [0] : vector<16xf32>, vector<16xi32> -> vector<16xf32>
        %get3A_123 = arith.index_cast %scan3A_56 : i32 to index
        %get3A_124 = arith.constant 64 : index
        %get3A_125 = tpu.vector_load %arg17[%get3A_123, %get3A_124] {strides = array<i32>} : memref<128x128xf32, #tpu.memory_space<vmem>>, vector<1x16xf32>,
        %get3A_126 = vector.shape_cast %get3A_125 : vector<1x16xf32> to vector<16xf32>
        %mul3A_127 = arith.mulf %get3A_126, %gather3A_122 : vector<16xf32>
        %swap3A_128 = arith.index_cast %scan3A_56 : i32 to index
        %swap3A_129 = arith.constant 64 : index
        %swap3A_130 = tpu.vector_load %arg17[%swap3A_128, %swap3A_129] {strides = array<i32>} : memref<128x128xf32, #tpu.memory_space<vmem>>, vector<1x16xf32>,
        %swap3A_131 = vector.shape_cast %swap3A_130 : vector<1x16xf32> to vector<16xf32>
        %swap3A_132 = vector.shape_cast %mul3A_127 : vector<16xf32> to vector<1x16xf32>
        tpu.vector_store %arg17[%swap3A_128, %swap3A_129], %swap3A_132 {strides = array<i32>} : memref<128x128xf32, #tpu.memory_space<vmem>>, vector<1x16xf32>,
        %broadcast_in_dim3A_133 = arith.constant 5 : i32
        %broadcast_in_dim3A_134 = vector.broadcast %broadcast_in_dim3A_133 : i32 to vector<16xi32>
        %broadcast_in_dim3A_135 = vector.shape_cast %broadcast_in_dim3A_134 : vector<16xi32> to vector<16x1xi32>
        %gather3A_136 = vector.shape_cast %broadcast_in_dim3A_135 : vector<16x1xi32> to vector<16xi32>
        %gather3A_137 = tpu.dynamic_gather %get3A_60[%gather3A_136] in [0] : vector<16xf32>, vector<16xi32> -> vector<16xf32>
        %get3A_138 = arith.index_cast %scan3A_56 : i32 to index
        %get3A_139 = arith.constant 80 : index
        %get3A_140 = tpu.vector_load %arg17[%get3A_138, %get3A_139] {strides = array<i32>} : memref<128x128xf32, #tpu.memory_space<vmem>>, vector<1x16xf32>,
        %get3A_141 = vector.shape_cast %get3A_140 : vector<1x16xf32> to vector<16xf32>
        %mul3A_142 = arith.mulf %get3A_141, %gather3A_137 : vector<16xf32>
        %swap3A_143 = arith.index_cast %scan3A_56 : i32 to index
        %swap3A_144 = arith.constant 80 : index
        %swap3A_145 = tpu.vector_load %arg17[%swap3A_143, %swap3A_144] {strides = array<i32>} : memref<128x128xf32, #tpu.memory_space<vmem>>, vector<1x16xf32>,
        %swap3A_146 = vector.shape_cast %swap3A_145 : vector<1x16xf32> to vector<16xf32>
        %swap3A_147 = vector.shape_cast %mul3A_142 : vector<16xf32> to vector<1x16xf32>
        tpu.vector_store %arg17[%swap3A_143, %swap3A_144], %swap3A_147 {strides = array<i32>} : memref<128x128xf32, #tpu.memory_space<vmem>>, vector<1x16xf32>,
        %broadcast_in_dim3A_148 = arith.constant 6 : i32
        %broadcast_in_dim3A_149 = vector.broadcast %broadcast_in_dim3A_148 : i32 to vector<16xi32>
        %broadcast_in_dim3A_150 = vector.shape_cast %broadcast_in_dim3A_149 : vector<16xi32> to vector<16x1xi32>
        %gather3A_151 = vector.shape_cast %broadcast_in_dim3A_150 : vector<16x1xi32> to vector<16xi32>
        %gather3A_152 = tpu.dynamic_gather %get3A_60[%gather3A_151] in [0] : vector<16xf32>, vector<16xi32> -> vector<16xf32>
        %get3A_153 = arith.index_cast %scan3A_56 : i32 to index
        %get3A_154 = arith.constant 96 : index
        %get3A_155 = tpu.vector_load %arg17[%get3A_153, %get3A_154] {strides = array<i32>} : memref<128x128xf32, #tpu.memory_space<vmem>>, vector<1x16xf32>,
        %get3A_156 = vector.shape_cast %get3A_155 : vector<1x16xf32> to vector<16xf32>
        %mul3A_157 = arith.mulf %get3A_156, %gather3A_152 : vector<16xf32>
        %swap3A_158 = arith.index_cast %scan3A_56 : i32 to index
        %swap3A_159 = arith.constant 96 : index
        %swap3A_160 = tpu.vector_load %arg17[%swap3A_158, %swap3A_159] {strides = array<i32>} : memref<128x128xf32, #tpu.memory_space<vmem>>, vector<1x16xf32>,
        %swap3A_161 = vector.shape_cast %swap3A_160 : vector<1x16xf32> to vector<16xf32>
        %swap3A_162 = vector.shape_cast %mul3A_157 : vector<16xf32> to vector<1x16xf32>
        tpu.vector_store %arg17[%swap3A_158, %swap3A_159], %swap3A_162 {strides = array<i32>} : memref<128x128xf32, #tpu.memory_space<vmem>>, vector<1x16xf32>,
        %broadcast_in_dim3A_163 = arith.constant 7 : i32
        %broadcast_in_dim3A_164 = vector.broadcast %broadcast_in_dim3A_163 : i32 to vector<16xi32>
        %broadcast_in_dim3A_165 = vector.shape_cast %broadcast_in_dim3A_164 : vector<16xi32> to vector<16x1xi32>
        %gather3A_166 = vector.shape_cast %broadcast_in_dim3A_165 : vector<16x1xi32> to vector<16xi32>
        %gather3A_167 = tpu.dynamic_gather %get3A_60[%gather3A_166] in [0] : vector<16xf32>, vector<16xi32> -> vector<16xf32>
        %get3A_168 = arith.index_cast %scan3A_56 : i32 to index
        %get3A_169 = arith.constant 112 : index
        %get3A_170 = tpu.vector_load %arg17[%get3A_168, %get3A_169] {strides = array<i32>} : memref<128x128xf32, #tpu.memory_space<vmem>>, vector<1x16xf32>,
        %get3A_171 = vector.shape_cast %get3A_170 : vector<1x16xf32> to vector<16xf32>
        %mul3A_172 = arith.mulf %get3A_171, %gather3A_167 : vector<16xf32>
        %swap3A_173 = arith.index_cast %scan3A_56 : i32 to index
        %swap3A_174 = arith.constant 112 : index
        %swap3A_175 = tpu.vector_load %arg17[%swap3A_173, %swap3A_174] {strides = array<i32>} : memref<128x128xf32, #tpu.memory_space<vmem>>, vector<1x16xf32>,
        %swap3A_176 = vector.shape_cast %swap3A_175 : vector<1x16xf32> to vector<16xf32>
        %swap3A_177 = vector.shape_cast %mul3A_172 : vector<16xf32> to vector<1x16xf32>
        tpu.vector_store %arg17[%swap3A_173, %swap3A_174], %swap3A_177 {strides = array<i32>} : memref<128x128xf32, #tpu.memory_space<vmem>>, vector<1x16xf32>,
        %scan3A_178 = arith.constant 0 : i32
        scf.yield %scan3A_178 : i32
      }
      %scan3A_54 = arith.constant 128 : i32
      "tpu.region"() ({
        %run_scoped3A = tpu.sem_alloc : memref<!tpu.dma_semaphore, #tpu.memory_space<semaphore_mem>>
        %dma_start3A_56 = arith.constant 0 : i32
        %dma_start3A_57 = arith.constant 0 : i32
        %dma_start3A_58 = tpu.memref_slice %arg11[%dma_start3A_56, %dma_start3A_57] : memref<10240x16xf32, #tpu.memory_space<vmem_shared>> -> memref<10240x16xf32, #tpu.memory_space<vmem_shared>>
        tpu.enqueue_indirect_dma source(%arg16 : memref<128x16xf32, #tpu.memory_space<vmem>>) target(%dma_start3A_58 : memref<10240x16xf32, #tpu.memory_space<vmem_shared>>) offsets(%arg13 : memref<128xi32, #tpu.memory_space<vmem>>) semaphore(%run_scoped3A : memref<!tpu.dma_semaphore, #tpu.memory_space<semaphore_mem>>) {add = true}
        %dma_wait3A_59 = arith.constant 0 : i32
        %dma_wait3A_60 = arith.constant 0 : i32
        %dma_wait3A_61 = tpu.memref_slice %arg11[%dma_wait3A_59, %dma_wait3A_60] : memref<10240x16xf32, #tpu.memory_space<vmem_shared>> -> memref<10240x16xf32, #tpu.memory_space<vmem_shared>>
        tpu.wait_indirect_dma semaphore(%run_scoped3A : memref<!tpu.dma_semaphore, #tpu.memory_space<semaphore_mem>>) src(%arg16 : memref<128x16xf32, #tpu.memory_space<vmem>>) dst(%dma_wait3A_61 : memref<10240x16xf32, #tpu.memory_space<vmem_shared>>)
        tpu.yield
      }) : () -> ()
      "tpu.region"() ({
        %run_scoped3A = tpu.sem_alloc : memref<!tpu.dma_semaphore, #tpu.memory_space<semaphore_mem>>
        %dma_start3A_56 = arith.constant 0 : i32
        %dma_start3A_57 = arith.constant 0 : i32
        %dma_start3A_58 = tpu.memref_slice %arg10[%dma_start3A_56, %dma_start3A_57] : memref<10240x128xf32, #tpu.memory_space<vmem_shared>> -> memref<10240x128xf32, #tpu.memory_space<vmem_shared>>
        tpu.enqueue_indirect_dma source(%arg17 : memref<128x128xf32, #tpu.memory_space<vmem>>) target(%dma_start3A_58 : memref<10240x128xf32, #tpu.memory_space<vmem_shared>>) offsets(%arg13 : memref<128xi32, #tpu.memory_space<vmem>>) semaphore(%run_scoped3A : memref<!tpu.dma_semaphore, #tpu.memory_space<semaphore_mem>>) {add = true}
        %dma_wait3A_59 = arith.constant 0 : i32
        %dma_wait3A_60 = arith.constant 0 : i32
        %dma_wait3A_61 = tpu.memref_slice %arg10[%dma_wait3A_59, %dma_wait3A_60] : memref<10240x128xf32, #tpu.memory_space<vmem_shared>> -> memref<10240x128xf32, #tpu.memory_space<vmem_shared>>
        tpu.wait_indirect_dma semaphore(%run_scoped3A : memref<!tpu.dma_semaphore, #tpu.memory_space<semaphore_mem>>) src(%arg17 : memref<128x128xf32, #tpu.memory_space<vmem>>) dst(%dma_wait3A_61 : memref<10240x128xf32, #tpu.memory_space<vmem_shared>>)
        tpu.yield
      }) : () -> ()
      %scan3A_55 = arith.constant 0 : i32
      scf.yield %scan3A_55 : i32
    }
    %scan3A_16 = arith.constant 81 : i32
    %barrier3A_17 = arith.constant 0 : index
    tpu.barrier barrier_id(%barrier3A_17)
    "tpu.region"() ({
      %run_scoped3A = tpu.sem_alloc : memref<!tpu.dma_semaphore, #tpu.memory_space<semaphore_mem>>
      %dma_start3A = arith.constant 0 : i32
      %dma_start3A_18 = tpu.memref_slice %arg8[%arg0, %mul3A_2, %dma_start3A] : memref<2x10240x128xf32, #tpu.memory_space<hbm>> -> memref<1x640x128xf32, #tpu.memory_space<hbm>>
      %dma_start3A_19 = tpu.memref_squeeze %dma_start3A_18 : memref<1x640x128xf32, #tpu.memory_space<hbm>> -> memref<640x128xf32, #tpu.memory_space<hbm>>
      %dma_start3A_20 = arith.constant 0 : i32
      %dma_start3A_21 = tpu.memref_slice %arg10[%mul3A_2, %dma_start3A_20] : memref<10240x128xf32, #tpu.memory_space<vmem_shared>> -> memref<640x128xf32, #tpu.memory_space<vmem_shared>>
      tpu.enqueue_dma source(%dma_start3A_21 : memref<640x128xf32, #tpu.memory_space<vmem_shared>>) target(%dma_start3A_19 : memref<640x128xf32, #tpu.memory_space<hbm>>) target_semaphore(%run_scoped3A : memref<!tpu.dma_semaphore, #tpu.memory_space<semaphore_mem>>)
      %dma_wait3A = arith.constant 0 : i32
      %dma_wait3A_22 = tpu.memref_slice %arg8[%arg0, %mul3A_2, %dma_wait3A] : memref<2x10240x128xf32, #tpu.memory_space<hbm>> -> memref<1x640x128xf32, #tpu.memory_space<hbm>>
      %dma_wait3A_23 = tpu.memref_squeeze %dma_wait3A_22 : memref<1x640x128xf32, #tpu.memory_space<hbm>> -> memref<640x128xf32, #tpu.memory_space<hbm>>
      %dma_wait3A_24 = arith.constant 0 : i32
      %dma_wait3A_25 = tpu.memref_slice %arg10[%mul3A_2, %dma_wait3A_24] : memref<10240x128xf32, #tpu.memory_space<vmem_shared>> -> memref<640x128xf32, #tpu.memory_space<vmem_shared>>
      tpu.wait_dma2 semaphore(%run_scoped3A : memref<!tpu.dma_semaphore, #tpu.memory_space<semaphore_mem>>) src(%dma_wait3A_25 : memref<640x128xf32, #tpu.memory_space<vmem_shared>>) dst(%dma_wait3A_23 : memref<640x128xf32, #tpu.memory_space<hbm>>)
      tpu.yield
    }) : () -> ()
    "tpu.region"() ({
      %run_scoped3A = tpu.sem_alloc : memref<!tpu.dma_semaphore, #tpu.memory_space<semaphore_mem>>
      %dma_start3A = arith.constant 0 : i32
      %dma_start3A_18 = tpu.memref_slice %arg9[%arg0, %mul3A_2, %dma_start3A] : memref<2x10240x16xf32, #tpu.memory_space<hbm>> -> memref<1x640x16xf32, #tpu.memory_space<hbm>>
      %dma_start3A_19 = tpu.memref_squeeze %dma_start3A_18 : memref<1x640x16xf32, #tpu.memory_space<hbm>> -> memref<640x16xf32, #tpu.memory_space<hbm>>
      %dma_start3A_20 = arith.constant 0 : i32
      %dma_start3A_21 = tpu.memref_slice %arg11[%mul3A_2, %dma_start3A_20] : memref<10240x16xf32, #tpu.memory_space<vmem_shared>> -> memref<640x16xf32, #tpu.memory_space<vmem_shared>>
      tpu.enqueue_dma source(%dma_start3A_21 : memref<640x16xf32, #tpu.memory_space<vmem_shared>>) target(%dma_start3A_19 : memref<640x16xf32, #tpu.memory_space<hbm>>) target_semaphore(%run_scoped3A : memref<!tpu.dma_semaphore, #tpu.memory_space<semaphore_mem>>)
      %dma_wait3A = arith.constant 0 : i32
      %dma_wait3A_22 = tpu.memref_slice %arg9[%arg0, %mul3A_2, %dma_wait3A] : memref<2x10240x16xf32, #tpu.memory_space<hbm>> -> memref<1x640x16xf32, #tpu.memory_space<hbm>>
      %dma_wait3A_23 = tpu.memref_squeeze %dma_wait3A_22 : memref<1x640x16xf32, #tpu.memory_space<hbm>> -> memref<640x16xf32, #tpu.memory_space<hbm>>
      %dma_wait3A_24 = arith.constant 0 : i32
      %dma_wait3A_25 = tpu.memref_slice %arg11[%mul3A_2, %dma_wait3A_24] : memref<10240x16xf32, #tpu.memory_space<vmem_shared>> -> memref<640x16xf32, #tpu.memory_space<vmem_shared>>
      tpu.wait_dma2 semaphore(%run_scoped3A : memref<!tpu.dma_semaphore, #tpu.memory_space<semaphore_mem>>) src(%dma_wait3A_25 : memref<640x16xf32, #tpu.memory_space<vmem_shared>>) dst(%dma_wait3A_23 : memref<640x16xf32, #tpu.memory_space<hbm>>)
      tpu.yield
    }) : () -> ()
    return
  }
}

#map = affine_map<(d0, d1) -> (0, 0)>
#map1 = affine_map<(d0, d1) -> (0)>
#map2 = affine_map<(d0, d1) -> (0, 0, 0)>
module attributes {stable_mosaic.version = 14 : i64} {
  func.func @body(%arg0: i32, %arg1: i32, %arg2: memref<10240x128xf32, #tpu.memory_space<hbm>>, %arg3: memref<10240x16xf32, #tpu.memory_space<hbm>>, %arg4: memref<331776xi32, #tpu.memory_space<hbm>>, %arg5: memref<331776xi32, #tpu.memory_space<hbm>>, %arg6: memref<10240x128xf32, #tpu.memory_space<hbm>>, %arg7: memref<10240x16xf32, #tpu.memory_space<hbm>>, %arg8: memref<2x10240x128xf32, #tpu.memory_space<hbm>>, %arg9: memref<2x10240x16xf32, #tpu.memory_space<hbm>>, %arg10: memref<10240x128xf32, #tpu.memory_space<vmem_shared>>, %arg11: memref<10240x16xf32, #tpu.memory_space<vmem_shared>>, %arg12: memref<128xi32, #tpu.memory_space<vmem>>, %arg13: memref<128xi32, #tpu.memory_space<vmem>>, %arg14: memref<128x16xf32, #tpu.memory_space<vmem>>, %arg15: memref<128x16xf32, #tpu.memory_space<vmem>>, %arg16: memref<128x16xf32, #tpu.memory_space<vmem>>, %arg17: memref<128x128xf32, #tpu.memory_space<vmem>>, %arg18: memref<!tpu.dma_semaphore, #tpu.memory_space<semaphore_mem>>, %arg19: memref<!tpu.dma_semaphore, #tpu.memory_space<semaphore_mem>>, %arg20: memref<!tpu.dma_semaphore, #tpu.memory_space<semaphore_mem>>) attributes {dimension_semantics = [#tpu.dimension_semantics<core_parallel>, #tpu.dimension_semantics<subcore_parallel>], iteration_bounds = array<i64: 2, 16>, scalar_prefetch = 0 : i64, scratch_operands = 11 : i64, tpu.core_type = #tpu.core_type<sc_vector_subcore>, window_params = [{transform_indices = #map}, {transform_indices = #map}, {transform_indices = #map1}, {transform_indices = #map1}, {transform_indices = #map}, {transform_indices = #map}, {transform_indices = #map2}, {transform_indices = #map2}]} {
    %mul3A = arith.constant 2 : i32
    %mul3A_0 = arith.muli %arg1, %mul3A : i32
    %add3A = arith.addi %mul3A_0, %arg0 : i32
    %mul3A_1 = arith.constant 640 : i32
    %mul3A_2 = arith.muli %arg1, %mul3A_1 : i32
    "tpu.region"() ({
      %run_scoped3A = tpu.sem_alloc : memref<!tpu.dma_semaphore, #tpu.memory_space<semaphore_mem>>
      %dma_start3A = arith.constant 0 : i32
      %dma_start3A_18 = tpu.memref_slice %arg10[%mul3A_2, %dma_start3A] : memref<10240x128xf32, #tpu.memory_space<vmem_shared>> -> memref<640x128xf32, #tpu.memory_space<vmem_shared>>
      %dma_start3A_19 = arith.constant 0 : i32
      %dma_start3A_20 = tpu.memref_slice %arg6[%mul3A_2, %dma_start3A_19] : memref<10240x128xf32, #tpu.memory_space<hbm>> -> memref<640x128xf32, #tpu.memory_space<hbm>>
      tpu.enqueue_dma source(%dma_start3A_20 : memref<640x128xf32, #tpu.memory_space<hbm>>) target(%dma_start3A_18 : memref<640x128xf32, #tpu.memory_space<vmem_shared>>) target_semaphore(%run_scoped3A : memref<!tpu.dma_semaphore, #tpu.memory_space<semaphore_mem>>)
      %dma_wait3A = arith.constant 0 : i32
      %dma_wait3A_21 = tpu.memref_slice %arg10[%mul3A_2, %dma_wait3A] : memref<10240x128xf32, #tpu.memory_space<vmem_shared>> -> memref<640x128xf32, #tpu.memory_space<vmem_shared>>
      %dma_wait3A_22 = arith.constant 0 : i32
      %dma_wait3A_23 = tpu.memref_slice %arg6[%mul3A_2, %dma_wait3A_22] : memref<10240x128xf32, #tpu.memory_space<hbm>> -> memref<640x128xf32, #tpu.memory_space<hbm>>
      tpu.wait_dma2 semaphore(%run_scoped3A : memref<!tpu.dma_semaphore, #tpu.memory_space<semaphore_mem>>) src(%dma_wait3A_23 : memref<640x128xf32, #tpu.memory_space<hbm>>) dst(%dma_wait3A_21 : memref<640x128xf32, #tpu.memory_space<vmem_shared>>)
      tpu.yield
    }) : () -> ()
    "tpu.region"() ({
      %run_scoped3A = tpu.sem_alloc : memref<!tpu.dma_semaphore, #tpu.memory_space<semaphore_mem>>
      %dma_start3A = arith.constant 0 : i32
      %dma_start3A_18 = tpu.memref_slice %arg11[%mul3A_2, %dma_start3A] : memref<10240x16xf32, #tpu.memory_space<vmem_shared>> -> memref<640x16xf32, #tpu.memory_space<vmem_shared>>
      %dma_start3A_19 = arith.constant 0 : i32
      %dma_start3A_20 = tpu.memref_slice %arg7[%mul3A_2, %dma_start3A_19] : memref<10240x16xf32, #tpu.memory_space<hbm>> -> memref<640x16xf32, #tpu.memory_space<hbm>>
      tpu.enqueue_dma source(%dma_start3A_20 : memref<640x16xf32, #tpu.memory_space<hbm>>) target(%dma_start3A_18 : memref<640x16xf32, #tpu.memory_space<vmem_shared>>) target_semaphore(%run_scoped3A : memref<!tpu.dma_semaphore, #tpu.memory_space<semaphore_mem>>)
      %dma_wait3A = arith.constant 0 : i32
      %dma_wait3A_21 = tpu.memref_slice %arg11[%mul3A_2, %dma_wait3A] : memref<10240x16xf32, #tpu.memory_space<vmem_shared>> -> memref<640x16xf32, #tpu.memory_space<vmem_shared>>
      %dma_wait3A_22 = arith.constant 0 : i32
      %dma_wait3A_23 = tpu.memref_slice %arg7[%mul3A_2, %dma_wait3A_22] : memref<10240x16xf32, #tpu.memory_space<hbm>> -> memref<640x16xf32, #tpu.memory_space<hbm>>
      tpu.wait_dma2 semaphore(%run_scoped3A : memref<!tpu.dma_semaphore, #tpu.memory_space<semaphore_mem>>) src(%dma_wait3A_23 : memref<640x16xf32, #tpu.memory_space<hbm>>) dst(%dma_wait3A_21 : memref<640x16xf32, #tpu.memory_space<vmem_shared>>)
      tpu.yield
    }) : () -> ()
    %barrier3A = arith.constant 0 : index
    tpu.barrier barrier_id(%barrier3A)
    %iota3A = tpu.iota {dimensions = array<i32: 0>} : vector<16xi32>
    %add3A_3 = arith.constant 8 : i32
    %add3A_4 = vector.broadcast %add3A_3 : i32 to vector<16xi32>
    %add3A_5 = arith.addi %iota3A, %add3A_4 : vector<16xi32>
    %and3A = arith.constant 15 : i32
    %and3A_6 = vector.broadcast %and3A : i32 to vector<16xi32>
    %and3A_7 = arith.andi %add3A_5, %and3A_6 : vector<16xi32>
    %iota3A_8 = tpu.iota {dimensions = array<i32: 0>} : vector<16xi32>
    %lt3A = arith.constant 8 : i32
    %lt3A_9 = vector.broadcast %lt3A : i32 to vector<16xi32>
    %lt3A_10 = arith.cmpi slt, %iota3A_8, %lt3A_9 : vector<16xi32>
    %scan3A = arith.constant 0 : i32
    %scan3A_11 = arith.constant 0 : i32
    %scan3A_12 = arith.constant 81 : i32
    %scan3A_13 = arith.addi %scan3A_11, %scan3A_12 : i32
    %scan3A_14 = arith.constant 1 : i32
    %scan3A_15 = scf.for %scan3A_18 = %scan3A_11 to %scan3A_13 step %scan3A_14 iter_args(%scan3A_19 = %scan3A) -> (i32)  : i32 {
      %mul3A_20 = arith.constant 10368 : i32
      %mul3A_21 = arith.muli %add3A, %mul3A_20 : i32
      %mul3A_22 = arith.constant 128 : i32
      %mul3A_23 = arith.muli %scan3A_18, %mul3A_22 : i32
      %add3A_24 = arith.addi %mul3A_21, %mul3A_23 : i32
      "tpu.region"() ({
        %run_scoped3A = tpu.sem_alloc : memref<!tpu.dma_semaphore, #tpu.memory_space<semaphore_mem>>
        %dma_start3A_56 = tpu.memref_slice %arg4[%add3A_24] : memref<331776xi32, #tpu.memory_space<hbm>> -> memref<128xi32, #tpu.memory_space<hbm>>
        %dma_start3A_57 = tpu.memref_slice %arg4[%add3A_24] : memref<331776xi32, #tpu.memory_space<hbm>> -> memref<128xi32, #tpu.memory_space<hbm>>
        tpu.enqueue_dma source(%dma_start3A_57 : memref<128xi32, #tpu.memory_space<hbm>>) target(%arg12 : memref<128xi32, #tpu.memory_space<vmem>>) target_semaphore(%run_scoped3A : memref<!tpu.dma_semaphore, #tpu.memory_space<semaphore_mem>>)
        %dma_wait3A_58 = tpu.memref_slice %arg4[%add3A_24] : memref<331776xi32, #tpu.memory_space<hbm>> -> memref<128xi32, #tpu.memory_space<hbm>>
        %dma_wait3A_59 = tpu.memref_slice %arg4[%add3A_24] : memref<331776xi32, #tpu.memory_space<hbm>> -> memref<128xi32, #tpu.memory_space<hbm>>
        tpu.wait_dma2 semaphore(%run_scoped3A : memref<!tpu.dma_semaphore, #tpu.memory_space<semaphore_mem>>) src(%dma_wait3A_59 : memref<128xi32, #tpu.memory_space<hbm>>) dst(%arg12 : memref<128xi32, #tpu.memory_space<vmem>>)
        tpu.yield
      }) : () -> ()
      "tpu.region"() ({
        %run_scoped3A = tpu.sem_alloc : memref<!tpu.dma_semaphore, #tpu.memory_space<semaphore_mem>>
        %dma_start3A_56 = tpu.memref_slice %arg5[%add3A_24] : memref<331776xi32, #tpu.memory_space<hbm>> -> memref<128xi32, #tpu.memory_space<hbm>>
        %dma_start3A_57 = tpu.memref_slice %arg5[%add3A_24] : memref<331776xi32, #tpu.memory_space<hbm>> -> memref<128xi32, #tpu.memory_space<hbm>>
        tpu.enqueue_dma source(%dma_start3A_57 : memref<128xi32, #tpu.memory_space<hbm>>) target(%arg13 : memref<128xi32, #tpu.memory_space<vmem>>) target_semaphore(%run_scoped3A : memref<!tpu.dma_semaphore, #tpu.memory_space<semaphore_mem>>)
        %dma_wait3A_58 = tpu.memref_slice %arg5[%add3A_24] : memref<331776xi32, #tpu.memory_space<hbm>> -> memref<128xi32, #tpu.memory_space<hbm>>
        %dma_wait3A_59 = tpu.memref_slice %arg5[%add3A_24] : memref<331776xi32, #tpu.memory_space<hbm>> -> memref<128xi32, #tpu.memory_space<hbm>>
        tpu.wait_dma2 semaphore(%run_scoped3A : memref<!tpu.dma_semaphore, #tpu.memory_space<semaphore_mem>>) src(%dma_wait3A_59 : memref<128xi32, #tpu.memory_space<hbm>>) dst(%arg13 : memref<128xi32, #tpu.memory_space<vmem>>)
        tpu.yield
      }) : () -> ()
      %dma_start3A = arith.constant 0 : i32
      %dma_start3A_25 = arith.constant 0 : i32
      %dma_start3A_26 = tpu.memref_slice %arg3[%dma_start3A, %dma_start3A_25] : memref<10240x16xf32, #tpu.memory_space<hbm>> -> memref<10240x16xf32, #tpu.memory_space<hbm>>
      tpu.enqueue_indirect_dma source(%dma_start3A_26 : memref<10240x16xf32, #tpu.memory_space<hbm>>) target(%arg14 : memref<128x16xf32, #tpu.memory_space<vmem>>) offsets(%arg12 : memref<128xi32, #tpu.memory_space<vmem>>) semaphore(%arg18 : memref<!tpu.dma_semaphore, #tpu.memory_space<semaphore_mem>>)
      %dma_start3A_27 = arith.constant 0 : i32
      %dma_start3A_28 = arith.constant 0 : i32
      %dma_start3A_29 = tpu.memref_slice %arg3[%dma_start3A_27, %dma_start3A_28] : memref<10240x16xf32, #tpu.memory_space<hbm>> -> memref<10240x16xf32, #tpu.memory_space<hbm>>
      tpu.enqueue_indirect_dma source(%dma_start3A_29 : memref<10240x16xf32, #tpu.memory_space<hbm>>) target(%arg15 : memref<128x16xf32, #tpu.memory_space<vmem>>) offsets(%arg13 : memref<128xi32, #tpu.memory_space<vmem>>) semaphore(%arg19 : memref<!tpu.dma_semaphore, #tpu.memory_space<semaphore_mem>>)
      %dma_start3A_30 = arith.constant 0 : i32
      %dma_start3A_31 = arith.constant 0 : i32
      %dma_start3A_32 = tpu.memref_slice %arg2[%dma_start3A_30, %dma_start3A_31] : memref<10240x128xf32, #tpu.memory_space<hbm>> -> memref<10240x128xf32, #tpu.memory_space<hbm>>
      tpu.enqueue_indirect_dma source(%dma_start3A_32 : memref<10240x128xf32, #tpu.memory_space<hbm>>) target(%arg17 : memref<128x128xf32, #tpu.memory_space<vmem>>) offsets(%arg12 : memref<128xi32, #tpu.memory_space<vmem>>) semaphore(%arg20 : memref<!tpu.dma_semaphore, #tpu.memory_space<semaphore_mem>>)
      %dma_wait3A = arith.constant 0 : i32
      %dma_wait3A_33 = arith.constant 0 : i32
      %dma_wait3A_34 = tpu.memref_slice %arg3[%dma_wait3A, %dma_wait3A_33] : memref<10240x16xf32, #tpu.memory_space<hbm>> -> memref<10240x16xf32, #tpu.memory_space<hbm>>
      tpu.wait_indirect_dma semaphore(%arg18 : memref<!tpu.dma_semaphore, #tpu.memory_space<semaphore_mem>>) src(%dma_wait3A_34 : memref<10240x16xf32, #tpu.memory_space<hbm>>) dst(%arg14 : memref<128x16xf32, #tpu.memory_space<vmem>>)
      %dma_wait3A_35 = arith.constant 0 : i32
      %dma_wait3A_36 = arith.constant 0 : i32
      %dma_wait3A_37 = tpu.memref_slice %arg3[%dma_wait3A_35, %dma_wait3A_36] : memref<10240x16xf32, #tpu.memory_space<hbm>> -> memref<10240x16xf32, #tpu.memory_space<hbm>>
      tpu.wait_indirect_dma semaphore(%arg19 : memref<!tpu.dma_semaphore, #tpu.memory_space<semaphore_mem>>) src(%dma_wait3A_37 : memref<10240x16xf32, #tpu.memory_space<hbm>>) dst(%arg15 : memref<128x16xf32, #tpu.memory_space<vmem>>)
      %scan3A_38 = arith.constant 0 : i32
      %scan3A_39 = arith.constant 0 : i32
      %scan3A_40 = arith.constant 128 : i32
      %scan3A_41 = arith.addi %scan3A_39, %scan3A_40 : i32
      %scan3A_42 = arith.constant 1 : i32
      %scan3A_43 = scf.for %scan3A_56 = %scan3A_39 to %scan3A_41 step %scan3A_42 iter_args(%scan3A_57 = %scan3A_38) -> (i32)  : i32 {
        %get3A = arith.index_cast %scan3A_56 : i32 to index
        %get3A_58 = arith.constant 0 : index
        %get3A_59 = tpu.vector_load %arg14[%get3A, %get3A_58] {strides = array<i32>} : memref<128x16xf32, #tpu.memory_space<vmem>>, vector<1x16xf32>,
        %get3A_60 = vector.shape_cast %get3A_59 : vector<1x16xf32> to vector<16xf32>
        %get3A_61 = arith.index_cast %scan3A_56 : i32 to index
        %get3A_62 = arith.constant 0 : index
        %get3A_63 = tpu.vector_load %arg15[%get3A_61, %get3A_62] {strides = array<i32>} : memref<128x16xf32, #tpu.memory_space<vmem>>, vector<1x16xf32>,
        %get3A_64 = vector.shape_cast %get3A_63 : vector<1x16xf32> to vector<16xf32>
        %broadcast_in_dim3A = vector.shape_cast %and3A_7 : vector<16xi32> to vector<16x1xi32>
        %gather3A = vector.shape_cast %broadcast_in_dim3A : vector<16x1xi32> to vector<16xi32>
        %gather3A_65 = tpu.dynamic_gather %get3A_64[%gather3A] in [0] : vector<16xf32>, vector<16xi32> -> vector<16xf32>
        %add3A_66 = arith.addf %get3A_60, %gather3A_65 : vector<16xf32>
        %mul3A_67 = arith.constant 2.000000e-01 : f32
        %mul3A_68 = vector.broadcast %mul3A_67 : f32 to vector<16xf32>
        %mul3A_69 = arith.mulf %mul3A_68, %add3A_66 : vector<16xf32>
        %max3A = arith.maximumf %add3A_66, %mul3A_69 : vector<16xf32>
        %exp3A = math.exp %max3A : vector<16xf32>
        %jit3A = arith.constant 0.000000e+00 : f32
        %broadcast_in_dim3A_70 = vector.broadcast %jit3A : f32 to vector<16xf32>
        %select_n3A = arith.select %lt3A_10, %exp3A, %broadcast_in_dim3A_70 : vector<16xi1>, vector<16xf32>
        %swap3A = arith.index_cast %scan3A_56 : i32 to index
        %swap3A_71 = arith.constant 0 : index
        %swap3A_72 = tpu.vector_load %arg16[%swap3A, %swap3A_71] {strides = array<i32>} : memref<128x16xf32, #tpu.memory_space<vmem>>, vector<1x16xf32>,
        %swap3A_73 = vector.shape_cast %swap3A_72 : vector<1x16xf32> to vector<16xf32>
        %swap3A_74 = vector.shape_cast %select_n3A : vector<16xf32> to vector<1x16xf32>
        tpu.vector_store %arg16[%swap3A, %swap3A_71], %swap3A_74 {strides = array<i32>} : memref<128x16xf32, #tpu.memory_space<vmem>>, vector<1x16xf32>,
        %scan3A_75 = arith.constant 0 : i32
        scf.yield %scan3A_75 : i32
      }
      %scan3A_44 = arith.constant 128 : i32
      %dma_wait3A_45 = arith.constant 0 : i32
      %dma_wait3A_46 = arith.constant 0 : i32
      %dma_wait3A_47 = tpu.memref_slice %arg2[%dma_wait3A_45, %dma_wait3A_46] : memref<10240x128xf32, #tpu.memory_space<hbm>> -> memref<10240x128xf32, #tpu.memory_space<hbm>>
      tpu.wait_indirect_dma semaphore(%arg20 : memref<!tpu.dma_semaphore, #tpu.memory_space<semaphore_mem>>) src(%dma_wait3A_47 : memref<10240x128xf32, #tpu.memory_space<hbm>>) dst(%arg17 : memref<128x128xf32, #tpu.memory_space<vmem>>)
      %scan3A_48 = arith.constant 0 : i32
      %scan3A_49 = arith.constant 0 : i32
      %scan3A_50 = arith.constant 128 : i32
      %scan3A_51 = arith.addi %scan3A_49, %scan3A_50 : i32
      %scan3A_52 = arith.constant 1 : i32
      %scan3A_53 = scf.for %scan3A_56 = %scan3A_49 to %scan3A_51 step %scan3A_52 iter_args(%scan3A_57 = %scan3A_48) -> (i32)  : i32 {
        %get3A = arith.index_cast %scan3A_56 : i32 to index
        %get3A_58 = arith.constant 0 : index
        %get3A_59 = tpu.vector_load %arg16[%get3A, %get3A_58] {strides = array<i32>} : memref<128x16xf32, #tpu.memory_space<vmem>>, vector<1x16xf32>,
        %get3A_60 = vector.shape_cast %get3A_59 : vector<1x16xf32> to vector<16xf32>
        %broadcast_in_dim3A = arith.constant 0 : i32
        %broadcast_in_dim3A_61 = vector.broadcast %broadcast_in_dim3A : i32 to vector<16xi32>
        %broadcast_in_dim3A_62 = vector.shape_cast %broadcast_in_dim3A_61 : vector<16xi32> to vector<16x1xi32>
        %gather3A = vector.shape_cast %broadcast_in_dim3A_62 : vector<16x1xi32> to vector<16xi32>
        %gather3A_63 = tpu.dynamic_gather %get3A_60[%gather3A] in [0] : vector<16xf32>, vector<16xi32> -> vector<16xf32>
        %get3A_64 = arith.index_cast %scan3A_56 : i32 to index
        %get3A_65 = arith.constant 0 : index
        %get3A_66 = tpu.vector_load %arg17[%get3A_64, %get3A_65] {strides = array<i32>} : memref<128x128xf32, #tpu.memory_space<vmem>>, vector<1x16xf32>,
        %get3A_67 = vector.shape_cast %get3A_66 : vector<1x16xf32> to vector<16xf32>
        %mul3A_68 = arith.mulf %get3A_67, %gather3A_63 : vector<16xf32>
        %swap3A = arith.index_cast %scan3A_56 : i32 to index
        %swap3A_69 = arith.constant 0 : index
        %swap3A_70 = tpu.vector_load %arg17[%swap3A, %swap3A_69] {strides = array<i32>} : memref<128x128xf32, #tpu.memory_space<vmem>>, vector<1x16xf32>,
        %swap3A_71 = vector.shape_cast %swap3A_70 : vector<1x16xf32> to vector<16xf32>
        %swap3A_72 = vector.shape_cast %mul3A_68 : vector<16xf32> to vector<1x16xf32>
        tpu.vector_store %arg17[%swap3A, %swap3A_69], %swap3A_72 {strides = array<i32>} : memref<128x128xf32, #tpu.memory_space<vmem>>, vector<1x16xf32>,
        %broadcast_in_dim3A_73 = arith.constant 1 : i32
        %broadcast_in_dim3A_74 = vector.broadcast %broadcast_in_dim3A_73 : i32 to vector<16xi32>
        %broadcast_in_dim3A_75 = vector.shape_cast %broadcast_in_dim3A_74 : vector<16xi32> to vector<16x1xi32>
        %gather3A_76 = vector.shape_cast %broadcast_in_dim3A_75 : vector<16x1xi32> to vector<16xi32>
        %gather3A_77 = tpu.dynamic_gather %get3A_60[%gather3A_76] in [0] : vector<16xf32>, vector<16xi32> -> vector<16xf32>
        %get3A_78 = arith.index_cast %scan3A_56 : i32 to index
        %get3A_79 = arith.constant 16 : index
        %get3A_80 = tpu.vector_load %arg17[%get3A_78, %get3A_79] {strides = array<i32>} : memref<128x128xf32, #tpu.memory_space<vmem>>, vector<1x16xf32>,
        %get3A_81 = vector.shape_cast %get3A_80 : vector<1x16xf32> to vector<16xf32>
        %mul3A_82 = arith.mulf %get3A_81, %gather3A_77 : vector<16xf32>
        %swap3A_83 = arith.index_cast %scan3A_56 : i32 to index
        %swap3A_84 = arith.constant 16 : index
        %swap3A_85 = tpu.vector_load %arg17[%swap3A_83, %swap3A_84] {strides = array<i32>} : memref<128x128xf32, #tpu.memory_space<vmem>>, vector<1x16xf32>,
        %swap3A_86 = vector.shape_cast %swap3A_85 : vector<1x16xf32> to vector<16xf32>
        %swap3A_87 = vector.shape_cast %mul3A_82 : vector<16xf32> to vector<1x16xf32>
        tpu.vector_store %arg17[%swap3A_83, %swap3A_84], %swap3A_87 {strides = array<i32>} : memref<128x128xf32, #tpu.memory_space<vmem>>, vector<1x16xf32>,
        %broadcast_in_dim3A_88 = arith.constant 2 : i32
        %broadcast_in_dim3A_89 = vector.broadcast %broadcast_in_dim3A_88 : i32 to vector<16xi32>
        %broadcast_in_dim3A_90 = vector.shape_cast %broadcast_in_dim3A_89 : vector<16xi32> to vector<16x1xi32>
        %gather3A_91 = vector.shape_cast %broadcast_in_dim3A_90 : vector<16x1xi32> to vector<16xi32>
        %gather3A_92 = tpu.dynamic_gather %get3A_60[%gather3A_91] in [0] : vector<16xf32>, vector<16xi32> -> vector<16xf32>
        %get3A_93 = arith.index_cast %scan3A_56 : i32 to index
        %get3A_94 = arith.constant 32 : index
        %get3A_95 = tpu.vector_load %arg17[%get3A_93, %get3A_94] {strides = array<i32>} : memref<128x128xf32, #tpu.memory_space<vmem>>, vector<1x16xf32>,
        %get3A_96 = vector.shape_cast %get3A_95 : vector<1x16xf32> to vector<16xf32>
        %mul3A_97 = arith.mulf %get3A_96, %gather3A_92 : vector<16xf32>
        %swap3A_98 = arith.index_cast %scan3A_56 : i32 to index
        %swap3A_99 = arith.constant 32 : index
        %swap3A_100 = tpu.vector_load %arg17[%swap3A_98, %swap3A_99] {strides = array<i32>} : memref<128x128xf32, #tpu.memory_space<vmem>>, vector<1x16xf32>,
        %swap3A_101 = vector.shape_cast %swap3A_100 : vector<1x16xf32> to vector<16xf32>
        %swap3A_102 = vector.shape_cast %mul3A_97 : vector<16xf32> to vector<1x16xf32>
        tpu.vector_store %arg17[%swap3A_98, %swap3A_99], %swap3A_102 {strides = array<i32>} : memref<128x128xf32, #tpu.memory_space<vmem>>, vector<1x16xf32>,
        %broadcast_in_dim3A_103 = arith.constant 3 : i32
        %broadcast_in_dim3A_104 = vector.broadcast %broadcast_in_dim3A_103 : i32 to vector<16xi32>
        %broadcast_in_dim3A_105 = vector.shape_cast %broadcast_in_dim3A_104 : vector<16xi32> to vector<16x1xi32>
        %gather3A_106 = vector.shape_cast %broadcast_in_dim3A_105 : vector<16x1xi32> to vector<16xi32>
        %gather3A_107 = tpu.dynamic_gather %get3A_60[%gather3A_106] in [0] : vector<16xf32>, vector<16xi32> -> vector<16xf32>
        %get3A_108 = arith.index_cast %scan3A_56 : i32 to index
        %get3A_109 = arith.constant 48 : index
        %get3A_110 = tpu.vector_load %arg17[%get3A_108, %get3A_109] {strides = array<i32>} : memref<128x128xf32, #tpu.memory_space<vmem>>, vector<1x16xf32>,
        %get3A_111 = vector.shape_cast %get3A_110 : vector<1x16xf32> to vector<16xf32>
        %mul3A_112 = arith.mulf %get3A_111, %gather3A_107 : vector<16xf32>
        %swap3A_113 = arith.index_cast %scan3A_56 : i32 to index
        %swap3A_114 = arith.constant 48 : index
        %swap3A_115 = tpu.vector_load %arg17[%swap3A_113, %swap3A_114] {strides = array<i32>} : memref<128x128xf32, #tpu.memory_space<vmem>>, vector<1x16xf32>,
        %swap3A_116 = vector.shape_cast %swap3A_115 : vector<1x16xf32> to vector<16xf32>
        %swap3A_117 = vector.shape_cast %mul3A_112 : vector<16xf32> to vector<1x16xf32>
        tpu.vector_store %arg17[%swap3A_113, %swap3A_114], %swap3A_117 {strides = array<i32>} : memref<128x128xf32, #tpu.memory_space<vmem>>, vector<1x16xf32>,
        %broadcast_in_dim3A_118 = arith.constant 4 : i32
        %broadcast_in_dim3A_119 = vector.broadcast %broadcast_in_dim3A_118 : i32 to vector<16xi32>
        %broadcast_in_dim3A_120 = vector.shape_cast %broadcast_in_dim3A_119 : vector<16xi32> to vector<16x1xi32>
        %gather3A_121 = vector.shape_cast %broadcast_in_dim3A_120 : vector<16x1xi32> to vector<16xi32>
        %gather3A_122 = tpu.dynamic_gather %get3A_60[%gather3A_121] in [0] : vector<16xf32>, vector<16xi32> -> vector<16xf32>
        %get3A_123 = arith.index_cast %scan3A_56 : i32 to index
        %get3A_124 = arith.constant 64 : index
        %get3A_125 = tpu.vector_load %arg17[%get3A_123, %get3A_124] {strides = array<i32>} : memref<128x128xf32, #tpu.memory_space<vmem>>, vector<1x16xf32>,
        %get3A_126 = vector.shape_cast %get3A_125 : vector<1x16xf32> to vector<16xf32>
        %mul3A_127 = arith.mulf %get3A_126, %gather3A_122 : vector<16xf32>
        %swap3A_128 = arith.index_cast %scan3A_56 : i32 to index
        %swap3A_129 = arith.constant 64 : index
        %swap3A_130 = tpu.vector_load %arg17[%swap3A_128, %swap3A_129] {strides = array<i32>} : memref<128x128xf32, #tpu.memory_space<vmem>>, vector<1x16xf32>,
        %swap3A_131 = vector.shape_cast %swap3A_130 : vector<1x16xf32> to vector<16xf32>
        %swap3A_132 = vector.shape_cast %mul3A_127 : vector<16xf32> to vector<1x16xf32>
        tpu.vector_store %arg17[%swap3A_128, %swap3A_129], %swap3A_132 {strides = array<i32>} : memref<128x128xf32, #tpu.memory_space<vmem>>, vector<1x16xf32>,
        %broadcast_in_dim3A_133 = arith.constant 5 : i32
        %broadcast_in_dim3A_134 = vector.broadcast %broadcast_in_dim3A_133 : i32 to vector<16xi32>
        %broadcast_in_dim3A_135 = vector.shape_cast %broadcast_in_dim3A_134 : vector<16xi32> to vector<16x1xi32>
        %gather3A_136 = vector.shape_cast %broadcast_in_dim3A_135 : vector<16x1xi32> to vector<16xi32>
        %gather3A_137 = tpu.dynamic_gather %get3A_60[%gather3A_136] in [0] : vector<16xf32>, vector<16xi32> -> vector<16xf32>
        %get3A_138 = arith.index_cast %scan3A_56 : i32 to index
        %get3A_139 = arith.constant 80 : index
        %get3A_140 = tpu.vector_load %arg17[%get3A_138, %get3A_139] {strides = array<i32>} : memref<128x128xf32, #tpu.memory_space<vmem>>, vector<1x16xf32>,
        %get3A_141 = vector.shape_cast %get3A_140 : vector<1x16xf32> to vector<16xf32>
        %mul3A_142 = arith.mulf %get3A_141, %gather3A_137 : vector<16xf32>
        %swap3A_143 = arith.index_cast %scan3A_56 : i32 to index
        %swap3A_144 = arith.constant 80 : index
        %swap3A_145 = tpu.vector_load %arg17[%swap3A_143, %swap3A_144] {strides = array<i32>} : memref<128x128xf32, #tpu.memory_space<vmem>>, vector<1x16xf32>,
        %swap3A_146 = vector.shape_cast %swap3A_145 : vector<1x16xf32> to vector<16xf32>
        %swap3A_147 = vector.shape_cast %mul3A_142 : vector<16xf32> to vector<1x16xf32>
        tpu.vector_store %arg17[%swap3A_143, %swap3A_144], %swap3A_147 {strides = array<i32>} : memref<128x128xf32, #tpu.memory_space<vmem>>, vector<1x16xf32>,
        %broadcast_in_dim3A_148 = arith.constant 6 : i32
        %broadcast_in_dim3A_149 = vector.broadcast %broadcast_in_dim3A_148 : i32 to vector<16xi32>
        %broadcast_in_dim3A_150 = vector.shape_cast %broadcast_in_dim3A_149 : vector<16xi32> to vector<16x1xi32>
        %gather3A_151 = vector.shape_cast %broadcast_in_dim3A_150 : vector<16x1xi32> to vector<16xi32>
        %gather3A_152 = tpu.dynamic_gather %get3A_60[%gather3A_151] in [0] : vector<16xf32>, vector<16xi32> -> vector<16xf32>
        %get3A_153 = arith.index_cast %scan3A_56 : i32 to index
        %get3A_154 = arith.constant 96 : index
        %get3A_155 = tpu.vector_load %arg17[%get3A_153, %get3A_154] {strides = array<i32>} : memref<128x128xf32, #tpu.memory_space<vmem>>, vector<1x16xf32>,
        %get3A_156 = vector.shape_cast %get3A_155 : vector<1x16xf32> to vector<16xf32>
        %mul3A_157 = arith.mulf %get3A_156, %gather3A_152 : vector<16xf32>
        %swap3A_158 = arith.index_cast %scan3A_56 : i32 to index
        %swap3A_159 = arith.constant 96 : index
        %swap3A_160 = tpu.vector_load %arg17[%swap3A_158, %swap3A_159] {strides = array<i32>} : memref<128x128xf32, #tpu.memory_space<vmem>>, vector<1x16xf32>,
        %swap3A_161 = vector.shape_cast %swap3A_160 : vector<1x16xf32> to vector<16xf32>
        %swap3A_162 = vector.shape_cast %mul3A_157 : vector<16xf32> to vector<1x16xf32>
        tpu.vector_store %arg17[%swap3A_158, %swap3A_159], %swap3A_162 {strides = array<i32>} : memref<128x128xf32, #tpu.memory_space<vmem>>, vector<1x16xf32>,
        %broadcast_in_dim3A_163 = arith.constant 7 : i32
        %broadcast_in_dim3A_164 = vector.broadcast %broadcast_in_dim3A_163 : i32 to vector<16xi32>
        %broadcast_in_dim3A_165 = vector.shape_cast %broadcast_in_dim3A_164 : vector<16xi32> to vector<16x1xi32>
        %gather3A_166 = vector.shape_cast %broadcast_in_dim3A_165 : vector<16x1xi32> to vector<16xi32>
        %gather3A_167 = tpu.dynamic_gather %get3A_60[%gather3A_166] in [0] : vector<16xf32>, vector<16xi32> -> vector<16xf32>
        %get3A_168 = arith.index_cast %scan3A_56 : i32 to index
        %get3A_169 = arith.constant 112 : index
        %get3A_170 = tpu.vector_load %arg17[%get3A_168, %get3A_169] {strides = array<i32>} : memref<128x128xf32, #tpu.memory_space<vmem>>, vector<1x16xf32>,
        %get3A_171 = vector.shape_cast %get3A_170 : vector<1x16xf32> to vector<16xf32>
        %mul3A_172 = arith.mulf %get3A_171, %gather3A_167 : vector<16xf32>
        %swap3A_173 = arith.index_cast %scan3A_56 : i32 to index
        %swap3A_174 = arith.constant 112 : index
        %swap3A_175 = tpu.vector_load %arg17[%swap3A_173, %swap3A_174] {strides = array<i32>} : memref<128x128xf32, #tpu.memory_space<vmem>>, vector<1x16xf32>,
        %swap3A_176 = vector.shape_cast %swap3A_175 : vector<1x16xf32> to vector<16xf32>
        %swap3A_177 = vector.shape_cast %mul3A_172 : vector<16xf32> to vector<1x16xf32>
        tpu.vector_store %arg17[%swap3A_173, %swap3A_174], %swap3A_177 {strides = array<i32>} : memref<128x128xf32, #tpu.memory_space<vmem>>, vector<1x16xf32>,
        %scan3A_178 = arith.constant 0 : i32
        scf.yield %scan3A_178 : i32
      }
      %scan3A_54 = arith.constant 128 : i32
      "tpu.region"() ({
        %run_scoped3A = tpu.sem_alloc : memref<!tpu.dma_semaphore, #tpu.memory_space<semaphore_mem>>
        %dma_start3A_56 = arith.constant 0 : i32
        %dma_start3A_57 = arith.constant 0 : i32
        %dma_start3A_58 = tpu.memref_slice %arg11[%dma_start3A_56, %dma_start3A_57] : memref<10240x16xf32, #tpu.memory_space<vmem_shared>> -> memref<10240x16xf32, #tpu.memory_space<vmem_shared>>
        tpu.enqueue_indirect_dma source(%arg16 : memref<128x16xf32, #tpu.memory_space<vmem>>) target(%dma_start3A_58 : memref<10240x16xf32, #tpu.memory_space<vmem_shared>>) offsets(%arg13 : memref<128xi32, #tpu.memory_space<vmem>>) semaphore(%run_scoped3A : memref<!tpu.dma_semaphore, #tpu.memory_space<semaphore_mem>>) {add = true}
        %dma_wait3A_59 = arith.constant 0 : i32
        %dma_wait3A_60 = arith.constant 0 : i32
        %dma_wait3A_61 = tpu.memref_slice %arg11[%dma_wait3A_59, %dma_wait3A_60] : memref<10240x16xf32, #tpu.memory_space<vmem_shared>> -> memref<10240x16xf32, #tpu.memory_space<vmem_shared>>
        tpu.wait_indirect_dma semaphore(%run_scoped3A : memref<!tpu.dma_semaphore, #tpu.memory_space<semaphore_mem>>) src(%arg16 : memref<128x16xf32, #tpu.memory_space<vmem>>) dst(%dma_wait3A_61 : memref<10240x16xf32, #tpu.memory_space<vmem_shared>>)
        tpu.yield
      }) : () -> ()
      "tpu.region"() ({
        %run_scoped3A = tpu.sem_alloc : memref<!tpu.dma_semaphore, #tpu.memory_space<semaphore_mem>>
        %dma_start3A_56 = arith.constant 0 : i32
        %dma_start3A_57 = arith.constant 0 : i32
        %dma_start3A_58 = tpu.memref_slice %arg10[%dma_start3A_56, %dma_start3A_57] : memref<10240x128xf32, #tpu.memory_space<vmem_shared>> -> memref<10240x128xf32, #tpu.memory_space<vmem_shared>>
        tpu.enqueue_indirect_dma source(%arg17 : memref<128x128xf32, #tpu.memory_space<vmem>>) target(%dma_start3A_58 : memref<10240x128xf32, #tpu.memory_space<vmem_shared>>) offsets(%arg13 : memref<128xi32, #tpu.memory_space<vmem>>) semaphore(%run_scoped3A : memref<!tpu.dma_semaphore, #tpu.memory_space<semaphore_mem>>) {add = true}
        %dma_wait3A_59 = arith.constant 0 : i32
        %dma_wait3A_60 = arith.constant 0 : i32
        %dma_wait3A_61 = tpu.memref_slice %arg10[%dma_wait3A_59, %dma_wait3A_60] : memref<10240x128xf32, #tpu.memory_space<vmem_shared>> -> memref<10240x128xf32, #tpu.memory_space<vmem_shared>>
        tpu.wait_indirect_dma semaphore(%run_scoped3A : memref<!tpu.dma_semaphore, #tpu.memory_space<semaphore_mem>>) src(%arg17 : memref<128x128xf32, #tpu.memory_space<vmem>>) dst(%dma_wait3A_61 : memref<10240x128xf32, #tpu.memory_space<vmem_shared>>)
        tpu.yield
      }) : () -> ()
      %scan3A_55 = arith.constant 0 : i32
      scf.yield %scan3A_55 : i32
    }
    %scan3A_16 = arith.constant 81 : i32
    %barrier3A_17 = arith.constant 0 : index
    tpu.barrier barrier_id(%barrier3A_17)
    "tpu.region"() ({
      %run_scoped3A = tpu.sem_alloc : memref<!tpu.dma_semaphore, #tpu.memory_space<semaphore_mem>>
      %dma_start3A = arith.constant 0 : i32
      %dma_start3A_18 = tpu.memref_slice %arg8[%arg0, %mul3A_2, %dma_start3A] : memref<2x10240x128xf32, #tpu.memory_space<hbm>> -> memref<1x640x128xf32, #tpu.memory_space<hbm>>
      %dma_start3A_19 = tpu.memref_squeeze %dma_start3A_18 : memref<1x640x128xf32, #tpu.memory_space<hbm>> -> memref<640x128xf32, #tpu.memory_space<hbm>>
      %dma_start3A_20 = arith.constant 0 : i32
      %dma_start3A_21 = tpu.memref_slice %arg10[%mul3A_2, %dma_start3A_20] : memref<10240x128xf32, #tpu.memory_space<vmem_shared>> -> memref<640x128xf32, #tpu.memory_space<vmem_shared>>
      tpu.enqueue_dma source(%dma_start3A_21 : memref<640x128xf32, #tpu.memory_space<vmem_shared>>) target(%dma_start3A_19 : memref<640x128xf32, #tpu.memory_space<hbm>>) target_semaphore(%run_scoped3A : memref<!tpu.dma_semaphore, #tpu.memory_space<semaphore_mem>>)
      %dma_wait3A = arith.constant 0 : i32
      %dma_wait3A_22 = tpu.memref_slice %arg8[%arg0, %mul3A_2, %dma_wait3A] : memref<2x10240x128xf32, #tpu.memory_space<hbm>> -> memref<1x640x128xf32, #tpu.memory_space<hbm>>
      %dma_wait3A_23 = tpu.memref_squeeze %dma_wait3A_22 : memref<1x640x128xf32, #tpu.memory_space<hbm>> -> memref<640x128xf32, #tpu.memory_space<hbm>>
      %dma_wait3A_24 = arith.constant 0 : i32
      %dma_wait3A_25 = tpu.memref_slice %arg10[%mul3A_2, %dma_wait3A_24] : memref<10240x128xf32, #tpu.memory_space<vmem_shared>> -> memref<640x128xf32, #tpu.memory_space<vmem_shared>>
      tpu.wait_dma2 semaphore(%run_scoped3A : memref<!tpu.dma_semaphore, #tpu.memory_space<semaphore_mem>>) src(%dma_wait3A_25 : memref<640x128xf32, #tpu.memory_space<vmem_shared>>) dst(%dma_wait3A_23 : memref<640x128xf32, #tpu.memory_space<hbm>>)
      tpu.yield
    }) : () -> ()
    "tpu.region"() ({
      %run_scoped3A = tpu.sem_alloc : memref<!tpu.dma_semaphore, #tpu.memory_space<semaphore_mem>>
      %dma_start3A = arith.constant 0 : i32
      %dma_start3A_18 = tpu.memref_slice %arg9[%arg0, %mul3A_2, %dma_start3A] : memref<2x10240x16xf32, #tpu.memory_space<hbm>> -> memref<1x640x16xf32, #tpu.memory_space<hbm>>
      %dma_start3A_19 = tpu.memref_squeeze %dma_start3A_18 : memref<1x640x16xf32, #tpu.memory_space<hbm>> -> memref<640x16xf32, #tpu.memory_space<hbm>>
      %dma_start3A_20 = arith.constant 0 : i32
      %dma_start3A_21 = tpu.memref_slice %arg11[%mul3A_2, %dma_start3A_20] : memref<10240x16xf32, #tpu.memory_space<vmem_shared>> -> memref<640x16xf32, #tpu.memory_space<vmem_shared>>
      tpu.enqueue_dma source(%dma_start3A_21 : memref<640x16xf32, #tpu.memory_space<vmem_shared>>) target(%dma_start3A_19 : memref<640x16xf32, #tpu.memory_space<hbm>>) target_semaphore(%run_scoped3A : memref<!tpu.dma_semaphore, #tpu.memory_space<semaphore_mem>>)
      %dma_wait3A = arith.constant 0 : i32
      %dma_wait3A_22 = tpu.memref_slice %arg9[%arg0, %mul3A_2, %dma_wait3A] : memref<2x10240x16xf32, #tpu.memory_space<hbm>> -> memref<1x640x16xf32, #tpu.memory_space<hbm>>
      %dma_wait3A_23 = tpu.memref_squeeze %dma_wait3A_22 : memref<1x640x16xf32, #tpu.memory_space<hbm>> -> memref<640x16xf32, #tpu.memory_space<hbm>>
      %dma_wait3A_24 = arith.constant 0 : i32
      %dma_wait3A_25 = tpu.memref_slice %arg11[%mul3A_2, %dma_wait3A_24] : memref<10240x16xf32, #tpu.memory_space<vmem_shared>> -> memref<640x16xf32, #tpu.memory_space<vmem_shared>>
      tpu.wait_dma2 semaphore(%run_scoped3A : memref<!tpu.dma_semaphore, #tpu.memory_space<semaphore_mem>>) src(%dma_wait3A_25 : memref<640x16xf32, #tpu.memory_space<vmem_shared>>) dst(%dma_wait3A_23 : memref<640x16xf32, #tpu.memory_space<hbm>>)
      tpu.yield
    }) : () -> ()
    return
  }
}

#map = affine_map<(d0, d1) -> (0, 0)>
#map1 = affine_map<(d0, d1) -> (0)>
#map2 = affine_map<(d0, d1) -> (0, 0, 0)>
module attributes {stable_mosaic.version = 14 : i64} {
  func.func @body(%arg0: i32, %arg1: i32, %arg2: memref<10240x128xf32, #tpu.memory_space<hbm>>, %arg3: memref<10240x16xf32, #tpu.memory_space<hbm>>, %arg4: memref<331776xi32, #tpu.memory_space<hbm>>, %arg5: memref<331776xi32, #tpu.memory_space<hbm>>, %arg6: memref<10240x128xf32, #tpu.memory_space<hbm>>, %arg7: memref<10240x16xf32, #tpu.memory_space<hbm>>, %arg8: memref<2x10240x128xf32, #tpu.memory_space<hbm>>, %arg9: memref<2x10240x16xf32, #tpu.memory_space<hbm>>, %arg10: memref<10240x128xf32, #tpu.memory_space<vmem_shared>>, %arg11: memref<10240x16xf32, #tpu.memory_space<vmem_shared>>, %arg12: memref<128xi32, #tpu.memory_space<vmem>>, %arg13: memref<128xi32, #tpu.memory_space<vmem>>, %arg14: memref<128x16xf32, #tpu.memory_space<vmem>>, %arg15: memref<128x16xf32, #tpu.memory_space<vmem>>, %arg16: memref<128x16xf32, #tpu.memory_space<vmem>>, %arg17: memref<128x128xf32, #tpu.memory_space<vmem>>, %arg18: memref<!tpu.dma_semaphore, #tpu.memory_space<semaphore_mem>>, %arg19: memref<!tpu.dma_semaphore, #tpu.memory_space<semaphore_mem>>, %arg20: memref<!tpu.dma_semaphore, #tpu.memory_space<semaphore_mem>>) attributes {dimension_semantics = [#tpu.dimension_semantics<core_parallel>, #tpu.dimension_semantics<subcore_parallel>], iteration_bounds = array<i64: 2, 16>, scalar_prefetch = 0 : i64, scratch_operands = 11 : i64, tpu.core_type = #tpu.core_type<sc_vector_subcore>, window_params = [{transform_indices = #map}, {transform_indices = #map}, {transform_indices = #map1}, {transform_indices = #map1}, {transform_indices = #map}, {transform_indices = #map}, {transform_indices = #map2}, {transform_indices = #map2}]} {
    %mul3A = arith.constant 2 : i32
    %mul3A_0 = arith.muli %arg1, %mul3A : i32
    %add3A = arith.addi %mul3A_0, %arg0 : i32
    %mul3A_1 = arith.constant 640 : i32
    %mul3A_2 = arith.muli %arg1, %mul3A_1 : i32
    "tpu.region"() ({
      %run_scoped3A = tpu.sem_alloc : memref<!tpu.dma_semaphore, #tpu.memory_space<semaphore_mem>>
      %dma_start3A = arith.constant 0 : i32
      %dma_start3A_18 = tpu.memref_slice %arg10[%mul3A_2, %dma_start3A] : memref<10240x128xf32, #tpu.memory_space<vmem_shared>> -> memref<640x128xf32, #tpu.memory_space<vmem_shared>>
      %dma_start3A_19 = arith.constant 0 : i32
      %dma_start3A_20 = tpu.memref_slice %arg6[%mul3A_2, %dma_start3A_19] : memref<10240x128xf32, #tpu.memory_space<hbm>> -> memref<640x128xf32, #tpu.memory_space<hbm>>
      tpu.enqueue_dma source(%dma_start3A_20 : memref<640x128xf32, #tpu.memory_space<hbm>>) target(%dma_start3A_18 : memref<640x128xf32, #tpu.memory_space<vmem_shared>>) target_semaphore(%run_scoped3A : memref<!tpu.dma_semaphore, #tpu.memory_space<semaphore_mem>>)
      %dma_wait3A = arith.constant 0 : i32
      %dma_wait3A_21 = tpu.memref_slice %arg10[%mul3A_2, %dma_wait3A] : memref<10240x128xf32, #tpu.memory_space<vmem_shared>> -> memref<640x128xf32, #tpu.memory_space<vmem_shared>>
      %dma_wait3A_22 = arith.constant 0 : i32
      %dma_wait3A_23 = tpu.memref_slice %arg6[%mul3A_2, %dma_wait3A_22] : memref<10240x128xf32, #tpu.memory_space<hbm>> -> memref<640x128xf32, #tpu.memory_space<hbm>>
      tpu.wait_dma2 semaphore(%run_scoped3A : memref<!tpu.dma_semaphore, #tpu.memory_space<semaphore_mem>>) src(%dma_wait3A_23 : memref<640x128xf32, #tpu.memory_space<hbm>>) dst(%dma_wait3A_21 : memref<640x128xf32, #tpu.memory_space<vmem_shared>>)
      tpu.yield
    }) : () -> ()
    "tpu.region"() ({
      %run_scoped3A = tpu.sem_alloc : memref<!tpu.dma_semaphore, #tpu.memory_space<semaphore_mem>>
      %dma_start3A = arith.constant 0 : i32
      %dma_start3A_18 = tpu.memref_slice %arg11[%mul3A_2, %dma_start3A] : memref<10240x16xf32, #tpu.memory_space<vmem_shared>> -> memref<640x16xf32, #tpu.memory_space<vmem_shared>>
      %dma_start3A_19 = arith.constant 0 : i32
      %dma_start3A_20 = tpu.memref_slice %arg7[%mul3A_2, %dma_start3A_19] : memref<10240x16xf32, #tpu.memory_space<hbm>> -> memref<640x16xf32, #tpu.memory_space<hbm>>
      tpu.enqueue_dma source(%dma_start3A_20 : memref<640x16xf32, #tpu.memory_space<hbm>>) target(%dma_start3A_18 : memref<640x16xf32, #tpu.memory_space<vmem_shared>>) target_semaphore(%run_scoped3A : memref<!tpu.dma_semaphore, #tpu.memory_space<semaphore_mem>>)
      %dma_wait3A = arith.constant 0 : i32
      %dma_wait3A_21 = tpu.memref_slice %arg11[%mul3A_2, %dma_wait3A] : memref<10240x16xf32, #tpu.memory_space<vmem_shared>> -> memref<640x16xf32, #tpu.memory_space<vmem_shared>>
      %dma_wait3A_22 = arith.constant 0 : i32
      %dma_wait3A_23 = tpu.memref_slice %arg7[%mul3A_2, %dma_wait3A_22] : memref<10240x16xf32, #tpu.memory_space<hbm>> -> memref<640x16xf32, #tpu.memory_space<hbm>>
      tpu.wait_dma2 semaphore(%run_scoped3A : memref<!tpu.dma_semaphore, #tpu.memory_space<semaphore_mem>>) src(%dma_wait3A_23 : memref<640x16xf32, #tpu.memory_space<hbm>>) dst(%dma_wait3A_21 : memref<640x16xf32, #tpu.memory_space<vmem_shared>>)
      tpu.yield
    }) : () -> ()
    %barrier3A = arith.constant 0 : index
    tpu.barrier barrier_id(%barrier3A)
    %iota3A = tpu.iota {dimensions = array<i32: 0>} : vector<16xi32>
    %add3A_3 = arith.constant 8 : i32
    %add3A_4 = vector.broadcast %add3A_3 : i32 to vector<16xi32>
    %add3A_5 = arith.addi %iota3A, %add3A_4 : vector<16xi32>
    %and3A = arith.constant 15 : i32
    %and3A_6 = vector.broadcast %and3A : i32 to vector<16xi32>
    %and3A_7 = arith.andi %add3A_5, %and3A_6 : vector<16xi32>
    %iota3A_8 = tpu.iota {dimensions = array<i32: 0>} : vector<16xi32>
    %lt3A = arith.constant 8 : i32
    %lt3A_9 = vector.broadcast %lt3A : i32 to vector<16xi32>
    %lt3A_10 = arith.cmpi slt, %iota3A_8, %lt3A_9 : vector<16xi32>
    %scan3A = arith.constant 0 : i32
    %scan3A_11 = arith.constant 0 : i32
    %scan3A_12 = arith.constant 81 : i32
    %scan3A_13 = arith.addi %scan3A_11, %scan3A_12 : i32
    %scan3A_14 = arith.constant 1 : i32
    %scan3A_15 = scf.for %scan3A_18 = %scan3A_11 to %scan3A_13 step %scan3A_14 iter_args(%scan3A_19 = %scan3A) -> (i32)  : i32 {
      %mul3A_20 = arith.constant 10368 : i32
      %mul3A_21 = arith.muli %add3A, %mul3A_20 : i32
      %mul3A_22 = arith.constant 128 : i32
      %mul3A_23 = arith.muli %scan3A_18, %mul3A_22 : i32
      %add3A_24 = arith.addi %mul3A_21, %mul3A_23 : i32
      "tpu.region"() ({
        %run_scoped3A = tpu.sem_alloc : memref<!tpu.dma_semaphore, #tpu.memory_space<semaphore_mem>>
        %dma_start3A_56 = tpu.memref_slice %arg4[%add3A_24] : memref<331776xi32, #tpu.memory_space<hbm>> -> memref<128xi32, #tpu.memory_space<hbm>>
        %dma_start3A_57 = tpu.memref_slice %arg4[%add3A_24] : memref<331776xi32, #tpu.memory_space<hbm>> -> memref<128xi32, #tpu.memory_space<hbm>>
        tpu.enqueue_dma source(%dma_start3A_57 : memref<128xi32, #tpu.memory_space<hbm>>) target(%arg12 : memref<128xi32, #tpu.memory_space<vmem>>) target_semaphore(%run_scoped3A : memref<!tpu.dma_semaphore, #tpu.memory_space<semaphore_mem>>)
        %dma_wait3A_58 = tpu.memref_slice %arg4[%add3A_24] : memref<331776xi32, #tpu.memory_space<hbm>> -> memref<128xi32, #tpu.memory_space<hbm>>
        %dma_wait3A_59 = tpu.memref_slice %arg4[%add3A_24] : memref<331776xi32, #tpu.memory_space<hbm>> -> memref<128xi32, #tpu.memory_space<hbm>>
        tpu.wait_dma2 semaphore(%run_scoped3A : memref<!tpu.dma_semaphore, #tpu.memory_space<semaphore_mem>>) src(%dma_wait3A_59 : memref<128xi32, #tpu.memory_space<hbm>>) dst(%arg12 : memref<128xi32, #tpu.memory_space<vmem>>)
        tpu.yield
      }) : () -> ()
      "tpu.region"() ({
        %run_scoped3A = tpu.sem_alloc : memref<!tpu.dma_semaphore, #tpu.memory_space<semaphore_mem>>
        %dma_start3A_56 = tpu.memref_slice %arg5[%add3A_24] : memref<331776xi32, #tpu.memory_space<hbm>> -> memref<128xi32, #tpu.memory_space<hbm>>
        %dma_start3A_57 = tpu.memref_slice %arg5[%add3A_24] : memref<331776xi32, #tpu.memory_space<hbm>> -> memref<128xi32, #tpu.memory_space<hbm>>
        tpu.enqueue_dma source(%dma_start3A_57 : memref<128xi32, #tpu.memory_space<hbm>>) target(%arg13 : memref<128xi32, #tpu.memory_space<vmem>>) target_semaphore(%run_scoped3A : memref<!tpu.dma_semaphore, #tpu.memory_space<semaphore_mem>>)
        %dma_wait3A_58 = tpu.memref_slice %arg5[%add3A_24] : memref<331776xi32, #tpu.memory_space<hbm>> -> memref<128xi32, #tpu.memory_space<hbm>>
        %dma_wait3A_59 = tpu.memref_slice %arg5[%add3A_24] : memref<331776xi32, #tpu.memory_space<hbm>> -> memref<128xi32, #tpu.memory_space<hbm>>
        tpu.wait_dma2 semaphore(%run_scoped3A : memref<!tpu.dma_semaphore, #tpu.memory_space<semaphore_mem>>) src(%dma_wait3A_59 : memref<128xi32, #tpu.memory_space<hbm>>) dst(%arg13 : memref<128xi32, #tpu.memory_space<vmem>>)
        tpu.yield
      }) : () -> ()
      %dma_start3A = arith.constant 0 : i32
      %dma_start3A_25 = arith.constant 0 : i32
      %dma_start3A_26 = tpu.memref_slice %arg3[%dma_start3A, %dma_start3A_25] : memref<10240x16xf32, #tpu.memory_space<hbm>> -> memref<10240x16xf32, #tpu.memory_space<hbm>>
      tpu.enqueue_indirect_dma source(%dma_start3A_26 : memref<10240x16xf32, #tpu.memory_space<hbm>>) target(%arg14 : memref<128x16xf32, #tpu.memory_space<vmem>>) offsets(%arg12 : memref<128xi32, #tpu.memory_space<vmem>>) semaphore(%arg18 : memref<!tpu.dma_semaphore, #tpu.memory_space<semaphore_mem>>)
      %dma_start3A_27 = arith.constant 0 : i32
      %dma_start3A_28 = arith.constant 0 : i32
      %dma_start3A_29 = tpu.memref_slice %arg3[%dma_start3A_27, %dma_start3A_28] : memref<10240x16xf32, #tpu.memory_space<hbm>> -> memref<10240x16xf32, #tpu.memory_space<hbm>>
      tpu.enqueue_indirect_dma source(%dma_start3A_29 : memref<10240x16xf32, #tpu.memory_space<hbm>>) target(%arg15 : memref<128x16xf32, #tpu.memory_space<vmem>>) offsets(%arg13 : memref<128xi32, #tpu.memory_space<vmem>>) semaphore(%arg19 : memref<!tpu.dma_semaphore, #tpu.memory_space<semaphore_mem>>)
      %dma_start3A_30 = arith.constant 0 : i32
      %dma_start3A_31 = arith.constant 0 : i32
      %dma_start3A_32 = tpu.memref_slice %arg2[%dma_start3A_30, %dma_start3A_31] : memref<10240x128xf32, #tpu.memory_space<hbm>> -> memref<10240x128xf32, #tpu.memory_space<hbm>>
      tpu.enqueue_indirect_dma source(%dma_start3A_32 : memref<10240x128xf32, #tpu.memory_space<hbm>>) target(%arg17 : memref<128x128xf32, #tpu.memory_space<vmem>>) offsets(%arg12 : memref<128xi32, #tpu.memory_space<vmem>>) semaphore(%arg20 : memref<!tpu.dma_semaphore, #tpu.memory_space<semaphore_mem>>)
      %dma_wait3A = arith.constant 0 : i32
      %dma_wait3A_33 = arith.constant 0 : i32
      %dma_wait3A_34 = tpu.memref_slice %arg3[%dma_wait3A, %dma_wait3A_33] : memref<10240x16xf32, #tpu.memory_space<hbm>> -> memref<10240x16xf32, #tpu.memory_space<hbm>>
      tpu.wait_indirect_dma semaphore(%arg18 : memref<!tpu.dma_semaphore, #tpu.memory_space<semaphore_mem>>) src(%dma_wait3A_34 : memref<10240x16xf32, #tpu.memory_space<hbm>>) dst(%arg14 : memref<128x16xf32, #tpu.memory_space<vmem>>)
      %dma_wait3A_35 = arith.constant 0 : i32
      %dma_wait3A_36 = arith.constant 0 : i32
      %dma_wait3A_37 = tpu.memref_slice %arg3[%dma_wait3A_35, %dma_wait3A_36] : memref<10240x16xf32, #tpu.memory_space<hbm>> -> memref<10240x16xf32, #tpu.memory_space<hbm>>
      tpu.wait_indirect_dma semaphore(%arg19 : memref<!tpu.dma_semaphore, #tpu.memory_space<semaphore_mem>>) src(%dma_wait3A_37 : memref<10240x16xf32, #tpu.memory_space<hbm>>) dst(%arg15 : memref<128x16xf32, #tpu.memory_space<vmem>>)
      %scan3A_38 = arith.constant 0 : i32
      %scan3A_39 = arith.constant 0 : i32
      %scan3A_40 = arith.constant 128 : i32
      %scan3A_41 = arith.addi %scan3A_39, %scan3A_40 : i32
      %scan3A_42 = arith.constant 1 : i32
      %scan3A_43 = scf.for %scan3A_56 = %scan3A_39 to %scan3A_41 step %scan3A_42 iter_args(%scan3A_57 = %scan3A_38) -> (i32)  : i32 {
        %get3A = arith.index_cast %scan3A_56 : i32 to index
        %get3A_58 = arith.constant 0 : index
        %get3A_59 = tpu.vector_load %arg14[%get3A, %get3A_58] {strides = array<i32>} : memref<128x16xf32, #tpu.memory_space<vmem>>, vector<1x16xf32>,
        %get3A_60 = vector.shape_cast %get3A_59 : vector<1x16xf32> to vector<16xf32>
        %get3A_61 = arith.index_cast %scan3A_56 : i32 to index
        %get3A_62 = arith.constant 0 : index
        %get3A_63 = tpu.vector_load %arg15[%get3A_61, %get3A_62] {strides = array<i32>} : memref<128x16xf32, #tpu.memory_space<vmem>>, vector<1x16xf32>,
        %get3A_64 = vector.shape_cast %get3A_63 : vector<1x16xf32> to vector<16xf32>
        %broadcast_in_dim3A = vector.shape_cast %and3A_7 : vector<16xi32> to vector<16x1xi32>
        %gather3A = vector.shape_cast %broadcast_in_dim3A : vector<16x1xi32> to vector<16xi32>
        %gather3A_65 = tpu.dynamic_gather %get3A_64[%gather3A] in [0] : vector<16xf32>, vector<16xi32> -> vector<16xf32>
        %add3A_66 = arith.addf %get3A_60, %gather3A_65 : vector<16xf32>
        %mul3A_67 = arith.constant 2.000000e-01 : f32
        %mul3A_68 = vector.broadcast %mul3A_67 : f32 to vector<16xf32>
        %mul3A_69 = arith.mulf %mul3A_68, %add3A_66 : vector<16xf32>
        %max3A = arith.maximumf %add3A_66, %mul3A_69 : vector<16xf32>
        %exp3A = math.exp %max3A : vector<16xf32>
        %jit3A = arith.constant 0.000000e+00 : f32
        %broadcast_in_dim3A_70 = vector.broadcast %jit3A : f32 to vector<16xf32>
        %select_n3A = arith.select %lt3A_10, %exp3A, %broadcast_in_dim3A_70 : vector<16xi1>, vector<16xf32>
        %swap3A = arith.index_cast %scan3A_56 : i32 to index
        %swap3A_71 = arith.constant 0 : index
        %swap3A_72 = tpu.vector_load %arg16[%swap3A, %swap3A_71] {strides = array<i32>} : memref<128x16xf32, #tpu.memory_space<vmem>>, vector<1x16xf32>,
        %swap3A_73 = vector.shape_cast %swap3A_72 : vector<1x16xf32> to vector<16xf32>
        %swap3A_74 = vector.shape_cast %select_n3A : vector<16xf32> to vector<1x16xf32>
        tpu.vector_store %arg16[%swap3A, %swap3A_71], %swap3A_74 {strides = array<i32>} : memref<128x16xf32, #tpu.memory_space<vmem>>, vector<1x16xf32>,
        %scan3A_75 = arith.constant 0 : i32
        scf.yield %scan3A_75 : i32
      }
      %scan3A_44 = arith.constant 128 : i32
      %dma_wait3A_45 = arith.constant 0 : i32
      %dma_wait3A_46 = arith.constant 0 : i32
      %dma_wait3A_47 = tpu.memref_slice %arg2[%dma_wait3A_45, %dma_wait3A_46] : memref<10240x128xf32, #tpu.memory_space<hbm>> -> memref<10240x128xf32, #tpu.memory_space<hbm>>
      tpu.wait_indirect_dma semaphore(%arg20 : memref<!tpu.dma_semaphore, #tpu.memory_space<semaphore_mem>>) src(%dma_wait3A_47 : memref<10240x128xf32, #tpu.memory_space<hbm>>) dst(%arg17 : memref<128x128xf32, #tpu.memory_space<vmem>>)
      %scan3A_48 = arith.constant 0 : i32
      %scan3A_49 = arith.constant 0 : i32
      %scan3A_50 = arith.constant 128 : i32
      %scan3A_51 = arith.addi %scan3A_49, %scan3A_50 : i32
      %scan3A_52 = arith.constant 1 : i32
      %scan3A_53 = scf.for %scan3A_56 = %scan3A_49 to %scan3A_51 step %scan3A_52 iter_args(%scan3A_57 = %scan3A_48) -> (i32)  : i32 {
        %get3A = arith.index_cast %scan3A_56 : i32 to index
        %get3A_58 = arith.constant 0 : index
        %get3A_59 = tpu.vector_load %arg16[%get3A, %get3A_58] {strides = array<i32>} : memref<128x16xf32, #tpu.memory_space<vmem>>, vector<1x16xf32>,
        %get3A_60 = vector.shape_cast %get3A_59 : vector<1x16xf32> to vector<16xf32>
        %broadcast_in_dim3A = arith.constant 0 : i32
        %broadcast_in_dim3A_61 = vector.broadcast %broadcast_in_dim3A : i32 to vector<16xi32>
        %broadcast_in_dim3A_62 = vector.shape_cast %broadcast_in_dim3A_61 : vector<16xi32> to vector<16x1xi32>
        %gather3A = vector.shape_cast %broadcast_in_dim3A_62 : vector<16x1xi32> to vector<16xi32>
        %gather3A_63 = tpu.dynamic_gather %get3A_60[%gather3A] in [0] : vector<16xf32>, vector<16xi32> -> vector<16xf32>
        %get3A_64 = arith.index_cast %scan3A_56 : i32 to index
        %get3A_65 = arith.constant 0 : index
        %get3A_66 = tpu.vector_load %arg17[%get3A_64, %get3A_65] {strides = array<i32>} : memref<128x128xf32, #tpu.memory_space<vmem>>, vector<1x16xf32>,
        %get3A_67 = vector.shape_cast %get3A_66 : vector<1x16xf32> to vector<16xf32>
        %mul3A_68 = arith.mulf %get3A_67, %gather3A_63 : vector<16xf32>
        %swap3A = arith.index_cast %scan3A_56 : i32 to index
        %swap3A_69 = arith.constant 0 : index
        %swap3A_70 = tpu.vector_load %arg17[%swap3A, %swap3A_69] {strides = array<i32>} : memref<128x128xf32, #tpu.memory_space<vmem>>, vector<1x16xf32>,
        %swap3A_71 = vector.shape_cast %swap3A_70 : vector<1x16xf32> to vector<16xf32>
        %swap3A_72 = vector.shape_cast %mul3A_68 : vector<16xf32> to vector<1x16xf32>
        tpu.vector_store %arg17[%swap3A, %swap3A_69], %swap3A_72 {strides = array<i32>} : memref<128x128xf32, #tpu.memory_space<vmem>>, vector<1x16xf32>,
        %broadcast_in_dim3A_73 = arith.constant 1 : i32
        %broadcast_in_dim3A_74 = vector.broadcast %broadcast_in_dim3A_73 : i32 to vector<16xi32>
        %broadcast_in_dim3A_75 = vector.shape_cast %broadcast_in_dim3A_74 : vector<16xi32> to vector<16x1xi32>
        %gather3A_76 = vector.shape_cast %broadcast_in_dim3A_75 : vector<16x1xi32> to vector<16xi32>
        %gather3A_77 = tpu.dynamic_gather %get3A_60[%gather3A_76] in [0] : vector<16xf32>, vector<16xi32> -> vector<16xf32>
        %get3A_78 = arith.index_cast %scan3A_56 : i32 to index
        %get3A_79 = arith.constant 16 : index
        %get3A_80 = tpu.vector_load %arg17[%get3A_78, %get3A_79] {strides = array<i32>} : memref<128x128xf32, #tpu.memory_space<vmem>>, vector<1x16xf32>,
        %get3A_81 = vector.shape_cast %get3A_80 : vector<1x16xf32> to vector<16xf32>
        %mul3A_82 = arith.mulf %get3A_81, %gather3A_77 : vector<16xf32>
        %swap3A_83 = arith.index_cast %scan3A_56 : i32 to index
        %swap3A_84 = arith.constant 16 : index
        %swap3A_85 = tpu.vector_load %arg17[%swap3A_83, %swap3A_84] {strides = array<i32>} : memref<128x128xf32, #tpu.memory_space<vmem>>, vector<1x16xf32>,
        %swap3A_86 = vector.shape_cast %swap3A_85 : vector<1x16xf32> to vector<16xf32>
        %swap3A_87 = vector.shape_cast %mul3A_82 : vector<16xf32> to vector<1x16xf32>
        tpu.vector_store %arg17[%swap3A_83, %swap3A_84], %swap3A_87 {strides = array<i32>} : memref<128x128xf32, #tpu.memory_space<vmem>>, vector<1x16xf32>,
        %broadcast_in_dim3A_88 = arith.constant 2 : i32
        %broadcast_in_dim3A_89 = vector.broadcast %broadcast_in_dim3A_88 : i32 to vector<16xi32>
        %broadcast_in_dim3A_90 = vector.shape_cast %broadcast_in_dim3A_89 : vector<16xi32> to vector<16x1xi32>
        %gather3A_91 = vector.shape_cast %broadcast_in_dim3A_90 : vector<16x1xi32> to vector<16xi32>
        %gather3A_92 = tpu.dynamic_gather %get3A_60[%gather3A_91] in [0] : vector<16xf32>, vector<16xi32> -> vector<16xf32>
        %get3A_93 = arith.index_cast %scan3A_56 : i32 to index
        %get3A_94 = arith.constant 32 : index
        %get3A_95 = tpu.vector_load %arg17[%get3A_93, %get3A_94] {strides = array<i32>} : memref<128x128xf32, #tpu.memory_space<vmem>>, vector<1x16xf32>,
        %get3A_96 = vector.shape_cast %get3A_95 : vector<1x16xf32> to vector<16xf32>
        %mul3A_97 = arith.mulf %get3A_96, %gather3A_92 : vector<16xf32>
        %swap3A_98 = arith.index_cast %scan3A_56 : i32 to index
        %swap3A_99 = arith.constant 32 : index
        %swap3A_100 = tpu.vector_load %arg17[%swap3A_98, %swap3A_99] {strides = array<i32>} : memref<128x128xf32, #tpu.memory_space<vmem>>, vector<1x16xf32>,
        %swap3A_101 = vector.shape_cast %swap3A_100 : vector<1x16xf32> to vector<16xf32>
        %swap3A_102 = vector.shape_cast %mul3A_97 : vector<16xf32> to vector<1x16xf32>
        tpu.vector_store %arg17[%swap3A_98, %swap3A_99], %swap3A_102 {strides = array<i32>} : memref<128x128xf32, #tpu.memory_space<vmem>>, vector<1x16xf32>,
        %broadcast_in_dim3A_103 = arith.constant 3 : i32
        %broadcast_in_dim3A_104 = vector.broadcast %broadcast_in_dim3A_103 : i32 to vector<16xi32>
        %broadcast_in_dim3A_105 = vector.shape_cast %broadcast_in_dim3A_104 : vector<16xi32> to vector<16x1xi32>
        %gather3A_106 = vector.shape_cast %broadcast_in_dim3A_105 : vector<16x1xi32> to vector<16xi32>
        %gather3A_107 = tpu.dynamic_gather %get3A_60[%gather3A_106] in [0] : vector<16xf32>, vector<16xi32> -> vector<16xf32>
        %get3A_108 = arith.index_cast %scan3A_56 : i32 to index
        %get3A_109 = arith.constant 48 : index
        %get3A_110 = tpu.vector_load %arg17[%get3A_108, %get3A_109] {strides = array<i32>} : memref<128x128xf32, #tpu.memory_space<vmem>>, vector<1x16xf32>,
        %get3A_111 = vector.shape_cast %get3A_110 : vector<1x16xf32> to vector<16xf32>
        %mul3A_112 = arith.mulf %get3A_111, %gather3A_107 : vector<16xf32>
        %swap3A_113 = arith.index_cast %scan3A_56 : i32 to index
        %swap3A_114 = arith.constant 48 : index
        %swap3A_115 = tpu.vector_load %arg17[%swap3A_113, %swap3A_114] {strides = array<i32>} : memref<128x128xf32, #tpu.memory_space<vmem>>, vector<1x16xf32>,
        %swap3A_116 = vector.shape_cast %swap3A_115 : vector<1x16xf32> to vector<16xf32>
        %swap3A_117 = vector.shape_cast %mul3A_112 : vector<16xf32> to vector<1x16xf32>
        tpu.vector_store %arg17[%swap3A_113, %swap3A_114], %swap3A_117 {strides = array<i32>} : memref<128x128xf32, #tpu.memory_space<vmem>>, vector<1x16xf32>,
        %broadcast_in_dim3A_118 = arith.constant 4 : i32
        %broadcast_in_dim3A_119 = vector.broadcast %broadcast_in_dim3A_118 : i32 to vector<16xi32>
        %broadcast_in_dim3A_120 = vector.shape_cast %broadcast_in_dim3A_119 : vector<16xi32> to vector<16x1xi32>
        %gather3A_121 = vector.shape_cast %broadcast_in_dim3A_120 : vector<16x1xi32> to vector<16xi32>
        %gather3A_122 = tpu.dynamic_gather %get3A_60[%gather3A_121] in [0] : vector<16xf32>, vector<16xi32> -> vector<16xf32>
        %get3A_123 = arith.index_cast %scan3A_56 : i32 to index
        %get3A_124 = arith.constant 64 : index
        %get3A_125 = tpu.vector_load %arg17[%get3A_123, %get3A_124] {strides = array<i32>} : memref<128x128xf32, #tpu.memory_space<vmem>>, vector<1x16xf32>,
        %get3A_126 = vector.shape_cast %get3A_125 : vector<1x16xf32> to vector<16xf32>
        %mul3A_127 = arith.mulf %get3A_126, %gather3A_122 : vector<16xf32>
        %swap3A_128 = arith.index_cast %scan3A_56 : i32 to index
        %swap3A_129 = arith.constant 64 : index
        %swap3A_130 = tpu.vector_load %arg17[%swap3A_128, %swap3A_129] {strides = array<i32>} : memref<128x128xf32, #tpu.memory_space<vmem>>, vector<1x16xf32>,
        %swap3A_131 = vector.shape_cast %swap3A_130 : vector<1x16xf32> to vector<16xf32>
        %swap3A_132 = vector.shape_cast %mul3A_127 : vector<16xf32> to vector<1x16xf32>
        tpu.vector_store %arg17[%swap3A_128, %swap3A_129], %swap3A_132 {strides = array<i32>} : memref<128x128xf32, #tpu.memory_space<vmem>>, vector<1x16xf32>,
        %broadcast_in_dim3A_133 = arith.constant 5 : i32
        %broadcast_in_dim3A_134 = vector.broadcast %broadcast_in_dim3A_133 : i32 to vector<16xi32>
        %broadcast_in_dim3A_135 = vector.shape_cast %broadcast_in_dim3A_134 : vector<16xi32> to vector<16x1xi32>
        %gather3A_136 = vector.shape_cast %broadcast_in_dim3A_135 : vector<16x1xi32> to vector<16xi32>
        %gather3A_137 = tpu.dynamic_gather %get3A_60[%gather3A_136] in [0] : vector<16xf32>, vector<16xi32> -> vector<16xf32>
        %get3A_138 = arith.index_cast %scan3A_56 : i32 to index
        %get3A_139 = arith.constant 80 : index
        %get3A_140 = tpu.vector_load %arg17[%get3A_138, %get3A_139] {strides = array<i32>} : memref<128x128xf32, #tpu.memory_space<vmem>>, vector<1x16xf32>,
        %get3A_141 = vector.shape_cast %get3A_140 : vector<1x16xf32> to vector<16xf32>
        %mul3A_142 = arith.mulf %get3A_141, %gather3A_137 : vector<16xf32>
        %swap3A_143 = arith.index_cast %scan3A_56 : i32 to index
        %swap3A_144 = arith.constant 80 : index
        %swap3A_145 = tpu.vector_load %arg17[%swap3A_143, %swap3A_144] {strides = array<i32>} : memref<128x128xf32, #tpu.memory_space<vmem>>, vector<1x16xf32>,
        %swap3A_146 = vector.shape_cast %swap3A_145 : vector<1x16xf32> to vector<16xf32>
        %swap3A_147 = vector.shape_cast %mul3A_142 : vector<16xf32> to vector<1x16xf32>
        tpu.vector_store %arg17[%swap3A_143, %swap3A_144], %swap3A_147 {strides = array<i32>} : memref<128x128xf32, #tpu.memory_space<vmem>>, vector<1x16xf32>,
        %broadcast_in_dim3A_148 = arith.constant 6 : i32
        %broadcast_in_dim3A_149 = vector.broadcast %broadcast_in_dim3A_148 : i32 to vector<16xi32>
        %broadcast_in_dim3A_150 = vector.shape_cast %broadcast_in_dim3A_149 : vector<16xi32> to vector<16x1xi32>
        %gather3A_151 = vector.shape_cast %broadcast_in_dim3A_150 : vector<16x1xi32> to vector<16xi32>
        %gather3A_152 = tpu.dynamic_gather %get3A_60[%gather3A_151] in [0] : vector<16xf32>, vector<16xi32> -> vector<16xf32>
        %get3A_153 = arith.index_cast %scan3A_56 : i32 to index
        %get3A_154 = arith.constant 96 : index
        %get3A_155 = tpu.vector_load %arg17[%get3A_153, %get3A_154] {strides = array<i32>} : memref<128x128xf32, #tpu.memory_space<vmem>>, vector<1x16xf32>,
        %get3A_156 = vector.shape_cast %get3A_155 : vector<1x16xf32> to vector<16xf32>
        %mul3A_157 = arith.mulf %get3A_156, %gather3A_152 : vector<16xf32>
        %swap3A_158 = arith.index_cast %scan3A_56 : i32 to index
        %swap3A_159 = arith.constant 96 : index
        %swap3A_160 = tpu.vector_load %arg17[%swap3A_158, %swap3A_159] {strides = array<i32>} : memref<128x128xf32, #tpu.memory_space<vmem>>, vector<1x16xf32>,
        %swap3A_161 = vector.shape_cast %swap3A_160 : vector<1x16xf32> to vector<16xf32>
        %swap3A_162 = vector.shape_cast %mul3A_157 : vector<16xf32> to vector<1x16xf32>
        tpu.vector_store %arg17[%swap3A_158, %swap3A_159], %swap3A_162 {strides = array<i32>} : memref<128x128xf32, #tpu.memory_space<vmem>>, vector<1x16xf32>,
        %broadcast_in_dim3A_163 = arith.constant 7 : i32
        %broadcast_in_dim3A_164 = vector.broadcast %broadcast_in_dim3A_163 : i32 to vector<16xi32>
        %broadcast_in_dim3A_165 = vector.shape_cast %broadcast_in_dim3A_164 : vector<16xi32> to vector<16x1xi32>
        %gather3A_166 = vector.shape_cast %broadcast_in_dim3A_165 : vector<16x1xi32> to vector<16xi32>
        %gather3A_167 = tpu.dynamic_gather %get3A_60[%gather3A_166] in [0] : vector<16xf32>, vector<16xi32> -> vector<16xf32>
        %get3A_168 = arith.index_cast %scan3A_56 : i32 to index
        %get3A_169 = arith.constant 112 : index
        %get3A_170 = tpu.vector_load %arg17[%get3A_168, %get3A_169] {strides = array<i32>} : memref<128x128xf32, #tpu.memory_space<vmem>>, vector<1x16xf32>,
        %get3A_171 = vector.shape_cast %get3A_170 : vector<1x16xf32> to vector<16xf32>
        %mul3A_172 = arith.mulf %get3A_171, %gather3A_167 : vector<16xf32>
        %swap3A_173 = arith.index_cast %scan3A_56 : i32 to index
        %swap3A_174 = arith.constant 112 : index
        %swap3A_175 = tpu.vector_load %arg17[%swap3A_173, %swap3A_174] {strides = array<i32>} : memref<128x128xf32, #tpu.memory_space<vmem>>, vector<1x16xf32>,
        %swap3A_176 = vector.shape_cast %swap3A_175 : vector<1x16xf32> to vector<16xf32>
        %swap3A_177 = vector.shape_cast %mul3A_172 : vector<16xf32> to vector<1x16xf32>
        tpu.vector_store %arg17[%swap3A_173, %swap3A_174], %swap3A_177 {strides = array<i32>} : memref<128x128xf32, #tpu.memory_space<vmem>>, vector<1x16xf32>,
        %scan3A_178 = arith.constant 0 : i32
        scf.yield %scan3A_178 : i32
      }
      %scan3A_54 = arith.constant 128 : i32
      "tpu.region"() ({
        %run_scoped3A = tpu.sem_alloc : memref<!tpu.dma_semaphore, #tpu.memory_space<semaphore_mem>>
        %dma_start3A_56 = arith.constant 0 : i32
        %dma_start3A_57 = arith.constant 0 : i32
        %dma_start3A_58 = tpu.memref_slice %arg11[%dma_start3A_56, %dma_start3A_57] : memref<10240x16xf32, #tpu.memory_space<vmem_shared>> -> memref<10240x16xf32, #tpu.memory_space<vmem_shared>>
        tpu.enqueue_indirect_dma source(%arg16 : memref<128x16xf32, #tpu.memory_space<vmem>>) target(%dma_start3A_58 : memref<10240x16xf32, #tpu.memory_space<vmem_shared>>) offsets(%arg13 : memref<128xi32, #tpu.memory_space<vmem>>) semaphore(%run_scoped3A : memref<!tpu.dma_semaphore, #tpu.memory_space<semaphore_mem>>) {add = true}
        %dma_wait3A_59 = arith.constant 0 : i32
        %dma_wait3A_60 = arith.constant 0 : i32
        %dma_wait3A_61 = tpu.memref_slice %arg11[%dma_wait3A_59, %dma_wait3A_60] : memref<10240x16xf32, #tpu.memory_space<vmem_shared>> -> memref<10240x16xf32, #tpu.memory_space<vmem_shared>>
        tpu.wait_indirect_dma semaphore(%run_scoped3A : memref<!tpu.dma_semaphore, #tpu.memory_space<semaphore_mem>>) src(%arg16 : memref<128x16xf32, #tpu.memory_space<vmem>>) dst(%dma_wait3A_61 : memref<10240x16xf32, #tpu.memory_space<vmem_shared>>)
        tpu.yield
      }) : () -> ()
      "tpu.region"() ({
        %run_scoped3A = tpu.sem_alloc : memref<!tpu.dma_semaphore, #tpu.memory_space<semaphore_mem>>
        %dma_start3A_56 = arith.constant 0 : i32
        %dma_start3A_57 = arith.constant 0 : i32
        %dma_start3A_58 = tpu.memref_slice %arg10[%dma_start3A_56, %dma_start3A_57] : memref<10240x128xf32, #tpu.memory_space<vmem_shared>> -> memref<10240x128xf32, #tpu.memory_space<vmem_shared>>
        tpu.enqueue_indirect_dma source(%arg17 : memref<128x128xf32, #tpu.memory_space<vmem>>) target(%dma_start3A_58 : memref<10240x128xf32, #tpu.memory_space<vmem_shared>>) offsets(%arg13 : memref<128xi32, #tpu.memory_space<vmem>>) semaphore(%run_scoped3A : memref<!tpu.dma_semaphore, #tpu.memory_space<semaphore_mem>>) {add = true}
        %dma_wait3A_59 = arith.constant 0 : i32
        %dma_wait3A_60 = arith.constant 0 : i32
        %dma_wait3A_61 = tpu.memref_slice %arg10[%dma_wait3A_59, %dma_wait3A_60] : memref<10240x128xf32, #tpu.memory_space<vmem_shared>> -> memref<10240x128xf32, #tpu.memory_space<vmem_shared>>
        tpu.wait_indirect_dma semaphore(%run_scoped3A : memref<!tpu.dma_semaphore, #tpu.memory_space<semaphore_mem>>) src(%arg17 : memref<128x128xf32, #tpu.memory_space<vmem>>) dst(%dma_wait3A_61 : memref<10240x128xf32, #tpu.memory_space<vmem_shared>>)
        tpu.yield
      }) : () -> ()
      %scan3A_55 = arith.constant 0 : i32
      scf.yield %scan3A_55 : i32
    }
    %scan3A_16 = arith.constant 81 : i32
    %barrier3A_17 = arith.constant 0 : index
    tpu.barrier barrier_id(%barrier3A_17)
    "tpu.region"() ({
      %run_scoped3A = tpu.sem_alloc : memref<!tpu.dma_semaphore, #tpu.memory_space<semaphore_mem>>
      %dma_start3A = arith.constant 0 : i32
      %dma_start3A_18 = tpu.memref_slice %arg8[%arg0, %mul3A_2, %dma_start3A] : memref<2x10240x128xf32, #tpu.memory_space<hbm>> -> memref<1x640x128xf32, #tpu.memory_space<hbm>>
      %dma_start3A_19 = tpu.memref_squeeze %dma_start3A_18 : memref<1x640x128xf32, #tpu.memory_space<hbm>> -> memref<640x128xf32, #tpu.memory_space<hbm>>
      %dma_start3A_20 = arith.constant 0 : i32
      %dma_start3A_21 = tpu.memref_slice %arg10[%mul3A_2, %dma_start3A_20] : memref<10240x128xf32, #tpu.memory_space<vmem_shared>> -> memref<640x128xf32, #tpu.memory_space<vmem_shared>>
      tpu.enqueue_dma source(%dma_start3A_21 : memref<640x128xf32, #tpu.memory_space<vmem_shared>>) target(%dma_start3A_19 : memref<640x128xf32, #tpu.memory_space<hbm>>) target_semaphore(%run_scoped3A : memref<!tpu.dma_semaphore, #tpu.memory_space<semaphore_mem>>)
      %dma_wait3A = arith.constant 0 : i32
      %dma_wait3A_22 = tpu.memref_slice %arg8[%arg0, %mul3A_2, %dma_wait3A] : memref<2x10240x128xf32, #tpu.memory_space<hbm>> -> memref<1x640x128xf32, #tpu.memory_space<hbm>>
      %dma_wait3A_23 = tpu.memref_squeeze %dma_wait3A_22 : memref<1x640x128xf32, #tpu.memory_space<hbm>> -> memref<640x128xf32, #tpu.memory_space<hbm>>
      %dma_wait3A_24 = arith.constant 0 : i32
      %dma_wait3A_25 = tpu.memref_slice %arg10[%mul3A_2, %dma_wait3A_24] : memref<10240x128xf32, #tpu.memory_space<vmem_shared>> -> memref<640x128xf32, #tpu.memory_space<vmem_shared>>
      tpu.wait_dma2 semaphore(%run_scoped3A : memref<!tpu.dma_semaphore, #tpu.memory_space<semaphore_mem>>) src(%dma_wait3A_25 : memref<640x128xf32, #tpu.memory_space<vmem_shared>>) dst(%dma_wait3A_23 : memref<640x128xf32, #tpu.memory_space<hbm>>)
      tpu.yield
    }) : () -> ()
    "tpu.region"() ({
      %run_scoped3A = tpu.sem_alloc : memref<!tpu.dma_semaphore, #tpu.memory_space<semaphore_mem>>
      %dma_start3A = arith.constant 0 : i32
      %dma_start3A_18 = tpu.memref_slice %arg9[%arg0, %mul3A_2, %dma_start3A] : memref<2x10240x16xf32, #tpu.memory_space<hbm>> -> memref<1x640x16xf32, #tpu.memory_space<hbm>>
      %dma_start3A_19 = tpu.memref_squeeze %dma_start3A_18 : memref<1x640x16xf32, #tpu.memory_space<hbm>> -> memref<640x16xf32, #tpu.memory_space<hbm>>
      %dma_start3A_20 = arith.constant 0 : i32
      %dma_start3A_21 = tpu.memref_slice %arg11[%mul3A_2, %dma_start3A_20] : memref<10240x16xf32, #tpu.memory_space<vmem_shared>> -> memref<640x16xf32, #tpu.memory_space<vmem_shared>>
      tpu.enqueue_dma source(%dma_start3A_21 : memref<640x16xf32, #tpu.memory_space<vmem_shared>>) target(%dma_start3A_19 : memref<640x16xf32, #tpu.memory_space<hbm>>) target_semaphore(%run_scoped3A : memref<!tpu.dma_semaphore, #tpu.memory_space<semaphore_mem>>)
      %dma_wait3A = arith.constant 0 : i32
      %dma_wait3A_22 = tpu.memref_slice %arg9[%arg0, %mul3A_2, %dma_wait3A] : memref<2x10240x16xf32, #tpu.memory_space<hbm>> -> memref<1x640x16xf32, #tpu.memory_space<hbm>>
      %dma_wait3A_23 = tpu.memref_squeeze %dma_wait3A_22 : memref<1x640x16xf32, #tpu.memory_space<hbm>> -> memref<640x16xf32, #tpu.memory_space<hbm>>
      %dma_wait3A_24 = arith.constant 0 : i32
      %dma_wait3A_25 = tpu.memref_slice %arg11[%mul3A_2, %dma_wait3A_24] : memref<10240x16xf32, #tpu.memory_space<vmem_shared>> -> memref<640x16xf32, #tpu.memory_space<vmem_shared>>
      tpu.wait_dma2 semaphore(%run_scoped3A : memref<!tpu.dma_semaphore, #tpu.memory_space<semaphore_mem>>) src(%dma_wait3A_25 : memref<640x16xf32, #tpu.memory_space<vmem_shared>>) dst(%dma_wait3A_23 : memref<640x16xf32, #tpu.memory_space<hbm>>)
      tpu.yield
    }) : () -> ()
    return
  }
}

module attributes {stable_mosaic.version = 14 : i64} {
  func.func @body(%arg0: memref<10240x128xf32, #tpu.memory_space<vmem>>, %arg1: memref<128x128xf32, #tpu.memory_space<vmem>>, %arg2: memref<128x16xf32, #tpu.memory_space<vmem>>, %arg3: memref<10240x128xf32, #tpu.memory_space<vmem>>, %arg4: memref<10240x16xf32, #tpu.memory_space<vmem>>) attributes {dimension_semantics = [], scalar_prefetch = 0 : i64, scratch_operands = 0 : i64, tpu.core_type = #tpu.core_type<tc>} {
    %get3A = arith.constant 0 : index
    %get3A_0 = arith.constant 0 : index
    %get3A_1 = vector.load %arg0[%get3A, %get3A_0] : memref<10240x128xf32, #tpu.memory_space<vmem>>, vector<10240x128xf32>
    %get3A_2 = arith.constant 0 : index
    %get3A_3 = arith.constant 0 : index
    %get3A_4 = vector.load %arg1[%get3A_2, %get3A_3] : memref<128x128xf32, #tpu.memory_space<vmem>>, vector<128x128xf32>
    %dot_general3A = arith.constant dense<0.000000e+00> : vector<10240x128xf32>
    %dot_general3A_5 = tpu.matmul %get3A_1, %get3A_4, %dot_general3A {dimension_numbers = #tpu.dot_dimension_numbers<[1], [0], [0], [1], [0, 0, 1, 1], [], []>, transpose_lhs_hint = false} : vector<10240x128xf32>, vector<128x128xf32>, vector<10240x128xf32> -> vector<10240x128xf32>
    %swap3A = arith.constant 0 : index
    %swap3A_6 = arith.constant 0 : index
    %swap3A_7 = vector.load %arg3[%swap3A, %swap3A_6] : memref<10240x128xf32, #tpu.memory_space<vmem>>, vector<10240x128xf32>
    tpu.vector_store %arg3[%swap3A, %swap3A_6], %dot_general3A_5 {strides = array<i32>} : memref<10240x128xf32, #tpu.memory_space<vmem>>, vector<10240x128xf32>,
    %get3A_8 = arith.constant 0 : index
    %get3A_9 = arith.constant 0 : index
    %get3A_10 = vector.load %arg2[%get3A_8, %get3A_9] : memref<128x16xf32, #tpu.memory_space<vmem>>, vector<128x16xf32>
    %dot_general3A_11 = arith.constant dense<0.000000e+00> : vector<10240x16xf32>
    %dot_general3A_12 = tpu.matmul %get3A_1, %get3A_10, %dot_general3A_11 {dimension_numbers = #tpu.dot_dimension_numbers<[1], [0], [0], [1], [0, 0, 1, 1], [], []>, transpose_lhs_hint = false} : vector<10240x128xf32>, vector<128x16xf32>, vector<10240x16xf32> -> vector<10240x16xf32>
    %swap3A_13 = arith.constant 0 : index
    %swap3A_14 = arith.constant 0 : index
    %swap3A_15 = vector.load %arg4[%swap3A_13, %swap3A_14] : memref<10240x16xf32, #tpu.memory_space<vmem>>, vector<10240x16xf32>
    tpu.vector_store %arg4[%swap3A_13, %swap3A_14], %dot_general3A_12 {strides = array<i32>} : memref<10240x16xf32, #tpu.memory_space<vmem>>, vector<10240x16xf32>,
    return
  }
}

module attributes {stable_mosaic.version = 14 : i64} {
  func.func @body(%arg0: memref<10240x128xf32, #tpu.memory_space<vmem>>, %arg1: memref<10240x128xf32, #tpu.memory_space<vmem>>, %arg2: memref<10240x16xf32, #tpu.memory_space<vmem>>, %arg3: memref<10240x16xf32, #tpu.memory_space<vmem>>, %arg4: memref<16x128xf32, #tpu.memory_space<vmem>>, %arg5: memref<1x128xf32, #tpu.memory_space<vmem>>, %arg6: memref<128x128xf32, #tpu.memory_space<vmem>>, %arg7: memref<128x16xf32, #tpu.memory_space<vmem>>, %arg8: memref<10240x128xf32, #tpu.memory_space<vmem>>, %arg9: memref<10240x128xf32, #tpu.memory_space<vmem>>, %arg10: memref<10240x16xf32, #tpu.memory_space<vmem>>) attributes {dimension_semantics = [], scalar_prefetch = 0 : i64, scratch_operands = 0 : i64, tpu.core_type = #tpu.core_type<tc>} {
    %get3A = arith.constant 0 : index
    %get3A_0 = arith.constant 0 : index
    %get3A_1 = vector.load %arg2[%get3A, %get3A_0] : memref<10240x16xf32, #tpu.memory_space<vmem>>, vector<10240x16xf32>
    %get3A_2 = arith.constant 0 : index
    %get3A_3 = arith.constant 0 : index
    %get3A_4 = vector.load %arg3[%get3A_2, %get3A_3] : memref<10240x16xf32, #tpu.memory_space<vmem>>, vector<10240x16xf32>
    %add3A = arith.addf %get3A_1, %get3A_4 : vector<10240x16xf32>
    %get3A_5 = arith.constant 0 : index
    %get3A_6 = arith.constant 0 : index
    %get3A_7 = vector.load %arg4[%get3A_5, %get3A_6] : memref<16x128xf32, #tpu.memory_space<vmem>>, vector<16x128xf32>
    %dot_general3A = arith.constant dense<0.000000e+00> : vector<10240x128xf32>
    %dot_general3A_8 = tpu.matmul %add3A, %get3A_7, %dot_general3A {dimension_numbers = #tpu.dot_dimension_numbers<[1], [0], [0], [1], [0, 0, 1, 1], [], []>, transpose_lhs_hint = false} : vector<10240x16xf32>, vector<16x128xf32>, vector<10240x128xf32> -> vector<10240x128xf32>
    %get3A_9 = arith.constant 0 : index
    %get3A_10 = arith.constant 0 : index
    %get3A_11 = vector.load %arg0[%get3A_9, %get3A_10] : memref<10240x128xf32, #tpu.memory_space<vmem>>, vector<10240x128xf32>
    %get3A_12 = arith.constant 0 : index
    %get3A_13 = arith.constant 0 : index
    %get3A_14 = vector.load %arg1[%get3A_12, %get3A_13] : memref<10240x128xf32, #tpu.memory_space<vmem>>, vector<10240x128xf32>
    %add3A_15 = arith.addf %get3A_11, %get3A_14 : vector<10240x128xf32>
    %add3A_16 = arith.constant 1.000000e-16 : f32
    %add3A_17 = vector.broadcast %add3A_16 : f32 to vector<10240x128xf32>
    %add3A_18 = arith.addf %dot_general3A_8, %add3A_17 : vector<10240x128xf32>
    %div3A = arith.divf %add3A_15, %add3A_18 : vector<10240x128xf32>
    %get3A_19 = arith.constant 0 : index
    %get3A_20 = arith.constant 0 : index
    %get3A_21 = vector.load %arg5[%get3A_19, %get3A_20] : memref<1x128xf32, #tpu.memory_space<vmem>>, vector<1x128xf32>
    %add3A_22 = vector.broadcast %get3A_21 : vector<1x128xf32> to vector<10240x128xf32>
    %add3A_23 = arith.addf %div3A, %add3A_22 : vector<10240x128xf32>
    %max3A = arith.constant 0.000000e+00 : f32
    %max3A_24 = vector.broadcast %max3A : f32 to vector<10240x128xf32>
    %max3A_25 = arith.maximumf %add3A_23, %max3A_24 : vector<10240x128xf32>
    %swap3A = arith.constant 0 : index
    %swap3A_26 = arith.constant 0 : index
    %swap3A_27 = vector.load %arg8[%swap3A, %swap3A_26] : memref<10240x128xf32, #tpu.memory_space<vmem>>, vector<10240x128xf32>
    tpu.vector_store %arg8[%swap3A, %swap3A_26], %max3A_25 {strides = array<i32>} : memref<10240x128xf32, #tpu.memory_space<vmem>>, vector<10240x128xf32>,
    %get3A_28 = arith.constant 0 : index
    %get3A_29 = arith.constant 0 : index
    %get3A_30 = vector.load %arg6[%get3A_28, %get3A_29] : memref<128x128xf32, #tpu.memory_space<vmem>>, vector<128x128xf32>
    %dot_general3A_31 = arith.constant dense<0.000000e+00> : vector<10240x128xf32>
    %dot_general3A_32 = tpu.matmul %max3A_25, %get3A_30, %dot_general3A_31 {dimension_numbers = #tpu.dot_dimension_numbers<[1], [0], [0], [1], [0, 0, 1, 1], [], []>, transpose_lhs_hint = false} : vector<10240x128xf32>, vector<128x128xf32>, vector<10240x128xf32> -> vector<10240x128xf32>
    %swap3A_33 = arith.constant 0 : index
    %swap3A_34 = arith.constant 0 : index
    %swap3A_35 = vector.load %arg9[%swap3A_33, %swap3A_34] : memref<10240x128xf32, #tpu.memory_space<vmem>>, vector<10240x128xf32>
    tpu.vector_store %arg9[%swap3A_33, %swap3A_34], %dot_general3A_32 {strides = array<i32>} : memref<10240x128xf32, #tpu.memory_space<vmem>>, vector<10240x128xf32>,
    %get3A_36 = arith.constant 0 : index
    %get3A_37 = arith.constant 0 : index
    %get3A_38 = vector.load %arg7[%get3A_36, %get3A_37] : memref<128x16xf32, #tpu.memory_space<vmem>>, vector<128x16xf32>
    %dot_general3A_39 = arith.constant dense<0.000000e+00> : vector<10240x16xf32>
    %dot_general3A_40 = tpu.matmul %max3A_25, %get3A_38, %dot_general3A_39 {dimension_numbers = #tpu.dot_dimension_numbers<[1], [0], [0], [1], [0, 0, 1, 1], [], []>, transpose_lhs_hint = false} : vector<10240x128xf32>, vector<128x16xf32>, vector<10240x16xf32> -> vector<10240x16xf32>
    %swap3A_41 = arith.constant 0 : index
    %swap3A_42 = arith.constant 0 : index
    %swap3A_43 = vector.load %arg10[%swap3A_41, %swap3A_42] : memref<10240x16xf32, #tpu.memory_space<vmem>>, vector<10240x16xf32>
    tpu.vector_store %arg10[%swap3A_41, %swap3A_42], %dot_general3A_40 {strides = array<i32>} : memref<10240x16xf32, #tpu.memory_space<vmem>>, vector<10240x16xf32>,
    return
  }
}

module attributes {stable_mosaic.version = 14 : i64} {
  func.func @body(%arg0: memref<10240x128xf32, #tpu.memory_space<vmem>>, %arg1: memref<10240x128xf32, #tpu.memory_space<vmem>>, %arg2: memref<10240x16xf32, #tpu.memory_space<vmem>>, %arg3: memref<10240x16xf32, #tpu.memory_space<vmem>>, %arg4: memref<16x128xf32, #tpu.memory_space<vmem>>, %arg5: memref<1x128xf32, #tpu.memory_space<vmem>>, %arg6: memref<10240x128xf32, #tpu.memory_space<vmem>>, %arg7: memref<128x128xf32, #tpu.memory_space<vmem>>, %arg8: memref<128x16xf32, #tpu.memory_space<vmem>>, %arg9: memref<10240x128xf32, #tpu.memory_space<vmem>>, %arg10: memref<10240x128xf32, #tpu.memory_space<vmem>>, %arg11: memref<10240x16xf32, #tpu.memory_space<vmem>>) attributes {dimension_semantics = [], scalar_prefetch = 0 : i64, scratch_operands = 0 : i64, tpu.core_type = #tpu.core_type<tc>} {
    %get3A = arith.constant 0 : index
    %get3A_0 = arith.constant 0 : index
    %get3A_1 = vector.load %arg2[%get3A, %get3A_0] : memref<10240x16xf32, #tpu.memory_space<vmem>>, vector<10240x16xf32>
    %get3A_2 = arith.constant 0 : index
    %get3A_3 = arith.constant 0 : index
    %get3A_4 = vector.load %arg3[%get3A_2, %get3A_3] : memref<10240x16xf32, #tpu.memory_space<vmem>>, vector<10240x16xf32>
    %add3A = arith.addf %get3A_1, %get3A_4 : vector<10240x16xf32>
    %get3A_5 = arith.constant 0 : index
    %get3A_6 = arith.constant 0 : index
    %get3A_7 = vector.load %arg4[%get3A_5, %get3A_6] : memref<16x128xf32, #tpu.memory_space<vmem>>, vector<16x128xf32>
    %dot_general3A = arith.constant dense<0.000000e+00> : vector<10240x128xf32>
    %dot_general3A_8 = tpu.matmul %add3A, %get3A_7, %dot_general3A {dimension_numbers = #tpu.dot_dimension_numbers<[1], [0], [0], [1], [0, 0, 1, 1], [], []>, transpose_lhs_hint = false} : vector<10240x16xf32>, vector<16x128xf32>, vector<10240x128xf32> -> vector<10240x128xf32>
    %get3A_9 = arith.constant 0 : index
    %get3A_10 = arith.constant 0 : index
    %get3A_11 = vector.load %arg0[%get3A_9, %get3A_10] : memref<10240x128xf32, #tpu.memory_space<vmem>>, vector<10240x128xf32>
    %get3A_12 = arith.constant 0 : index
    %get3A_13 = arith.constant 0 : index
    %get3A_14 = vector.load %arg1[%get3A_12, %get3A_13] : memref<10240x128xf32, #tpu.memory_space<vmem>>, vector<10240x128xf32>
    %add3A_15 = arith.addf %get3A_11, %get3A_14 : vector<10240x128xf32>
    %add3A_16 = arith.constant 1.000000e-16 : f32
    %add3A_17 = vector.broadcast %add3A_16 : f32 to vector<10240x128xf32>
    %add3A_18 = arith.addf %dot_general3A_8, %add3A_17 : vector<10240x128xf32>
    %div3A = arith.divf %add3A_15, %add3A_18 : vector<10240x128xf32>
    %get3A_19 = arith.constant 0 : index
    %get3A_20 = arith.constant 0 : index
    %get3A_21 = vector.load %arg5[%get3A_19, %get3A_20] : memref<1x128xf32, #tpu.memory_space<vmem>>, vector<1x128xf32>
    %add3A_22 = vector.broadcast %get3A_21 : vector<1x128xf32> to vector<10240x128xf32>
    %add3A_23 = arith.addf %div3A, %add3A_22 : vector<10240x128xf32>
    %max3A = arith.constant 0.000000e+00 : f32
    %max3A_24 = vector.broadcast %max3A : f32 to vector<10240x128xf32>
    %max3A_25 = arith.maximumf %add3A_23, %max3A_24 : vector<10240x128xf32>
    %get3A_26 = arith.constant 0 : index
    %get3A_27 = arith.constant 0 : index
    %get3A_28 = vector.load %arg6[%get3A_26, %get3A_27] : memref<10240x128xf32, #tpu.memory_space<vmem>>, vector<10240x128xf32>
    %add3A_29 = arith.addf %max3A_25, %get3A_28 : vector<10240x128xf32>
    %swap3A = arith.constant 0 : index
    %swap3A_30 = arith.constant 0 : index
    %swap3A_31 = vector.load %arg9[%swap3A, %swap3A_30] : memref<10240x128xf32, #tpu.memory_space<vmem>>, vector<10240x128xf32>
    tpu.vector_store %arg9[%swap3A, %swap3A_30], %add3A_29 {strides = array<i32>} : memref<10240x128xf32, #tpu.memory_space<vmem>>, vector<10240x128xf32>,
    %get3A_32 = arith.constant 0 : index
    %get3A_33 = arith.constant 0 : index
    %get3A_34 = vector.load %arg7[%get3A_32, %get3A_33] : memref<128x128xf32, #tpu.memory_space<vmem>>, vector<128x128xf32>
    %dot_general3A_35 = arith.constant dense<0.000000e+00> : vector<10240x128xf32>
    %dot_general3A_36 = tpu.matmul %add3A_29, %get3A_34, %dot_general3A_35 {dimension_numbers = #tpu.dot_dimension_numbers<[1], [0], [0], [1], [0, 0, 1, 1], [], []>, transpose_lhs_hint = false} : vector<10240x128xf32>, vector<128x128xf32>, vector<10240x128xf32> -> vector<10240x128xf32>
    %swap3A_37 = arith.constant 0 : index
    %swap3A_38 = arith.constant 0 : index
    %swap3A_39 = vector.load %arg10[%swap3A_37, %swap3A_38] : memref<10240x128xf32, #tpu.memory_space<vmem>>, vector<10240x128xf32>
    tpu.vector_store %arg10[%swap3A_37, %swap3A_38], %dot_general3A_36 {strides = array<i32>} : memref<10240x128xf32, #tpu.memory_space<vmem>>, vector<10240x128xf32>,
    %get3A_40 = arith.constant 0 : index
    %get3A_41 = arith.constant 0 : index
    %get3A_42 = vector.load %arg8[%get3A_40, %get3A_41] : memref<128x16xf32, #tpu.memory_space<vmem>>, vector<128x16xf32>
    %dot_general3A_43 = arith.constant dense<0.000000e+00> : vector<10240x16xf32>
    %dot_general3A_44 = tpu.matmul %add3A_29, %get3A_42, %dot_general3A_43 {dimension_numbers = #tpu.dot_dimension_numbers<[1], [0], [0], [1], [0, 0, 1, 1], [], []>, transpose_lhs_hint = false} : vector<10240x128xf32>, vector<128x16xf32>, vector<10240x16xf32> -> vector<10240x16xf32>
    %swap3A_45 = arith.constant 0 : index
    %swap3A_46 = arith.constant 0 : index
    %swap3A_47 = vector.load %arg11[%swap3A_45, %swap3A_46] : memref<10240x16xf32, #tpu.memory_space<vmem>>, vector<10240x16xf32>
    tpu.vector_store %arg11[%swap3A_45, %swap3A_46], %dot_general3A_44 {strides = array<i32>} : memref<10240x16xf32, #tpu.memory_space<vmem>>, vector<10240x16xf32>,
    return
  }
}

module attributes {stable_mosaic.version = 14 : i64} {
  func.func @body(%arg0: memref<10240x128xf32, #tpu.memory_space<vmem>>, %arg1: memref<10240x128xf32, #tpu.memory_space<vmem>>, %arg2: memref<10240x16xf32, #tpu.memory_space<vmem>>, %arg3: memref<10240x16xf32, #tpu.memory_space<vmem>>, %arg4: memref<16x128xf32, #tpu.memory_space<vmem>>, %arg5: memref<1x128xf32, #tpu.memory_space<vmem>>, %arg6: memref<10240x128xf32, #tpu.memory_space<vmem>>, %arg7: memref<128x64xf32, #tpu.memory_space<vmem>>, %arg8: memref<128x16xf32, #tpu.memory_space<vmem>>, %arg9: memref<10240x128xf32, #tpu.memory_space<vmem>>, %arg10: memref<10240x64xf32, #tpu.memory_space<vmem>>, %arg11: memref<10240x16xf32, #tpu.memory_space<vmem>>) attributes {dimension_semantics = [], scalar_prefetch = 0 : i64, scratch_operands = 0 : i64, tpu.core_type = #tpu.core_type<tc>} {
    %get3A = arith.constant 0 : index
    %get3A_0 = arith.constant 0 : index
    %get3A_1 = vector.load %arg2[%get3A, %get3A_0] : memref<10240x16xf32, #tpu.memory_space<vmem>>, vector<10240x16xf32>
    %get3A_2 = arith.constant 0 : index
    %get3A_3 = arith.constant 0 : index
    %get3A_4 = vector.load %arg3[%get3A_2, %get3A_3] : memref<10240x16xf32, #tpu.memory_space<vmem>>, vector<10240x16xf32>
    %add3A = arith.addf %get3A_1, %get3A_4 : vector<10240x16xf32>
    %get3A_5 = arith.constant 0 : index
    %get3A_6 = arith.constant 0 : index
    %get3A_7 = vector.load %arg4[%get3A_5, %get3A_6] : memref<16x128xf32, #tpu.memory_space<vmem>>, vector<16x128xf32>
    %dot_general3A = arith.constant dense<0.000000e+00> : vector<10240x128xf32>
    %dot_general3A_8 = tpu.matmul %add3A, %get3A_7, %dot_general3A {dimension_numbers = #tpu.dot_dimension_numbers<[1], [0], [0], [1], [0, 0, 1, 1], [], []>, transpose_lhs_hint = false} : vector<10240x16xf32>, vector<16x128xf32>, vector<10240x128xf32> -> vector<10240x128xf32>
    %get3A_9 = arith.constant 0 : index
    %get3A_10 = arith.constant 0 : index
    %get3A_11 = vector.load %arg0[%get3A_9, %get3A_10] : memref<10240x128xf32, #tpu.memory_space<vmem>>, vector<10240x128xf32>
    %get3A_12 = arith.constant 0 : index
    %get3A_13 = arith.constant 0 : index
    %get3A_14 = vector.load %arg1[%get3A_12, %get3A_13] : memref<10240x128xf32, #tpu.memory_space<vmem>>, vector<10240x128xf32>
    %add3A_15 = arith.addf %get3A_11, %get3A_14 : vector<10240x128xf32>
    %add3A_16 = arith.constant 1.000000e-16 : f32
    %add3A_17 = vector.broadcast %add3A_16 : f32 to vector<10240x128xf32>
    %add3A_18 = arith.addf %dot_general3A_8, %add3A_17 : vector<10240x128xf32>
    %div3A = arith.divf %add3A_15, %add3A_18 : vector<10240x128xf32>
    %get3A_19 = arith.constant 0 : index
    %get3A_20 = arith.constant 0 : index
    %get3A_21 = vector.load %arg5[%get3A_19, %get3A_20] : memref<1x128xf32, #tpu.memory_space<vmem>>, vector<1x128xf32>
    %add3A_22 = vector.broadcast %get3A_21 : vector<1x128xf32> to vector<10240x128xf32>
    %add3A_23 = arith.addf %div3A, %add3A_22 : vector<10240x128xf32>
    %max3A = arith.constant 0.000000e+00 : f32
    %max3A_24 = vector.broadcast %max3A : f32 to vector<10240x128xf32>
    %max3A_25 = arith.maximumf %add3A_23, %max3A_24 : vector<10240x128xf32>
    %get3A_26 = arith.constant 0 : index
    %get3A_27 = arith.constant 0 : index
    %get3A_28 = vector.load %arg6[%get3A_26, %get3A_27] : memref<10240x128xf32, #tpu.memory_space<vmem>>, vector<10240x128xf32>
    %add3A_29 = arith.addf %max3A_25, %get3A_28 : vector<10240x128xf32>
    %swap3A = arith.constant 0 : index
    %swap3A_30 = arith.constant 0 : index
    %swap3A_31 = vector.load %arg9[%swap3A, %swap3A_30] : memref<10240x128xf32, #tpu.memory_space<vmem>>, vector<10240x128xf32>
    tpu.vector_store %arg9[%swap3A, %swap3A_30], %add3A_29 {strides = array<i32>} : memref<10240x128xf32, #tpu.memory_space<vmem>>, vector<10240x128xf32>,
    %get3A_32 = arith.constant 0 : index
    %get3A_33 = arith.constant 0 : index
    %get3A_34 = vector.load %arg7[%get3A_32, %get3A_33] : memref<128x64xf32, #tpu.memory_space<vmem>>, vector<128x64xf32>
    %dot_general3A_35 = arith.constant dense<0.000000e+00> : vector<10240x64xf32>
    %dot_general3A_36 = tpu.matmul %add3A_29, %get3A_34, %dot_general3A_35 {dimension_numbers = #tpu.dot_dimension_numbers<[1], [0], [0], [1], [0, 0, 1, 1], [], []>, transpose_lhs_hint = false} : vector<10240x128xf32>, vector<128x64xf32>, vector<10240x64xf32> -> vector<10240x64xf32>
    %swap3A_37 = arith.constant 0 : index
    %swap3A_38 = arith.constant 0 : index
    %swap3A_39 = vector.load %arg10[%swap3A_37, %swap3A_38] : memref<10240x64xf32, #tpu.memory_space<vmem>>, vector<10240x64xf32>
    tpu.vector_store %arg10[%swap3A_37, %swap3A_38], %dot_general3A_36 {strides = array<i32>} : memref<10240x64xf32, #tpu.memory_space<vmem>>, vector<10240x64xf32>,
    %get3A_40 = arith.constant 0 : index
    %get3A_41 = arith.constant 0 : index
    %get3A_42 = vector.load %arg8[%get3A_40, %get3A_41] : memref<128x16xf32, #tpu.memory_space<vmem>>, vector<128x16xf32>
    %dot_general3A_43 = arith.constant dense<0.000000e+00> : vector<10240x16xf32>
    %dot_general3A_44 = tpu.matmul %add3A_29, %get3A_42, %dot_general3A_43 {dimension_numbers = #tpu.dot_dimension_numbers<[1], [0], [0], [1], [0, 0, 1, 1], [], []>, transpose_lhs_hint = false} : vector<10240x128xf32>, vector<128x16xf32>, vector<10240x16xf32> -> vector<10240x16xf32>
    %swap3A_45 = arith.constant 0 : index
    %swap3A_46 = arith.constant 0 : index
    %swap3A_47 = vector.load %arg11[%swap3A_45, %swap3A_46] : memref<10240x16xf32, #tpu.memory_space<vmem>>, vector<10240x16xf32>
    tpu.vector_store %arg11[%swap3A_45, %swap3A_46], %dot_general3A_44 {strides = array<i32>} : memref<10240x16xf32, #tpu.memory_space<vmem>>, vector<10240x16xf32>,
    return
  }
}

module attributes {stable_mosaic.version = 14 : i64} {
  func.func @body(%arg0: memref<10240x64xf32, #tpu.memory_space<vmem>>, %arg1: memref<10240x64xf32, #tpu.memory_space<vmem>>, %arg2: memref<10240x16xf32, #tpu.memory_space<vmem>>, %arg3: memref<10240x16xf32, #tpu.memory_space<vmem>>, %arg4: memref<16x64xf32, #tpu.memory_space<vmem>>, %arg5: memref<1x64xf32, #tpu.memory_space<vmem>>, %arg6: memref<10240x64xf32, #tpu.memory_space<vmem>>) attributes {dimension_semantics = [], scalar_prefetch = 0 : i64, scratch_operands = 0 : i64, tpu.core_type = #tpu.core_type<tc>} {
    %get3A = arith.constant 0 : index
    %get3A_0 = arith.constant 0 : index
    %get3A_1 = vector.load %arg2[%get3A, %get3A_0] : memref<10240x16xf32, #tpu.memory_space<vmem>>, vector<10240x16xf32>
    %get3A_2 = arith.constant 0 : index
    %get3A_3 = arith.constant 0 : index
    %get3A_4 = vector.load %arg3[%get3A_2, %get3A_3] : memref<10240x16xf32, #tpu.memory_space<vmem>>, vector<10240x16xf32>
    %add3A = arith.addf %get3A_1, %get3A_4 : vector<10240x16xf32>
    %get3A_5 = arith.constant 0 : index
    %get3A_6 = arith.constant 0 : index
    %get3A_7 = vector.load %arg4[%get3A_5, %get3A_6] : memref<16x64xf32, #tpu.memory_space<vmem>>, vector<16x64xf32>
    %dot_general3A = arith.constant dense<0.000000e+00> : vector<10240x64xf32>
    %dot_general3A_8 = tpu.matmul %add3A, %get3A_7, %dot_general3A {dimension_numbers = #tpu.dot_dimension_numbers<[1], [0], [0], [1], [0, 0, 1, 1], [], []>, transpose_lhs_hint = false} : vector<10240x16xf32>, vector<16x64xf32>, vector<10240x64xf32> -> vector<10240x64xf32>
    %get3A_9 = arith.constant 0 : index
    %get3A_10 = arith.constant 0 : index
    %get3A_11 = vector.load %arg0[%get3A_9, %get3A_10] : memref<10240x64xf32, #tpu.memory_space<vmem>>, vector<10240x64xf32>
    %get3A_12 = arith.constant 0 : index
    %get3A_13 = arith.constant 0 : index
    %get3A_14 = vector.load %arg1[%get3A_12, %get3A_13] : memref<10240x64xf32, #tpu.memory_space<vmem>>, vector<10240x64xf32>
    %add3A_15 = arith.addf %get3A_11, %get3A_14 : vector<10240x64xf32>
    %add3A_16 = arith.constant 1.000000e-16 : f32
    %add3A_17 = vector.broadcast %add3A_16 : f32 to vector<10240x64xf32>
    %add3A_18 = arith.addf %dot_general3A_8, %add3A_17 : vector<10240x64xf32>
    %div3A = arith.divf %add3A_15, %add3A_18 : vector<10240x64xf32>
    %get3A_19 = arith.constant 0 : index
    %get3A_20 = arith.constant 0 : index
    %get3A_21 = vector.load %arg5[%get3A_19, %get3A_20] : memref<1x64xf32, #tpu.memory_space<vmem>>, vector<1x64xf32>
    %add3A_22 = vector.broadcast %get3A_21 : vector<1x64xf32> to vector<10240x64xf32>
    %add3A_23 = arith.addf %div3A, %add3A_22 : vector<10240x64xf32>
    %iota3A = tpu.iota {dimensions = array<i32: 1>} : vector<10240x64xi32>
    %lt3A = arith.constant 40 : i32
    %lt3A_24 = vector.broadcast %lt3A : i32 to vector<10240x64xi32>
    %lt3A_25 = arith.cmpi slt, %iota3A, %lt3A_24 : vector<10240x64xi32>
    %jit3A = arith.constant 0xFF800000 : f32
    %broadcast_in_dim3A = vector.broadcast %jit3A : f32 to vector<10240x64xf32>
    %select_n3A = arith.select %lt3A_25, %add3A_23, %broadcast_in_dim3A : vector<10240x64xi1>, vector<10240x64xf32>
    %reduce_max3A = arith.constant dense<0xFF800000> : vector<10240xf32>
    %reduce_max3A_26 = vector.multi_reduction <maximumf>, %select_n3A, %reduce_max3A [1] : vector<10240x64xf32> to vector<10240xf32>
    %broadcast_in_dim3A_27 = vector.shape_cast %reduce_max3A_26 : vector<10240xf32> to vector<10240x1xf32>
    %sub3A = vector.broadcast %broadcast_in_dim3A_27 : vector<10240x1xf32> to vector<10240x64xf32>
    %sub3A_28 = arith.subf %select_n3A, %sub3A : vector<10240x64xf32>
    %exp3A = math.exp %sub3A_28 : vector<10240x64xf32>
    %reduce_sum3A = arith.constant dense<0.000000e+00> : vector<10240xf32>
    %reduce_sum3A_29 = vector.multi_reduction <add>, %exp3A, %reduce_sum3A [1] : vector<10240x64xf32> to vector<10240xf32>
    %broadcast_in_dim3A_30 = vector.shape_cast %reduce_sum3A_29 : vector<10240xf32> to vector<10240x1xf32>
    %log3A = math.log %broadcast_in_dim3A_30 : vector<10240x1xf32>
    %add3A_31 = arith.addf %broadcast_in_dim3A_27, %log3A : vector<10240x1xf32>
    %sub3A_32 = vector.broadcast %add3A_31 : vector<10240x1xf32> to vector<10240x64xf32>
    %sub3A_33 = arith.subf %add3A_23, %sub3A_32 : vector<10240x64xf32>
    %swap3A = arith.constant 0 : index
    %swap3A_34 = arith.constant 0 : index
    %swap3A_35 = vector.load %arg6[%swap3A, %swap3A_34] : memref<10240x64xf32, #tpu.memory_space<vmem>>, vector<10240x64xf32>
    tpu.vector_store %arg6[%swap3A, %swap3A_34], %sub3A_33 {strides = array<i32>} : memref<10240x64xf32, #tpu.memory_space<vmem>>, vector<10240x64xf32>,
    return
  }
}

</mosaic_0001>

<sc_bundles>
// kernel: kernel.11.cloned.1.call-start
scs
__scs_entry_jumppad:
0x0: {  	(pc) =	sbr.rel $0x88, $3  }
0x1: {  	(tag) =	ssettag $0x0;
	lr =	simm.s32 $0x1  }
0x2: {  	[smem:$0x3F8F] =	sst lr;
	_ =	strace $0xD0000000  }
0x3: {  	_ = 	snop  }
0x4: {  	_ = 	snop  }
0x5: {  	_ = 	snop  }
0x6: {  	_ = 	snop  }
0x7: {  	_ = 	snop  }
__scs_overlays_trampoline_lowered:
0x8: {  	[smem:$0x3F9E] =	sst s0  }
0x9: {  	[smem:$0x3F9F] =	sst s1  }
0xa: {  	[smem:$0x3FA0] =	sst s2  }
0xb: {  	[smem:$0x3FA1] =	sst s3  }
0xc: {  	[smem:$0x3FA2] =	sst s4  }
0xd: {  	[smem:$0x3FA3] =	sst s5  }
0xe: {  	[smem:$0x3FA4] =	sst s6  }
0xf: {  	[smem:$0x3FA5] =	sst s7  }
0x10: {  	[smem:$0x3FA6] =	sst s8  }
0x11: {  	[smem:$0x3FA7] =	sst s9;
	s0 =	simm.s32 @!p0 $0x0  }
0x12: {  	s1 =	sld [smem:$0x3F8D];
	s0 =	simm.s32 @p0 $0x1  }
0x13: {  	[smem:$0x3FA8] =	sst s0;
	s0 =	simm.s32 @!p1 $0x0  }
0x14: {  	s2 =	sld [smem:$0x3F8C];
	s0 =	simm.s32 @p1 $0x1  }
0x15: {  	[smem:$0x3FA9] =	sst s0;
	s0 =	simm.s32 @!p2 $0x0  }
0x16: {  	s3 =	sld [smem:$0x3FDB];
	s0 =	simm.s32 @p2 $0x1  }
0x17: {  	s4 =	simm.s32 $0x1BF5;
	[smem:$0x3FAB] =	sst s0  }
0x18: {  	s0 =	sld [smem:$0x3F8E];
	_ =	swait.ge [sflag:s4], $0x0  }
0x19: {  	s7 =	sld [smem:$0x3F8F]  }
0x1a: {  	s8 =	sadd.s32 $0xFFFFE003, lr  }
0x1b: {  	s9 =	sadd.s32 $0xFFFFFEF7, lr;
	s5 =	simm.s32 $0xFFFFFFFF;
	p2 =	slt.u32 s8, $0xFFFFF086  }
0x1c: {  	p1 =	slt.u32 s9, $0xF7A;
	s5 =	simm.s32 @!p2 $0x0  }
0x1d: {  	s5 =	simm.s32 @p1 $0x1;
	p0 =	seq.s32 s7, s2  }
0x1e: {  	s7 =	smul.u32 @!p0 $0xF7A, s2;
	p2 =	seq.s32 @!p0 s5, $0x0  }
0x1f: {  	s9 =	smul.u32 $0xF7A, s1;
	s8 =	simm.s32 @!p0 $0x1BF5;
	p2 =	por !p2, p0  }
0x20: {  	[sflag:s8] =	ssyncset.s32 @!p0 $0xFFFFF086;
	s6 =	sadd.s32 @!p0 s3, s7;
	s7 =	simm.s32 @!p0 $0x108  }
0x21: {  	s3 =	sadd.s32 s3, s9;
	s6 =	sadd.s32 @!p0 $0x88, s6;
	s7 =	simm.s32 @p2 $0x1082  }
0x22: {  	[simem:s7], [sflag:s8] =	dma.local @!p0 [hbm:s6], $0xF7A  }
0x23: {  	s9 =	sor.u32 $0xD0000000, s2;
	s6 =	simm.s32 $0x108;
	_ =	swait.ge @!p0 [sflag:s8], $0x0  }
0x24: {  	s3 =	sadd.s32 $0x88, s3;
	s6 =	simm.s32 @!p1 $0x1082;
	[sflag:s4] =	ssyncset.s32 $0xFFFFF086  }
0x25: {  	[simem:s6], [sflag:s4] =	dma.local [hbm:s3], $0xF7A  }
0x26: {  	[smem:$0x3F8F] =	sst s1;
	(tag) =	ssettag s2;
	_ =	strace s9  }
0x27: {  	s1 =	sld [smem:$0x3F9F]  }
0x28: {  	s2 =	sld [smem:$0x3FA0]  }
0x29: {  	s4 =	sld [smem:$0x3FA2]  }
0x2a: {  	p0 =	seq.s32 s5, $0x0;
	s5 =	sld [smem:$0x3FA3]  }
0x2b: {  	s6 =	sld [smem:$0x3FA4]  }
0x2c: {  	s7 =	sld [smem:$0x3FA5]  }
0x2d: {  	s3 =	simm.s32 $0x108;
	s8 =	sld [smem:$0x3FA6]  }
0x2e: {  	s3 =	simm.s32 @!p0 $0x1082;
	s9 =	sld [smem:$0x3FA7]  }
0x2f: {  	lr =	sadd.s32 s0, s3;
	s0 =	sld [smem:$0x3F9E]  }
0x30: {  	s3 =	sld [smem:$0x3FA1]  }
0x31: {  	[smem:$0x3FAA] =	sst s10  }
0x32: {  	s10 =	sld [smem:$0x3FA8];
	_ =	sdelay $0x3  }
0x33: {  	p0 =	seq.s32 s10, $0x1;
	s10 =	sld [smem:$0x3FAA];
	_ =	sdelay $0x3  }
0x34: {  	[smem:$0x3FAA] =	sst s10  }
0x35: {  	s10 =	sld [smem:$0x3FA9];
	_ =	sdelay $0x3  }
0x36: {  	p1 =	seq.s32 s10, $0x1;
	s10 =	sld [smem:$0x3FAA];
	_ =	sdelay $0x3  }
0x37: {  	[smem:$0x3FAA] =	sst s10  }
0x38: {  	s10 =	sld [smem:$0x3FAB]  }
0x39: {  	_ = 	snop;
	(pc) =	sbr.ind lr, $3  }
0x3a: {  	_ = 	snop  }
0x3b: {  	_ = 	snop  }
0x3c: {  	p2 =	seq.s32 s10, $0x1;
	s10 =	sld [smem:$0x3FAA]  }
0x3d: {  	_ =	shalt  }
0x3e: {  	_ =	shalt  }
0x3f: {  	_ =	shalt  }
0x40: {  	_ =	shalt  }
0x41: {  	_ =	shalt  }
0x42: {  	_ =	shalt  }
0x43: {  	_ =	shalt  }
0x44: {  	_ =	shalt  }
0x45: {  	_ =	shalt  }
0x46: {  	_ =	shalt  }
0x47: {  	_ =	shalt  }
0x48: {  	_ =	shalt  }
0x49: {  	_ =	shalt  }
0x4a: {  	_ =	shalt  }
0x4b: {  	_ =	shalt  }
0x4c: {  	_ =	shalt  }
0x4d: {  	_ =	shalt  }
0x4e: {  	_ =	shalt  }
0x4f: {  	_ =	shalt  }
0x50: {  	_ =	shalt  }
0x51: {  	_ =	shalt  }
0x52: {  	_ =	shalt  }
0x53: {  	_ =	shalt  }
0x54: {  	_ =	shalt  }
0x55: {  	_ =	shalt  }
0x56: {  	_ =	shalt  }
0x57: {  	_ =	shalt  }
0x58: {  	_ =	shalt  }
0x59: {  	_ =	shalt  }
0x5a: {  	_ =	shalt  }
0x5b: {  	_ =	shalt  }
0x5c: {  	_ =	shalt  }
0x5d: {  	_ =	shalt  }
0x5e: {  	_ =	shalt  }
0x5f: {  	_ =	shalt  }
0x60: {  	_ =	shalt  }
0x61: {  	_ =	shalt  }
0x62: {  	_ =	shalt  }
0x63: {  	_ =	shalt  }
0x64: {  	_ =	shalt  }
0x65: {  	_ =	shalt  }
0x66: {  	_ =	shalt  }
0x67: {  	_ =	shalt  }
0x68: {  	_ =	shalt  }
0x69: {  	_ =	shalt  }
0x6a: {  	_ =	shalt  }
0x6b: {  	_ =	shalt  }
0x6c: {  	_ =	shalt  }
0x6d: {  	_ =	shalt  }
0x6e: {  	_ =	shalt  }
0x6f: {  	_ =	shalt  }
0x70: {  	_ =	shalt  }
0x71: {  	_ =	shalt  }
0x72: {  	_ =	shalt  }
0x73: {  	_ =	shalt  }
0x74: {  	_ =	shalt  }
0x75: {  	_ =	shalt  }
0x76: {  	_ =	shalt  }
0x77: {  	_ =	shalt  }
0x78: {  	_ =	shalt  }
0x79: {  	_ =	shalt  }
0x7a: {  	_ =	shalt  }
0x7b: {  	_ =	shalt  }
0x7c: {  	_ =	shalt  }
0x7d: {  	_ =	shalt  }
0x7e: {  	_ =	shalt  }
0x7f: {  	_ =	shalt  }
0x80: {  	_ =	shalt  }
0x81: {  	_ =	shalt  }
0x82: {  	_ =	shalt  }
0x83: {  	_ =	shalt  }
0x84: {  	_ =	shalt  }
0x85: {  	_ =	shalt  }
0x86: {  	_ =	shalt  }
0x87: {  	_ =	shalt  }
.Lfunc_end0:
.L_simem_size_0:
called_computation_lowered:
.L_overlay_start_0:
0x88: {  	s2 =	sld [smem:$0x3FD9]  }
0x89: {  	s3 =	sld [smem:$0x3FFE];
	_ =	sdelay $0x1  }
0x8a: {  	s1 =	srdreg.scid  }
0x8b: {  	s0 =	sand.u32 $0x1, s1  }
0x8c: {  	s17 =	sshll.u32 s0, $0xA;
	s2 =	sadd.s32 s3, s2  }
0x8d: {  	s2 =	sadd.s32 s2, s17  }
0x8e: {  	[smem:$0x3FB6] =	sst s2  }
0x8f: {  	_ = 	snop  }
0x90: {  	s2 =	sld [smem:$0x3FD0];
	(tm) =	ssettm $0x1  }
0x91: {  	s18 =	sld [smem:$0x3FFB];
	_ =	sdelay $0x3  }
0x92: {  	_ =	strace s18  }
0x93: {  	s3 =	sld [smem:$0x3FFC];
	_ =	sdelay $0x3  }
0x94: {  	_ =	strace s3  }
0x95: {  	s3 =	sld [smem:$0x3FFD];
	_ =	sdelay $0x3  }
0x96: {  	_ =	strace s3  }
0x97: {  	_ =	strace $0x8FFFFFFF  }
0x98: {  	s19 =	sld [smem:$0x3FDB];
	_ =	sdelay $0x1  }
0x99: {  	s4 =	simm.s32 $_scs_section_size  }
0x9a: {  	s5 =	simm.s32 $_size__tile_overlayer_lowered;
	s6 =	simm.s32 $_tile_overlayer_lowered  }
0x9b: {  	s22 =	simm.s32 $0x1BFF;
	s21 =	sshll.u32 s6, $0x1;
	s3 =	sadd.s32 s4, s19  }
0x9c: {  	s7 =	simm.s32 $0x0;
	s20 =	sshll.u32 s5, $0x1;
	s5 =	sadd.s32 s21, s3  }
0x9d: {  	[timem:s7], [sflag:s22] =	dma.local [hbm:s5], s20  }
0x9e: {  	_ =	swait.ge [sflag:s22], s20  }
0x9f: {  	s4 =	ssub.s32 $0x0, s20;
	[sflag:s22] =	ssyncset.done $0x0  }
0xa0: {  	[sflag:s22] =	ssyncadd.s32 s4;
	_ =	sdelay $0x1  }
0xa1: {  	s23 =	simm.s32 $0x1B8B  }
0xa2: {  	_ =	swait.ge [sflag:s23], $0x1  }
0xa3: {  	[sflag:s23] =	ssyncset.done $0x0  }
0xa4: {  	s25 =	simm.s32 $0x1B8E;
	s24 =	sld [smem:$0x3FFE];
	[sflag:s23] =	ssyncadd.s32 $0xFFFFFFFF  }
0xa5: {  	s26 =	simm.s32 $execute0_lowered;
	[smem:$0x3FD2] =	sst s25  }
0xa6: {  	s5 =	sshll.u32 s26, $0x1;
	_ =	strace $0x80000046;
	[dreg:$0x1] =	wrdreg $0xFFFFFFFF  }
0xa7: {  	s28 =	simm.s32 $_size_execute0_lowered;
	s3 =	sadd.s32 s3, s5;
	[dreg:$0x0] =	wrdreg $0x0  }
0xa8: {  	s5 =	sshll.u32 s28, $0x1;
	[dreg:$0x2] =	wrdreg s3  }
0xa9: {  	[dreg:$0x3] =	wrdreg s5  }
0xaa: {  	[dreg:$0x4] =	wrdreg $0xC0  }
0xab: {  	_ =	task [dreg:s7], $0x5FFFF  }
0xac: {  	[dreg:$0x1] =	wrdreg $0xFFFFFFFF  }
0xad: {  	[dreg:$0x0] =	wrdreg $0x60  }
0xae: {  	[dreg:$0x2] =	wrdreg s24  }
0xaf: {  	[dreg:$0x3] =	wrdreg s2  }
0xb0: {  	[dreg:$0x4] =	wrdreg $0x0  }
0xb1: {  	[dreg:$0x5] =	wrdreg $0x140000  }
0xb2: {  	[dreg:$0x6] =	wrdreg $0x9  }
0xb3: {  	_ =	task.clear_ibuf [dreg:s7], $0x7FFFF;
	_ =	strace $0x90000046  }
0xb4: {  	s29 =	simm.s32 $0x9;
	_ =	strace $0x80000048  }
0xb5: {  	_ =	swait.ge [sflag:s29], $0x1  }
0xb6: {  	[sflag:s29] =	ssyncadd.s32 $0xFFFFFFFF  }
0xb7: {  	_ =	strace $0x90000048  }
0xb8: {  	_ =	sfence  }
0xb9: {  	s30 =	sld [smem:$0x0];
	_ =	sdelay $0x2  }
0xba: {  	s31 =	sshll.u32 s1, $0xD;
	s1 =	sshrl.u32 s1, $0x2  }
0xbb: {  	s3 =	sand.u32 $0x4000, s31;
	s1 =	sadd.s32 s1, s30  }
0xbc: {  	s0 =	sor.u32 s3, s0;
	s1 =	sshll.u32 s1, $0x11  }
0xbd: {  	s0 =	sor.u32 s1, s0  }
0xbe: {  	s0 =	sadd.s32 $0x8F2B, s0  }
0xbf: {  	[sflag:s0] =	ssyncadd.remote.s32 $0x1  }
0xc0: {  	_ =	sfence.sel $0xFFFF  }
0xc1: {  	[dreg:$0x0] =	wrdreg $0xFFFFFFFF;
	(pc) =	sbr.abs _section_cstart, $3  }
0xc2: {  	[dreg:$0x1] =	wrdreg $0xFFFFFFFF  }
0xc3: {  	_ =	task.clear_ibuf [dreg:s7], $0x2FFFF;
	_ =	strace $0x9FFFFFFF  }
0xc4: {  	(tm) =	ssettm $0x7FFFFFFF  }
0xc5: {  	_ =	shalt  }
tec
execute0_lowered:
.L_overlay_start_1:
0x0: {  	(tag) =	ssettag $0x1  }
0x1: {  	s0 =	rddreg [dreg:$0x0]  }
0x2: {  	s1 =	rddreg [dreg:$0x1]  }
0x3: {  	s2 =	rddreg [dreg:$0x2]  }
0x4: {  	s4 =	rddreg [dreg:$0x3]  }
0x5: {  	s5 =	simm.s32 $0x0;
	s17 =	stileid.u32;
	s7 =	srdreg.scid  }
0x6: {  	s19 =	simm.s32 $0x16800;
	s20 =	simm.s32 $0x16880;
	s21 =	simm.s32 $0x80  }
0x7: {  	s22 =	simm.s32 $0x16900;
	s23 =	simm.s32 $0x17100;
	s24 =	simm.s32 $0x18100  }
0x8: {  	s25 =	simm.s32 $0x1;
	s28 =	simm.s32 $0x3;
	s29 =	simm.s32 $0x17900  }
0x9: {  	[smem:$0x7FF] =	sst s5;
	s3 =	smul.u32 $0x14000, s17;
	s6 =	sadd.s32 $0x5E00, s0  }
0xa: {  	s9 =	smul.u32 $0x2800, s17;
	s10 =	sand.u32 $0x1, s7;
	s7 =	sadd.s32 $0x2DE00, s0  }
0xb: {  	s8 =	sadd.s32 $0x32E00, s0;
	s26 =	sshll.u32 s17, $0x1;
	s30 =	sshll.u32 s17, $0x6  }
0xc: {  	s17 =	simm.s32 $0x4;
	_ =	strace $0x80000047;
	s11 =	smul.u32 $0x140000, s10  }
0xd: {  	s14 =	smul.u32 $0x28000, s10;
	s15 =	ssub.s32 $0x2, s10;
	s12 =	sshrl.u32 s3, $0x3  }
0xe: {  	s13 =	sshrl.u32 s9, $0x3;
	s16 =	sshrl.u32 s15, $0x1;
	s12 =	sadd.s32 s12, s0  }
0xf: {  	s13 =	sadd.s32 s13, s0;
	s11 =	sadd.s32 s3, s11;
	s14 =	sadd.s32 s9, s14  }
0x10: {  	v0 =	vimm.s32 $0xFEDCBA98;
	s15 =	ssub.s32 s15, s16;
	s3 =	sadd.s32 s3, s2;
	s9 =	sadd.s32 s9, s4  }
0x11: {  	v1 =	vimm.s32 $0x76543210;
	v0 =	vunpack.c.l.s4.s8 v0;
	s11 =	sshrl.u32 s11, $0x3;
	s14 =	sshrl.u32 s14, $0x3;
	s12 =	sadd.s32 $0x42000, s12  }
0x12: {  	vm0 =	vmmov $0xff;
	v1 =	vunpack.c.l.s4.s8 v1;
	s31 =	sadd.s32 $0x3D000, s13;
	s15 =	smax.u32 s15, $0x1;
	s16 =	sshrl.u32 s3, $0x3  }
0x13: {  	v2 =	vimm.s32 $0x1;
	v3 =	vimm.s32 $0x2;
	v0 =	vunpack.c.0.s8.s32 v0;
	s18 =	sshrl.u32 s9, $0x3;
	s11 =	sadd.s32 s11, s0;
	s0 =	sadd.s32 s14, s0  }
0x14: {  	v4 =	vimm.s32 $0x3;
	v5 =	vimm.s32 $0x4;
	v1 =	vunpack.c.0.s8.s32 v1;
	s14 =	sor.u32 s10, s26;
	[dreg:$0x5] =	wrdreg s12;
	s10 =	sor.u32 $0x1C04, s30  }
0x15: {  	v6 =	vimm.s32 $0x5;
	v7 =	vimm.s32 $0x6;
	v0 =	vand.u32 $0xF, v0;
	[dreg:$0x6] =	wrdreg s31;
	s26 =	simm.s32 $0x2;
	s11 =	sadd.s32 $0x74000, s11  }
0x16: {  	v8 =	vimm.s32 $0x7;
	v0 =	vcombine.low v0, v1;
	v1 =	vimm.s32 $0x0;
	s12 =	smul.u32 $0x2880, s14;
	s14 =	sadd.s32 $0x6A000, s0;
	[dreg:$0x7] =	wrdreg s11  }
.LBB2_1:
0x17: {  	s0 =	rddreg [dreg:$0x5]  }
0x18: {  	[spmem:s16], [sflag:s10] =	dma.local [hbm:s0], $0x2800  }
0x19: {  	_ =	swait.ge [sflag:s17], $0x2800  }
0x1a: {  	[sflag:s17] =	ssyncset.done $0x0  }
0x1b: {  	s31 =	rddreg [dreg:$0x6];
	[sflag:s17] =	ssyncadd.s32 $0xFFFFD800  }
0x1c: {  	[spmem:s18], [sflag:s10] =	dma.local [hbm:s31], $0x500  }
0x1d: {  	_ =	swait.ge [sflag:s17], $0x500  }
0x1e: {  	[sflag:s17] =	ssyncset.done $0x0  }
0x1f: {  	[sflag:s17] =	ssyncadd.s32 $0xFFFFFB00  }
0x20: {  	s30 =	simm.s32 $0x0;
	[bflag:$0x0] =	sbarrier.arrive $0xFFFF  }
.LBB2_2:
0x21: {  	s0 =	sshll.u32 s30, $0x7  }
0x22: {  	s0 =	sadd.s32 s12, s0  }
0x23: {  	s0 =	sshrl.u32 s0, $0x3  }
0x24: {  	s9 =	simm.s32 $0x0;
	s3 =	sadd.s32 s1, s0  }
0x25: {  	[tilespmem:s19], [sflag:$0x4] =	stream.linear.gather [hbm4b:s3+s9], $0x80, $0x38;
	[tilespmem:$0x1C100] =	vst v63  }
0x26: {  	_ =	swait.ge [sflag:s17], $0x80  }
0x27: {  	[sflag:s17] =	ssyncset.done $0x0  }
0x28: {  	s0 =	sadd.s32 s8, s0;
	[sflag:s17] =	ssyncadd.s32 $0xFFFFFF80  }
0x29: {  	[tilespmem:s20], [sflag:$0x4] =	stream.linear.gather [hbm4b:s0+s9], $0x80, $0x38;
	[tilespmem:$0x1C100] =	vst v63  }
0x2a: {  	_ =	swait.ge [sflag:s17], $0x80  }
0x2b: {  	[sflag:s17] =	ssyncset.done $0x0  }
0x2c: {  	[sflag:s17] =	ssyncadd.s32 $0xFFFFFF80  }
0x2d: {  	[tilespmem:s22], [sflag:$0x1] =	stream.indirect.gather [hbm4b:s7+s21], $0x10, s19, s21, $0xb8;
	[tilespmem:$0x1C100] =	vst v63  }
0x2e: {  	_ = 	snop  }
0x2f: {  	[tilespmem:s23], [sflag:$0x2] =	stream.indirect.gather [hbm4b:s7+s21], $0x10, s20, s21, $0xb8;
	[tilespmem:$0x1C100] =	vst v63  }
0x30: {  	_ = 	snop  }
0x31: {  	[tilespmem:s24], [sflag:$0x3] =	stream.indirect.gather [hbm4b:s6+s21], $0x80, s19, s21, $0xb8;
	[tilespmem:$0x1C100] =	vst v63  }
0x32: {  	_ =	swait.ge [sflag:s25], $0x800  }
0x33: {  	[sflag:s25] =	ssyncset.done $0x0  }
0x34: {  	[sflag:s25] =	ssyncadd.s32 $0xFFFFF800  }
0x35: {  	_ =	swait.ge [sflag:s26], $0x800  }
0x36: {  	[sflag:s26] =	ssyncset.done $0x0  }
0x37: {  	s31 =	simm.s32 $0x0;
	[sflag:s26] =	ssyncadd.s32 $0xFFFFF800  }
0x38: {  	s0 =	simm.s32 $0x10;
	v9 =	vld [tilespmem:s31+$0x17100]  }
0x39: {  	v10 =	vld [tilespmem:s0+$0x17100]  }
0x3a: {  	v11 =	vld [tilespmem:s31+$0x16900];
	_ =	sdelay $0x1  }
0x3b: {  	v12 =	vld [tilespmem:s0+$0x16900]  }
0x3c: {  	v9 =	vperm.xlane v9, v0  }
0x3d: {  	s3 =	simm.s32 $0x20  }
0x3e: {  	v13 =	vld [tilespmem:s3+$0x17100];
	v10 =	vperm.xlane v10, v0;
	v9 =	vadd.f32 v9, v11;
	_ =	sdelay $0x1  }
0x3f: {  	v10 =	vadd.f32 v10, v12;
	v12 =	vmul.f32 $2.000000030e-01, v9;
	_ =	sdelay $0x1  }
0x40: {  	v9 =	vmax.f32 v9, v12  }
0x41: {  	v12 =	vperm.xlane v13, v0;
	v13 =	vmul.f32 $1.442695020e+00, v9  }
0x42: {  	v14 =	vmul.f32 $2.000000030e-01, v10  }
0x43: {  	v11 =	vld [tilespmem:s3+$0x16900];
	(erf) = vpow2.f32 v13  }
0x44: {  	v10 =	vmax.f32 v10, v14  }
0x45: {  	v14 =	vmul.f32 $1.442695020e+00, v10  }
0x46: {  	s9 =	simm.s32 $0x30  }
0x47: {  	v10 =	vld [tilespmem:s9+$0x17100];
	(erf) = vpow2.f32 v14  }
0x48: {  	v9 =	vadd.f32 v12, v11  }
0x49: {  	v11 =	vld [tilespmem:s9+$0x16900]  }
0x4a: {  	s11 =	simm.s32 $0x100;
	v12 =	vmul.f32 $2.000000030e-01, v9  }
.LBB2_3:
0x4b: {  	p0 =	sne.s32 s11, $0x1FC0  }
.Ltmp0:
0x4c: {  	s13 =	sshra.s32 s11, $0x2;
	s11 =	sadd.s32 $0x40, s11;
	v13 =	vperm.xlane v10, v0;
	v9 =	vmax.f32 v9, v12;
	v12 =	vpop (erf);
	(pc) =	sbr.rel @p0 .LBB2_3-.Ltmp0, $4  }
0x4d: {  	v10 =	vld [tilespmem:s13+$0x17100];
	v14 =	vmul.f32 $1.442695020e+00, v9;
	v12 =	vnsel vm0, $0x0, v12  }
0x4e: {  	v9 =	vadd.f32 v13, v11;
	[tilespmem:s31+$0x17900] =	vst v12;
	s31 =	smov.u32 s0;
	s0 =	smov.u32 s3;
	s3 =	smov.u32 s9  }
0x4f: {  	s9 =	smov.u32 s13;
	v11 =	vld [tilespmem:s13+$0x16900];
	(erf) = vpow2.f32 v14  }
0x50: {  	v12 =	vmul.f32 $2.000000030e-01, v9  }
0x51: {  	_ = 	snop  }
0x52: {  	v10 =	vperm.xlane v10, v0;
	_ =	sdelay $0x1  }
0x53: {  	v10 =	vadd.f32 v10, v11;
	_ =	sdelay $0x1  }
0x54: {  	v11 =	vmul.f32 $2.000000030e-01, v10  }
0x55: {  	v9 =	vmax.f32 v9, v12  }
0x56: {  	v9 =	vmul.f32 $1.442695020e+00, v9;
	v10 =	vmax.f32 v10, v11  }
0x57: {  	v10 =	vmul.f32 $1.442695020e+00, v10  }
0x58: {  	(erf) = vpow2.f32 v9  }
0x59: {  	(erf) = vpow2.f32 v10;
	_ =	sdelay $0x5  }
0x5a: {  	v9 =	vpop (erf)  }
0x5b: {  	v9 =	vnsel vm0, $0x0, v9;
	v10 =	vpop (erf)  }
0x5c: {  	[tilespmem:s31+$0x17900] =	vst v9;
	v9 =	vnsel vm0, $0x0, v10;
	v10 =	vpop (erf)  }
0x5d: {  	[tilespmem:s0+$0x17900] =	vst v9;
	v9 =	vnsel vm0, $0x0, v10;
	v10 =	vpop (erf)  }
0x5e: {  	[tilespmem:s3+$0x17900] =	vst v9;
	v9 =	vnsel vm0, $0x0, v10  }
0x5f: {  	[tilespmem:s9+$0x17900] =	vst v9  }
0x60: {  	_ =	swait.ge [sflag:s28], $0x4000  }
0x61: {  	[sflag:s28] =	ssyncset.done $0x0  }
0x62: {  	s31 =	simm.s32 $0x18140;
	[sflag:s28] =	ssyncadd.s32 $0xFFFFC000  }
0x63: {  	s0 =	simm.s32 $0x18140;
	s3 =	simm.s32 $0x40;
	s9 =	simm.s32 $0x0;
	v9 =	vld [tilespmem:s31+$0xFFFFFFF0]  }
.LBB2_5:
0x64: {  	p0 =	sne.s32 s3, $0x1FC0;
	v10 =	vld [tilespmem:s9+$0x17900]  }
0x65: {  	v11 =	vld [tilespmem:s31+$0xFFFFFFD0]  }
0x66: {  	v12 =	vld [tilespmem:s31+$0xFFFFFFC0]  }
0x67: {  	v13 =	vld [tilespmem:s31+$0xFFFFFFE0]  }
0x68: {  	v14 =	vld [tilespmem:s31+$0x30]  }
0x69: {  	v15 =	vperm.xlane v10, v1;
	v16 =	vperm.xlane v10, v2;
	v17 =	vld [tilespmem:s31+$0x10]  }
0x6a: {  	v18 =	vperm.xlane v10, v3;
	v19 =	vperm.xlane v10, v4;
	v20 =	vld [tilespmem:s31+$0x0]  }
0x6b: {  	v12 =	vmul.f32 v12, v15;
	v11 =	vmul.f32 v11, v16;
	v15 =	vld [tilespmem:s31+$0x20]  }
0x6c: {  	v9 =	vmul.f32 v9, v19;
	v13 =	vmul.f32 v13, v18  }
0x6d: {  	v16 =	vperm.xlane v10, v6;
	[tilespmem:s31+$0xFFFFFFC0] =	vst v12;
	v12 =	vperm.xlane v10, v5  }
0x6e: {  	[tilespmem:s31+$0xFFFFFFD0] =	vst v11;
	v11 =	vperm.xlane v10, v7;
	v10 =	vperm.xlane v10, v8  }
0x6f: {  	[tilespmem:s31+$0xFFFFFFE0] =	vst v13;
	v12 =	vmul.f32 v20, v12;
	v13 =	vmul.f32 v17, v16  }
.Ltmp1:
0x70: {  	[tilespmem:s31+$0xFFFFFFF0] =	vst v9;
	v9 =	vmul.f32 v15, v11;
	v10 =	vmul.f32 v14, v10;
	(pc) =	sbr.rel @p0 .LBB2_5-.Ltmp1, $4  }
0x71: {  	[tilespmem:s31+$0x0] =	vst v12  }
0x72: {  	[tilespmem:s31+$0x10] =	vst v13  }
0x73: {  	s31 =	sadd.s32 $0x80, s31;
	[tilespmem:s0+$0x20] =	vst v9  }
0x74: {  	s9 =	sshra.s32 s3, $0x2;
	s3 =	sadd.s32 $0x40, s3;
	v9 =	vld [tilespmem:s31+$0xFFFFFFF0];
	[tilespmem:s0+$0x30] =	vst v10;
	s0 =	smov.u32 s31  }
0x75: {  	v10 =	vld [tilespmem:s9+$0x17900];
	_ =	sdelay $0x1  }
0x76: {  	v11 =	vld [tilespmem:s31+$0xFFFFFFC0]  }
0x77: {  	v12 =	vld [tilespmem:s31+$0xFFFFFFD0]  }
0x78: {  	v13 =	vld [tilespmem:s31+$0xFFFFFFE0]  }
0x79: {  	v14 =	vperm.xlane v10, v1  }
0x7a: {  	v17 =	vld [tilespmem:s31+$0x10];
	v15 =	vperm.xlane v10, v2  }
0x7b: {  	v16 =	vld [tilespmem:s31+$0x0];
	v18 =	vperm.xlane v10, v3;
	v11 =	vmul.f32 v11, v14  }
0x7c: {  	v60 =	vld [tilespmem:s31+$0x20];
	v59 =	vperm.xlane v10, v4;
	v12 =	vmul.f32 v12, v15  }
0x7d: {  	v19 =	vld [tilespmem:s31+$0x30];
	v61 =	vperm.xlane v10, v6;
	v13 =	vmul.f32 v13, v18;
	[tilespmem:s31+$0xFFFFFFC0] =	vst v11  }
0x7e: {  	v9 =	vmul.f32 v9, v59;
	v11 =	vperm.xlane v10, v5;
	[tilespmem:s31+$0xFFFFFFD0] =	vst v12  }
0x7f: {  	v62 =	vperm.xlane v10, v7;
	v63 =	vmul.f32 v17, v61;
	[tilespmem:s31+$0xFFFFFFE0] =	vst v13  }
0x80: {  	v10 =	vperm.xlane v10, v8;
	[tilespmem:s31+$0xFFFFFFF0] =	vst v9;
	v11 =	vmul.f32 v16, v11  }
0x81: {  	v9 =	vmul.f32 v60, v62;
	[tilespmem:s31+$0x10] =	vst v63  }
0x82: {  	v10 =	vmul.f32 v19, v10;
	[tilespmem:s31+$0x0] =	vst v11  }
0x83: {  	[tilespmem:s0+$0x20] =	vst v9  }
0x84: {  	[tilespmem:s0+$0x30] =	vst v10  }
0x85: {  	[spmem:s4] =	stream.indirect.scatter.add.f32 [tilespmem:s29], [sflag:$0x4], $0x10, s20, s21, $0xb8;
	[tilespmem:$0x1C100] =	vst v63  }
0x86: {  	s30 =	sadd.s32 $0x1, s30;
	_ =	swait.ge [sflag:s17], $0x800  }
0x87: {  	p0 =	sne.s32 s30, $0x51;
	[sflag:s17] =	ssyncset.done $0x0  }
.Ltmp2:
0x88: {  	[sflag:s17] =	ssyncadd.s32 $0xFFFFF800;
	(pc) =	sbr.rel @p0 .LBB2_2-.Ltmp2, $4  }
0x89: {  	[spmem:s2] =	stream.indirect.scatter.add.f32 [tilespmem:s24], [sflag:$0x4], $0x80, s20, s21, $0xb8;
	[tilespmem:$0x1C100] =	vst v63  }
0x8a: {  	_ =	swait.ge [sflag:s17], $0x4000  }
0x8b: {  	[sflag:s17] =	ssyncset.done $0x0  }
0x8c: {  	[sflag:s17] =	ssyncadd.s32 $0xFFFFC000  }
0x8d: {  	[bflag:$0x0] =	sbarrier.arrive $0xFFFF  }
0x8e: {  	s0 =	rddreg [dreg:$0x7]  }
0x8f: {  	[hbm:s0], [sflag:s10] =	dma.local [spmem:s16], $0x2800  }
0x90: {  	s5 =	sadd.s32 $0x1, s5;
	_ =	swait.ge [sflag:s17], $0x2800  }
0x91: {  	p0 =	sne.s32 s5, s15;
	[sflag:s17] =	ssyncset.done $0x0  }
.Ltmp3:
0x92: {  	[sflag:s17] =	ssyncadd.s32 $0xFFFFD800;
	(pc) =	sbr.rel @p0 .LBB2_1-.Ltmp3, $4  }
0x93: {  	[hbm:s14], [sflag:s10] =	dma.local [spmem:s18], $0x500  }
0x94: {  	_ =	swait.ge [sflag:s17], $0x500  }
0x95: {  	[sflag:s17] =	ssyncset.done $0x0  }
0x96: {  	[sflag:s17] =	ssyncadd.s32 $0xFFFFFB00  }
0x97: {  	_ =	sfence.sel $0x180000  }
0x98: {  	[bflag:$0x0] =	sbarrier.arrive $0xFFFF  }
0x99: {  	_ =	strace $0x90000047  }
0x9a: {  	s0 =	stileid.u32;
	[bflag:$0x2] =	sbarrier.arrive $0xFFFF  }
0x9b: {  	p0 =	sne.s32 s0, $0x0;
	s0 =	rddreg [dreg:$0x4]  }
0x9c: {  	s0 =	sadd.s32 @!p0 $0x100000, s0  }
0x9d: {  	[sflag:s0] =	ssyncadd.tile.s32 @!p0 $0x1;
	_ =	shalt  }
.Lfunc_end2:
_tile_overlayer_lowered:
.L_overlay_start_2:
0x9e: {  	(tag) =	ssettag $0x2  }
0x9f: {  	s0 =	rddreg [dreg:$0x0];
	s2 =	stileid.u32  }
0xa0: {  	s1 =	rddreg [dreg:$0x1];
	p0 =	sne.s32 s2, $0x0  }
0xa1: {  	s3 =	rddreg [dreg:$0x2];
	[bflag:$0x3] =	sbarrier.arrive $0xFFFF;
	s2 =	simm.s32 @!p0 $0x1C04  }
0xa2: {  	[timem:s3], [sflag:s2] =	dma.local @!p0 [hbm:s0], s1  }
0xa3: {  	s0 =	simm.s32 @!p0 $0x4  }
0xa4: {  	_ =	swait.ge @!p0 [sflag:s0], s1  }
0xa5: {  	s1 =	ssub.s32 @!p0 $0x0, s1;
	[sflag:s0] =	ssyncset.done @!p0 $0x0  }
0xa6: {  	[sflag:s0] =	ssyncadd.s32 @!p0 s1  }
0xa7: {  	[bflag:$0x3] =	sbarrier.arrive $0xFFFF  }
0xa8: {  	_ =	shalt  }

// kernel: kernel.14.cloned.1.call-start
scs
__scs_entry_jumppad:
0x0: {  	(pc) =	sbr.rel $0x88, $3  }
0x1: {  	(tag) =	ssettag $0x0;
	lr =	simm.s32 $0x1  }
0x2: {  	[smem:$0x3F8F] =	sst lr;
	_ =	strace $0xD0000000  }
0x3: {  	_ = 	snop  }
0x4: {  	_ = 	snop  }
0x5: {  	_ = 	snop  }
0x6: {  	_ = 	snop  }
0x7: {  	_ = 	snop  }
__scs_overlays_trampoline_lowered:
0x8: {  	[smem:$0x3F9E] =	sst s0  }
0x9: {  	[smem:$0x3F9F] =	sst s1  }
0xa: {  	[smem:$0x3FA0] =	sst s2  }
0xb: {  	[smem:$0x3FA1] =	sst s3  }
0xc: {  	[smem:$0x3FA2] =	sst s4  }
0xd: {  	[smem:$0x3FA3] =	sst s5  }
0xe: {  	[smem:$0x3FA4] =	sst s6  }
0xf: {  	[smem:$0x3FA5] =	sst s7  }
0x10: {  	[smem:$0x3FA6] =	sst s8  }
0x11: {  	[smem:$0x3FA7] =	sst s9;
	s0 =	simm.s32 @!p0 $0x0  }
0x12: {  	s1 =	sld [smem:$0x3F8D];
	s0 =	simm.s32 @p0 $0x1  }
0x13: {  	[smem:$0x3FA8] =	sst s0;
	s0 =	simm.s32 @!p1 $0x0  }
0x14: {  	s2 =	sld [smem:$0x3F8C];
	s0 =	simm.s32 @p1 $0x1  }
0x15: {  	[smem:$0x3FA9] =	sst s0;
	s0 =	simm.s32 @!p2 $0x0  }
0x16: {  	s3 =	sld [smem:$0x3FDB];
	s0 =	simm.s32 @p2 $0x1  }
0x17: {  	s4 =	simm.s32 $0x1BF5;
	[smem:$0x3FAB] =	sst s0  }
0x18: {  	s0 =	sld [smem:$0x3F8E];
	_ =	swait.ge [sflag:s4], $0x0  }
0x19: {  	s7 =	sld [smem:$0x3F8F]  }
0x1a: {  	s8 =	sadd.s32 $0xFFFFE003, lr  }
0x1b: {  	s9 =	sadd.s32 $0xFFFFFEF7, lr;
	s5 =	simm.s32 $0xFFFFFFFF;
	p2 =	slt.u32 s8, $0xFFFFF086  }
0x1c: {  	p1 =	slt.u32 s9, $0xF7A;
	s5 =	simm.s32 @!p2 $0x0  }
0x1d: {  	s5 =	simm.s32 @p1 $0x1;
	p0 =	seq.s32 s7, s2  }
0x1e: {  	s7 =	smul.u32 @!p0 $0xF7A, s2;
	p2 =	seq.s32 @!p0 s5, $0x0  }
0x1f: {  	s9 =	smul.u32 $0xF7A, s1;
	s8 =	simm.s32 @!p0 $0x1BF5;
	p2 =	por !p2, p0  }
0x20: {  	[sflag:s8] =	ssyncset.s32 @!p0 $0xFFFFF086;
	s6 =	sadd.s32 @!p0 s3, s7;
	s7 =	simm.s32 @!p0 $0x108  }
0x21: {  	s3 =	sadd.s32 s3, s9;
	s6 =	sadd.s32 @!p0 $0x88, s6;
	s7 =	simm.s32 @p2 $0x1082  }
0x22: {  	[simem:s7], [sflag:s8] =	dma.local @!p0 [hbm:s6], $0xF7A  }
0x23: {  	s9 =	sor.u32 $0xD0000000, s2;
	s6 =	simm.s32 $0x108;
	_ =	swait.ge @!p0 [sflag:s8], $0x0  }
0x24: {  	s3 =	sadd.s32 $0x88, s3;
	s6 =	simm.s32 @!p1 $0x1082;
	[sflag:s4] =	ssyncset.s32 $0xFFFFF086  }
0x25: {  	[simem:s6], [sflag:s4] =	dma.local [hbm:s3], $0xF7A  }
0x26: {  	[smem:$0x3F8F] =	sst s1;
	(tag) =	ssettag s2;
	_ =	strace s9  }
0x27: {  	s1 =	sld [smem:$0x3F9F]  }
0x28: {  	s2 =	sld [smem:$0x3FA0]  }
0x29: {  	s4 =	sld [smem:$0x3FA2]  }
0x2a: {  	p0 =	seq.s32 s5, $0x0;
	s5 =	sld [smem:$0x3FA3]  }
0x2b: {  	s6 =	sld [smem:$0x3FA4]  }
0x2c: {  	s7 =	sld [smem:$0x3FA5]  }
0x2d: {  	s3 =	simm.s32 $0x108;
	s8 =	sld [smem:$0x3FA6]  }
0x2e: {  	s3 =	simm.s32 @!p0 $0x1082;
	s9 =	sld [smem:$0x3FA7]  }
0x2f: {  	lr =	sadd.s32 s0, s3;
	s0 =	sld [smem:$0x3F9E]  }
0x30: {  	s3 =	sld [smem:$0x3FA1]  }
0x31: {  	[smem:$0x3FAA] =	sst s10  }
0x32: {  	s10 =	sld [smem:$0x3FA8];
	_ =	sdelay $0x3  }
0x33: {  	p0 =	seq.s32 s10, $0x1;
	s10 =	sld [smem:$0x3FAA];
	_ =	sdelay $0x3  }
0x34: {  	[smem:$0x3FAA] =	sst s10  }
0x35: {  	s10 =	sld [smem:$0x3FA9];
	_ =	sdelay $0x3  }
0x36: {  	p1 =	seq.s32 s10, $0x1;
	s10 =	sld [smem:$0x3FAA];
	_ =	sdelay $0x3  }
0x37: {  	[smem:$0x3FAA] =	sst s10  }
0x38: {  	s10 =	sld [smem:$0x3FAB]  }
0x39: {  	_ = 	snop;
	(pc) =	sbr.ind lr, $3  }
0x3a: {  	_ = 	snop  }
0x3b: {  	_ = 	snop  }
0x3c: {  	p2 =	seq.s32 s10, $0x1;
	s10 =	sld [smem:$0x3FAA]  }
0x3d: {  	_ =	shalt  }
0x3e: {  	_ =	shalt  }
0x3f: {  	_ =	shalt  }
0x40: {  	_ =	shalt  }
0x41: {  	_ =	shalt  }
0x42: {  	_ =	shalt  }
0x43: {  	_ =	shalt  }
0x44: {  	_ =	shalt  }
0x45: {  	_ =	shalt  }
0x46: {  	_ =	shalt  }
0x47: {  	_ =	shalt  }
0x48: {  	_ =	shalt  }
0x49: {  	_ =	shalt  }
0x4a: {  	_ =	shalt  }
0x4b: {  	_ =	shalt  }
0x4c: {  	_ =	shalt  }
0x4d: {  	_ =	shalt  }
0x4e: {  	_ =	shalt  }
0x4f: {  	_ =	shalt  }
0x50: {  	_ =	shalt  }
0x51: {  	_ =	shalt  }
0x52: {  	_ =	shalt  }
0x53: {  	_ =	shalt  }
0x54: {  	_ =	shalt  }
0x55: {  	_ =	shalt  }
0x56: {  	_ =	shalt  }
0x57: {  	_ =	shalt  }
0x58: {  	_ =	shalt  }
0x59: {  	_ =	shalt  }
0x5a: {  	_ =	shalt  }
0x5b: {  	_ =	shalt  }
0x5c: {  	_ =	shalt  }
0x5d: {  	_ =	shalt  }
0x5e: {  	_ =	shalt  }
0x5f: {  	_ =	shalt  }
0x60: {  	_ =	shalt  }
0x61: {  	_ =	shalt  }
0x62: {  	_ =	shalt  }
0x63: {  	_ =	shalt  }
0x64: {  	_ =	shalt  }
0x65: {  	_ =	shalt  }
0x66: {  	_ =	shalt  }
0x67: {  	_ =	shalt  }
0x68: {  	_ =	shalt  }
0x69: {  	_ =	shalt  }
0x6a: {  	_ =	shalt  }
0x6b: {  	_ =	shalt  }
0x6c: {  	_ =	shalt  }
0x6d: {  	_ =	shalt  }
0x6e: {  	_ =	shalt  }
0x6f: {  	_ =	shalt  }
0x70: {  	_ =	shalt  }
0x71: {  	_ =	shalt  }
0x72: {  	_ =	shalt  }
0x73: {  	_ =	shalt  }
0x74: {  	_ =	shalt  }
0x75: {  	_ =	shalt  }
0x76: {  	_ =	shalt  }
0x77: {  	_ =	shalt  }
0x78: {  	_ =	shalt  }
0x79: {  	_ =	shalt  }
0x7a: {  	_ =	shalt  }
0x7b: {  	_ =	shalt  }
0x7c: {  	_ =	shalt  }
0x7d: {  	_ =	shalt  }
0x7e: {  	_ =	shalt  }
0x7f: {  	_ =	shalt  }
0x80: {  	_ =	shalt  }
0x81: {  	_ =	shalt  }
0x82: {  	_ =	shalt  }
0x83: {  	_ =	shalt  }
0x84: {  	_ =	shalt  }
0x85: {  	_ =	shalt  }
0x86: {  	_ =	shalt  }
0x87: {  	_ =	shalt  }
.Lfunc_end0:
.L_simem_size_0:
called_computation.1_lowered:
.L_overlay_start_0:
0x88: {  	s2 =	sld [smem:$0x3FD9]  }
0x89: {  	s3 =	sld [smem:$0x3FFE];
	_ =	sdelay $0x1  }
0x8a: {  	s1 =	srdreg.scid  }
0x8b: {  	s0 =	sand.u32 $0x1, s1  }
0x8c: {  	s17 =	sshll.u32 s0, $0xA;
	s2 =	sadd.s32 s3, s2  }
0x8d: {  	s2 =	sadd.s32 s2, s17  }
0x8e: {  	[smem:$0x3FB6] =	sst s2  }
0x8f: {  	_ = 	snop  }
0x90: {  	s2 =	sld [smem:$0x3FD0];
	(tm) =	ssettm $0x1  }
0x91: {  	s18 =	sld [smem:$0x3FFB];
	_ =	sdelay $0x3  }
0x92: {  	_ =	strace s18  }
0x93: {  	s3 =	sld [smem:$0x3FFC];
	_ =	sdelay $0x3  }
0x94: {  	_ =	strace s3  }
0x95: {  	s3 =	sld [smem:$0x3FFD];
	_ =	sdelay $0x3  }
0x96: {  	_ =	strace s3  }
0x97: {  	_ =	strace $0x8FFFFFFF  }
0x98: {  	s19 =	sld [smem:$0x3FDB];
	_ =	sdelay $0x1  }
0x99: {  	s4 =	simm.s32 $_scs_section_size  }
0x9a: {  	s5 =	simm.s32 $_size__tile_overlayer_lowered;
	s6 =	simm.s32 $_tile_overlayer_lowered  }
0x9b: {  	s22 =	simm.s32 $0x1BFF;
	s21 =	sshll.u32 s6, $0x1;
	s3 =	sadd.s32 s4, s19  }
0x9c: {  	s7 =	simm.s32 $0x0;
	s20 =	sshll.u32 s5, $0x1;
	s5 =	sadd.s32 s21, s3  }
0x9d: {  	[timem:s7], [sflag:s22] =	dma.local [hbm:s5], s20  }
0x9e: {  	_ =	swait.ge [sflag:s22], s20  }
0x9f: {  	s4 =	ssub.s32 $0x0, s20;
	[sflag:s22] =	ssyncset.done $0x0  }
0xa0: {  	[sflag:s22] =	ssyncadd.s32 s4;
	_ =	sdelay $0x1  }
0xa1: {  	s23 =	simm.s32 $0x1B8B  }
0xa2: {  	_ =	swait.ge [sflag:s23], $0x1  }
0xa3: {  	[sflag:s23] =	ssyncset.done $0x0  }
0xa4: {  	s25 =	simm.s32 $0x1B8E;
	s24 =	sld [smem:$0x3FFE];
	[sflag:s23] =	ssyncadd.s32 $0xFFFFFFFF  }
0xa5: {  	s26 =	simm.s32 $execute0_lowered;
	[smem:$0x3FD2] =	sst s25  }
0xa6: {  	s5 =	sshll.u32 s26, $0x1;
	_ =	strace $0x80000049;
	[dreg:$0x1] =	wrdreg $0xFFFFFFFF  }
0xa7: {  	s28 =	simm.s32 $_size_execute0_lowered;
	s3 =	sadd.s32 s3, s5;
	[dreg:$0x0] =	wrdreg $0x0  }
0xa8: {  	s5 =	sshll.u32 s28, $0x1;
	[dreg:$0x2] =	wrdreg s3  }
0xa9: {  	[dreg:$0x3] =	wrdreg s5  }
0xaa: {  	[dreg:$0x4] =	wrdreg $0xC0  }
0xab: {  	_ =	task [dreg:s7], $0x5FFFF  }
0xac: {  	[dreg:$0x1] =	wrdreg $0xFFFFFFFF  }
0xad: {  	[dreg:$0x0] =	wrdreg $0x60  }
0xae: {  	[dreg:$0x2] =	wrdreg s24  }
0xaf: {  	[dreg:$0x3] =	wrdreg s2  }
0xb0: {  	[dreg:$0x4] =	wrdreg $0x0  }
0xb1: {  	[dreg:$0x5] =	wrdreg $0x140000  }
0xb2: {  	[dreg:$0x6] =	wrdreg $0x9  }
0xb3: {  	_ =	task.clear_ibuf [dreg:s7], $0x7FFFF;
	_ =	strace $0x90000049  }
0xb4: {  	s29 =	simm.s32 $0x9;
	_ =	strace $0x8000004B  }
0xb5: {  	_ =	swait.ge [sflag:s29], $0x1  }
0xb6: {  	[sflag:s29] =	ssyncadd.s32 $0xFFFFFFFF  }
0xb7: {  	_ =	strace $0x9000004B  }
0xb8: {  	_ =	sfence  }
0xb9: {  	s30 =	sld [smem:$0x0];
	_ =	sdelay $0x2  }
0xba: {  	s31 =	sshll.u32 s1, $0xD;
	s1 =	sshrl.u32 s1, $0x2  }
0xbb: {  	s3 =	sand.u32 $0x4000, s31;
	s1 =	sadd.s32 s1, s30  }
0xbc: {  	s0 =	sor.u32 s3, s0;
	s1 =	sshll.u32 s1, $0x11  }
0xbd: {  	s0 =	sor.u32 s1, s0  }
0xbe: {  	s0 =	sadd.s32 $0x8F2B, s0  }
0xbf: {  	[sflag:s0] =	ssyncadd.remote.s32 $0x1  }
0xc0: {  	_ =	sfence.sel $0xFFFF  }
0xc1: {  	[dreg:$0x0] =	wrdreg $0xFFFFFFFF;
	(pc) =	sbr.abs _section_cstart, $3  }
0xc2: {  	[dreg:$0x1] =	wrdreg $0xFFFFFFFF  }
0xc3: {  	_ =	task.clear_ibuf [dreg:s7], $0x2FFFF;
	_ =	strace $0x9FFFFFFF  }
0xc4: {  	(tm) =	ssettm $0x7FFFFFFF  }
0xc5: {  	_ =	shalt  }
tec
execute0_lowered:
.L_overlay_start_1:
0x0: {  	(tag) =	ssettag $0x1  }
0x1: {  	s0 =	rddreg [dreg:$0x0]  }
0x2: {  	s1 =	rddreg [dreg:$0x1]  }
0x3: {  	s2 =	rddreg [dreg:$0x2]  }
0x4: {  	s4 =	rddreg [dreg:$0x3]  }
0x5: {  	s5 =	simm.s32 $0x0;
	s17 =	stileid.u32;
	s7 =	srdreg.scid  }
0x6: {  	s19 =	simm.s32 $0x16800;
	s20 =	simm.s32 $0x16880;
	s21 =	simm.s32 $0x80  }
0x7: {  	s22 =	simm.s32 $0x16900;
	s23 =	simm.s32 $0x17100;
	s24 =	simm.s32 $0x18100  }
0x8: {  	s25 =	simm.s32 $0x1;
	s28 =	simm.s32 $0x3;
	s29 =	simm.s32 $0x17900  }
0x9: {  	[smem:$0x7FF] =	sst s5;
	s3 =	smul.u32 $0x14000, s17;
	s6 =	sadd.s32 $0x5E00, s0  }
0xa: {  	s9 =	smul.u32 $0x2800, s17;
	s10 =	sand.u32 $0x1, s7;
	s7 =	sadd.s32 $0x2DE00, s0  }
0xb: {  	s8 =	sadd.s32 $0x32E00, s0;
	s26 =	sshll.u32 s17, $0x1;
	s30 =	sshll.u32 s17, $0x6  }
0xc: {  	s17 =	simm.s32 $0x4;
	_ =	strace $0x8000004A;
	s11 =	smul.u32 $0x140000, s10  }
0xd: {  	s14 =	smul.u32 $0x28000, s10;
	s15 =	ssub.s32 $0x2, s10;
	s12 =	sshrl.u32 s3, $0x3  }
0xe: {  	s13 =	sshrl.u32 s9, $0x3;
	s16 =	sshrl.u32 s15, $0x1;
	s12 =	sadd.s32 s12, s0  }
0xf: {  	s13 =	sadd.s32 s13, s0;
	s11 =	sadd.s32 s3, s11;
	s14 =	sadd.s32 s9, s14  }
0x10: {  	v0 =	vimm.s32 $0xFEDCBA98;
	s15 =	ssub.s32 s15, s16;
	s3 =	sadd.s32 s3, s2;
	s9 =	sadd.s32 s9, s4  }
0x11: {  	v1 =	vimm.s32 $0x76543210;
	v0 =	vunpack.c.l.s4.s8 v0;
	s11 =	sshrl.u32 s11, $0x3;
	s14 =	sshrl.u32 s14, $0x3;
	s12 =	sadd.s32 $0x42000, s12  }
0x12: {  	vm0 =	vmmov $0xff;
	v1 =	vunpack.c.l.s4.s8 v1;
	s31 =	sadd.s32 $0x3D000, s13;
	s15 =	smax.u32 s15, $0x1;
	s16 =	sshrl.u32 s3, $0x3  }
0x13: {  	v2 =	vimm.s32 $0x1;
	v3 =	vimm.s32 $0x2;
	v0 =	vunpack.c.0.s8.s32 v0;
	s18 =	sshrl.u32 s9, $0x3;
	s11 =	sadd.s32 s11, s0;
	s0 =	sadd.s32 s14, s0  }
0x14: {  	v4 =	vimm.s32 $0x3;
	v5 =	vimm.s32 $0x4;
	v1 =	vunpack.c.0.s8.s32 v1;
	s14 =	sor.u32 s10, s26;
	[dreg:$0x5] =	wrdreg s12;
	s10 =	sor.u32 $0x1C04, s30  }
0x15: {  	v6 =	vimm.s32 $0x5;
	v7 =	vimm.s32 $0x6;
	v0 =	vand.u32 $0xF, v0;
	[dreg:$0x6] =	wrdreg s31;
	s26 =	simm.s32 $0x2;
	s11 =	sadd.s32 $0x9C000, s11  }
0x16: {  	v8 =	vimm.s32 $0x7;
	v0 =	vcombine.low v0, v1;
	v1 =	vimm.s32 $0x0;
	s12 =	smul.u32 $0x2880, s14;
	s14 =	sadd.s32 $0x92000, s0;
	[dreg:$0x7] =	wrdreg s11  }
.LBB2_1:
0x17: {  	s0 =	rddreg [dreg:$0x5]  }
0x18: {  	[spmem:s16], [sflag:s10] =	dma.local [hbm:s0], $0x2800  }
0x19: {  	_ =	swait.ge [sflag:s17], $0x2800  }
0x1a: {  	[sflag:s17] =	ssyncset.done $0x0  }
0x1b: {  	s31 =	rddreg [dreg:$0x6];
	[sflag:s17] =	ssyncadd.s32 $0xFFFFD800  }
0x1c: {  	[spmem:s18], [sflag:s10] =	dma.local [hbm:s31], $0x500  }
0x1d: {  	_ =	swait.ge [sflag:s17], $0x500  }
0x1e: {  	[sflag:s17] =	ssyncset.done $0x0  }
0x1f: {  	[sflag:s17] =	ssyncadd.s32 $0xFFFFFB00  }
0x20: {  	s30 =	simm.s32 $0x0;
	[bflag:$0x0] =	sbarrier.arrive $0xFFFF  }
.LBB2_2:
0x21: {  	s0 =	sshll.u32 s30, $0x7  }
0x22: {  	s0 =	sadd.s32 s12, s0  }
0x23: {  	s0 =	sshrl.u32 s0, $0x3  }
0x24: {  	s9 =	simm.s32 $0x0;
	s3 =	sadd.s32 s1, s0  }
0x25: {  	[tilespmem:s19], [sflag:$0x4] =	stream.linear.gather [hbm4b:s3+s9], $0x80, $0x38;
	[tilespmem:$0x1C100] =	vst v63  }
0x26: {  	_ =	swait.ge [sflag:s17], $0x80  }
0x27: {  	[sflag:s17] =	ssyncset.done $0x0  }
0x28: {  	s0 =	sadd.s32 s8, s0;
	[sflag:s17] =	ssyncadd.s32 $0xFFFFFF80  }
0x29: {  	[tilespmem:s20], [sflag:$0x4] =	stream.linear.gather [hbm4b:s0+s9], $0x80, $0x38;
	[tilespmem:$0x1C100] =	vst v63  }
0x2a: {  	_ =	swait.ge [sflag:s17], $0x80  }
0x2b: {  	[sflag:s17] =	ssyncset.done $0x0  }
0x2c: {  	[sflag:s17] =	ssyncadd.s32 $0xFFFFFF80  }
0x2d: {  	[tilespmem:s22], [sflag:$0x1] =	stream.indirect.gather [hbm4b:s7+s21], $0x10, s19, s21, $0xb8;
	[tilespmem:$0x1C100] =	vst v63  }
0x2e: {  	_ = 	snop  }
0x2f: {  	[tilespmem:s23], [sflag:$0x2] =	stream.indirect.gather [hbm4b:s7+s21], $0x10, s20, s21, $0xb8;
	[tilespmem:$0x1C100] =	vst v63  }
0x30: {  	_ = 	snop  }
0x31: {  	[tilespmem:s24], [sflag:$0x3] =	stream.indirect.gather [hbm4b:s6+s21], $0x80, s19, s21, $0xb8;
	[tilespmem:$0x1C100] =	vst v63  }
0x32: {  	_ =	swait.ge [sflag:s25], $0x800  }
0x33: {  	[sflag:s25] =	ssyncset.done $0x0  }
0x34: {  	[sflag:s25] =	ssyncadd.s32 $0xFFFFF800  }
0x35: {  	_ =	swait.ge [sflag:s26], $0x800  }
0x36: {  	[sflag:s26] =	ssyncset.done $0x0  }
0x37: {  	s31 =	simm.s32 $0x0;
	[sflag:s26] =	ssyncadd.s32 $0xFFFFF800  }
0x38: {  	s0 =	simm.s32 $0x10;
	v9 =	vld [tilespmem:s31+$0x17100]  }
0x39: {  	v10 =	vld [tilespmem:s0+$0x17100]  }
0x3a: {  	v11 =	vld [tilespmem:s31+$0x16900];
	_ =	sdelay $0x1  }
0x3b: {  	v12 =	vld [tilespmem:s0+$0x16900]  }
0x3c: {  	v9 =	vperm.xlane v9, v0  }
0x3d: {  	s3 =	simm.s32 $0x20  }
0x3e: {  	v13 =	vld [tilespmem:s3+$0x17100];
	v10 =	vperm.xlane v10, v0;
	v9 =	vadd.f32 v9, v11;
	_ =	sdelay $0x1  }
0x3f: {  	v10 =	vadd.f32 v10, v12;
	v12 =	vmul.f32 $2.000000030e-01, v9;
	_ =	sdelay $0x1  }
0x40: {  	v9 =	vmax.f32 v9, v12  }
0x41: {  	v12 =	vperm.xlane v13, v0;
	v13 =	vmul.f32 $1.442695020e+00, v9  }
0x42: {  	v14 =	vmul.f32 $2.000000030e-01, v10  }
0x43: {  	v11 =	vld [tilespmem:s3+$0x16900];
	(erf) = vpow2.f32 v13  }
0x44: {  	v10 =	vmax.f32 v10, v14  }
0x45: {  	v14 =	vmul.f32 $1.442695020e+00, v10  }
0x46: {  	s9 =	simm.s32 $0x30  }
0x47: {  	v10 =	vld [tilespmem:s9+$0x17100];
	(erf) = vpow2.f32 v14  }
0x48: {  	v9 =	vadd.f32 v12, v11  }
0x49: {  	v11 =	vld [tilespmem:s9+$0x16900]  }
0x4a: {  	s11 =	simm.s32 $0x100;
	v12 =	vmul.f32 $2.000000030e-01, v9  }
.LBB2_3:
0x4b: {  	p0 =	sne.s32 s11, $0x1FC0  }
.Ltmp0:
0x4c: {  	s13 =	sshra.s32 s11, $0x2;
	s11 =	sadd.s32 $0x40, s11;
	v13 =	vperm.xlane v10, v0;
	v9 =	vmax.f32 v9, v12;
	v12 =	vpop (erf);
	(pc) =	sbr.rel @p0 .LBB2_3-.Ltmp0, $4  }
0x4d: {  	v10 =	vld [tilespmem:s13+$0x17100];
	v14 =	vmul.f32 $1.442695020e+00, v9;
	v12 =	vnsel vm0, $0x0, v12  }
0x4e: {  	v9 =	vadd.f32 v13, v11;
	[tilespmem:s31+$0x17900] =	vst v12;
	s31 =	smov.u32 s0;
	s0 =	smov.u32 s3;
	s3 =	smov.u32 s9  }
0x4f: {  	s9 =	smov.u32 s13;
	v11 =	vld [tilespmem:s13+$0x16900];
	(erf) = vpow2.f32 v14  }
0x50: {  	v12 =	vmul.f32 $2.000000030e-01, v9  }
0x51: {  	_ = 	snop  }
0x52: {  	v10 =	vperm.xlane v10, v0;
	_ =	sdelay $0x1  }
0x53: {  	v10 =	vadd.f32 v10, v11;
	_ =	sdelay $0x1  }
0x54: {  	v11 =	vmul.f32 $2.000000030e-01, v10  }
0x55: {  	v9 =	vmax.f32 v9, v12  }
0x56: {  	v9 =	vmul.f32 $1.442695020e+00, v9;
	v10 =	vmax.f32 v10, v11  }
0x57: {  	v10 =	vmul.f32 $1.442695020e+00, v10  }
0x58: {  	(erf) = vpow2.f32 v9  }
0x59: {  	(erf) = vpow2.f32 v10;
	_ =	sdelay $0x5  }
0x5a: {  	v9 =	vpop (erf)  }
0x5b: {  	v9 =	vnsel vm0, $0x0, v9;
	v10 =	vpop (erf)  }
0x5c: {  	[tilespmem:s31+$0x17900] =	vst v9;
	v9 =	vnsel vm0, $0x0, v10;
	v10 =	vpop (erf)  }
0x5d: {  	[tilespmem:s0+$0x17900] =	vst v9;
	v9 =	vnsel vm0, $0x0, v10;
	v10 =	vpop (erf)  }
0x5e: {  	[tilespmem:s3+$0x17900] =	vst v9;
	v9 =	vnsel vm0, $0x0, v10  }
0x5f: {  	[tilespmem:s9+$0x17900] =	vst v9  }
0x60: {  	_ =	swait.ge [sflag:s28], $0x4000  }
0x61: {  	[sflag:s28] =	ssyncset.done $0x0  }
0x62: {  	s31 =	simm.s32 $0x18140;
	[sflag:s28] =	ssyncadd.s32 $0xFFFFC000  }
0x63: {  	s0 =	simm.s32 $0x18140;
	s3 =	simm.s32 $0x40;
	s9 =	simm.s32 $0x0;
	v9 =	vld [tilespmem:s31+$0xFFFFFFF0]  }
.LBB2_5:
0x64: {  	p0 =	sne.s32 s3, $0x1FC0;
	v10 =	vld [tilespmem:s9+$0x17900]  }
0x65: {  	v11 =	vld [tilespmem:s31+$0xFFFFFFD0]  }
0x66: {  	v12 =	vld [tilespmem:s31+$0xFFFFFFC0]  }
0x67: {  	v13 =	vld [tilespmem:s31+$0xFFFFFFE0]  }
0x68: {  	v14 =	vld [tilespmem:s31+$0x30]  }
0x69: {  	v15 =	vperm.xlane v10, v1;
	v16 =	vperm.xlane v10, v2;
	v17 =	vld [tilespmem:s31+$0x10]  }
0x6a: {  	v18 =	vperm.xlane v10, v3;
	v19 =	vperm.xlane v10, v4;
	v20 =	vld [tilespmem:s31+$0x0]  }
0x6b: {  	v12 =	vmul.f32 v12, v15;
	v11 =	vmul.f32 v11, v16;
	v15 =	vld [tilespmem:s31+$0x20]  }
0x6c: {  	v9 =	vmul.f32 v9, v19;
	v13 =	vmul.f32 v13, v18  }
0x6d: {  	v16 =	vperm.xlane v10, v6;
	[tilespmem:s31+$0xFFFFFFC0] =	vst v12;
	v12 =	vperm.xlane v10, v5  }
0x6e: {  	[tilespmem:s31+$0xFFFFFFD0] =	vst v11;
	v11 =	vperm.xlane v10, v7;
	v10 =	vperm.xlane v10, v8  }
0x6f: {  	[tilespmem:s31+$0xFFFFFFE0] =	vst v13;
	v12 =	vmul.f32 v20, v12;
	v13 =	vmul.f32 v17, v16  }
.Ltmp1:
0x70: {  	[tilespmem:s31+$0xFFFFFFF0] =	vst v9;
	v9 =	vmul.f32 v15, v11;
	v10 =	vmul.f32 v14, v10;
	(pc) =	sbr.rel @p0 .LBB2_5-.Ltmp1, $4  }
0x71: {  	[tilespmem:s31+$0x0] =	vst v12  }
0x72: {  	[tilespmem:s31+$0x10] =	vst v13  }
0x73: {  	s31 =	sadd.s32 $0x80, s31;
	[tilespmem:s0+$0x20] =	vst v9  }
0x74: {  	s9 =	sshra.s32 s3, $0x2;
	s3 =	sadd.s32 $0x40, s3;
	v9 =	vld [tilespmem:s31+$0xFFFFFFF0];
	[tilespmem:s0+$0x30] =	vst v10;
	s0 =	smov.u32 s31  }
0x75: {  	v10 =	vld [tilespmem:s9+$0x17900];
	_ =	sdelay $0x1  }
0x76: {  	v11 =	vld [tilespmem:s31+$0xFFFFFFC0]  }
0x77: {  	v12 =	vld [tilespmem:s31+$0xFFFFFFD0]  }
0x78: {  	v13 =	vld [tilespmem:s31+$0xFFFFFFE0]  }
0x79: {  	v14 =	vperm.xlane v10, v1  }
0x7a: {  	v17 =	vld [tilespmem:s31+$0x10];
	v15 =	vperm.xlane v10, v2  }
0x7b: {  	v16 =	vld [tilespmem:s31+$0x0];
	v18 =	vperm.xlane v10, v3;
	v11 =	vmul.f32 v11, v14  }
0x7c: {  	v60 =	vld [tilespmem:s31+$0x20];
	v59 =	vperm.xlane v10, v4;
	v12 =	vmul.f32 v12, v15  }
0x7d: {  	v19 =	vld [tilespmem:s31+$0x30];
	v61 =	vperm.xlane v10, v6;
	v13 =	vmul.f32 v13, v18;
	[tilespmem:s31+$0xFFFFFFC0] =	vst v11  }
0x7e: {  	v9 =	vmul.f32 v9, v59;
	v11 =	vperm.xlane v10, v5;
	[tilespmem:s31+$0xFFFFFFD0] =	vst v12  }
0x7f: {  	v62 =	vperm.xlane v10, v7;
	v63 =	vmul.f32 v17, v61;
	[tilespmem:s31+$0xFFFFFFE0] =	vst v13  }
0x80: {  	v10 =	vperm.xlane v10, v8;
	[tilespmem:s31+$0xFFFFFFF0] =	vst v9;
	v11 =	vmul.f32 v16, v11  }
0x81: {  	v9 =	vmul.f32 v60, v62;
	[tilespmem:s31+$0x10] =	vst v63  }
0x82: {  	v10 =	vmul.f32 v19, v10;
	[tilespmem:s31+$0x0] =	vst v11  }
0x83: {  	[tilespmem:s0+$0x20] =	vst v9  }
0x84: {  	[tilespmem:s0+$0x30] =	vst v10  }
0x85: {  	[spmem:s4] =	stream.indirect.scatter.add.f32 [tilespmem:s29], [sflag:$0x4], $0x10, s20, s21, $0xb8;
	[tilespmem:$0x1C100] =	vst v63  }
0x86: {  	s30 =	sadd.s32 $0x1, s30;
	_ =	swait.ge [sflag:s17], $0x800  }
0x87: {  	p0 =	sne.s32 s30, $0x51;
	[sflag:s17] =	ssyncset.done $0x0  }
.Ltmp2:
0x88: {  	[sflag:s17] =	ssyncadd.s32 $0xFFFFF800;
	(pc) =	sbr.rel @p0 .LBB2_2-.Ltmp2, $4  }
0x89: {  	[spmem:s2] =	stream.indirect.scatter.add.f32 [tilespmem:s24], [sflag:$0x4], $0x80, s20, s21, $0xb8;
	[tilespmem:$0x1C100] =	vst v63  }
0x8a: {  	_ =	swait.ge [sflag:s17], $0x4000  }
0x8b: {  	[sflag:s17] =	ssyncset.done $0x0  }
0x8c: {  	[sflag:s17] =	ssyncadd.s32 $0xFFFFC000  }
0x8d: {  	[bflag:$0x0] =	sbarrier.arrive $0xFFFF  }
0x8e: {  	s0 =	rddreg [dreg:$0x7]  }
0x8f: {  	[hbm:s0], [sflag:s10] =	dma.local [spmem:s16], $0x2800  }
0x90: {  	s5 =	sadd.s32 $0x1, s5;
	_ =	swait.ge [sflag:s17], $0x2800  }
0x91: {  	p0 =	sne.s32 s5, s15;
	[sflag:s17] =	ssyncset.done $0x0  }
.Ltmp3:
0x92: {  	[sflag:s17] =	ssyncadd.s32 $0xFFFFD800;
	(pc) =	sbr.rel @p0 .LBB2_1-.Ltmp3, $4  }
0x93: {  	[hbm:s14], [sflag:s10] =	dma.local [spmem:s18], $0x500  }
0x94: {  	_ =	swait.ge [sflag:s17], $0x500  }
0x95: {  	[sflag:s17] =	ssyncset.done $0x0  }
0x96: {  	[sflag:s17] =	ssyncadd.s32 $0xFFFFFB00  }
0x97: {  	_ =	sfence.sel $0x180000  }
0x98: {  	[bflag:$0x0] =	sbarrier.arrive $0xFFFF  }
0x99: {  	_ =	strace $0x9000004A  }
0x9a: {  	s0 =	stileid.u32;
	[bflag:$0x2] =	sbarrier.arrive $0xFFFF  }
0x9b: {  	p0 =	sne.s32 s0, $0x0;
	s0 =	rddreg [dreg:$0x4]  }
0x9c: {  	s0 =	sadd.s32 @!p0 $0x100000, s0  }
0x9d: {  	[sflag:s0] =	ssyncadd.tile.s32 @!p0 $0x1;
	_ =	shalt  }
.Lfunc_end2:
_tile_overlayer_lowered:
.L_overlay_start_2:
0x9e: {  	(tag) =	ssettag $0x2  }
0x9f: {  	s0 =	rddreg [dreg:$0x0];
	s2 =	stileid.u32  }
0xa0: {  	s1 =	rddreg [dreg:$0x1];
	p0 =	sne.s32 s2, $0x0  }
0xa1: {  	s3 =	rddreg [dreg:$0x2];
	[bflag:$0x3] =	sbarrier.arrive $0xFFFF;
	s2 =	simm.s32 @!p0 $0x1C04  }
0xa2: {  	[timem:s3], [sflag:s2] =	dma.local @!p0 [hbm:s0], s1  }
0xa3: {  	s0 =	simm.s32 @!p0 $0x4  }
0xa4: {  	_ =	swait.ge @!p0 [sflag:s0], s1  }
0xa5: {  	s1 =	ssub.s32 @!p0 $0x0, s1;
	[sflag:s0] =	ssyncset.done @!p0 $0x0  }
0xa6: {  	[sflag:s0] =	ssyncadd.s32 @!p0 s1  }
0xa7: {  	[bflag:$0x3] =	sbarrier.arrive $0xFFFF  }
0xa8: {  	_ =	shalt  }

// kernel: kernel.17.cloned.1.call-start
scs
__scs_entry_jumppad:
0x0: {  	(pc) =	sbr.rel $0x88, $3  }
0x1: {  	(tag) =	ssettag $0x0;
	lr =	simm.s32 $0x1  }
0x2: {  	[smem:$0x3F8F] =	sst lr;
	_ =	strace $0xD0000000  }
0x3: {  	_ = 	snop  }
0x4: {  	_ = 	snop  }
0x5: {  	_ = 	snop  }
0x6: {  	_ = 	snop  }
0x7: {  	_ = 	snop  }
__scs_overlays_trampoline_lowered:
0x8: {  	[smem:$0x3F9E] =	sst s0  }
0x9: {  	[smem:$0x3F9F] =	sst s1  }
0xa: {  	[smem:$0x3FA0] =	sst s2  }
0xb: {  	[smem:$0x3FA1] =	sst s3  }
0xc: {  	[smem:$0x3FA2] =	sst s4  }
0xd: {  	[smem:$0x3FA3] =	sst s5  }
0xe: {  	[smem:$0x3FA4] =	sst s6  }
0xf: {  	[smem:$0x3FA5] =	sst s7  }
0x10: {  	[smem:$0x3FA6] =	sst s8  }
0x11: {  	[smem:$0x3FA7] =	sst s9;
	s0 =	simm.s32 @!p0 $0x0  }
0x12: {  	s1 =	sld [smem:$0x3F8D];
	s0 =	simm.s32 @p0 $0x1  }
0x13: {  	[smem:$0x3FA8] =	sst s0;
	s0 =	simm.s32 @!p1 $0x0  }
0x14: {  	s2 =	sld [smem:$0x3F8C];
	s0 =	simm.s32 @p1 $0x1  }
0x15: {  	[smem:$0x3FA9] =	sst s0;
	s0 =	simm.s32 @!p2 $0x0  }
0x16: {  	s3 =	sld [smem:$0x3FDB];
	s0 =	simm.s32 @p2 $0x1  }
0x17: {  	s4 =	simm.s32 $0x1BF5;
	[smem:$0x3FAB] =	sst s0  }
0x18: {  	s0 =	sld [smem:$0x3F8E];
	_ =	swait.ge [sflag:s4], $0x0  }
0x19: {  	s7 =	sld [smem:$0x3F8F]  }
0x1a: {  	s8 =	sadd.s32 $0xFFFFE003, lr  }
0x1b: {  	s9 =	sadd.s32 $0xFFFFFEF7, lr;
	s5 =	simm.s32 $0xFFFFFFFF;
	p2 =	slt.u32 s8, $0xFFFFF086  }
0x1c: {  	p1 =	slt.u32 s9, $0xF7A;
	s5 =	simm.s32 @!p2 $0x0  }
0x1d: {  	s5 =	simm.s32 @p1 $0x1;
	p0 =	seq.s32 s7, s2  }
0x1e: {  	s7 =	smul.u32 @!p0 $0xF7A, s2;
	p2 =	seq.s32 @!p0 s5, $0x0  }
0x1f: {  	s9 =	smul.u32 $0xF7A, s1;
	s8 =	simm.s32 @!p0 $0x1BF5;
	p2 =	por !p2, p0  }
0x20: {  	[sflag:s8] =	ssyncset.s32 @!p0 $0xFFFFF086;
	s6 =	sadd.s32 @!p0 s3, s7;
	s7 =	simm.s32 @!p0 $0x108  }
0x21: {  	s3 =	sadd.s32 s3, s9;
	s6 =	sadd.s32 @!p0 $0x88, s6;
	s7 =	simm.s32 @p2 $0x1082  }
0x22: {  	[simem:s7], [sflag:s8] =	dma.local @!p0 [hbm:s6], $0xF7A  }
0x23: {  	s9 =	sor.u32 $0xD0000000, s2;
	s6 =	simm.s32 $0x108;
	_ =	swait.ge @!p0 [sflag:s8], $0x0  }
0x24: {  	s3 =	sadd.s32 $0x88, s3;
	s6 =	simm.s32 @!p1 $0x1082;
	[sflag:s4] =	ssyncset.s32 $0xFFFFF086  }
0x25: {  	[simem:s6], [sflag:s4] =	dma.local [hbm:s3], $0xF7A  }
0x26: {  	[smem:$0x3F8F] =	sst s1;
	(tag) =	ssettag s2;
	_ =	strace s9  }
0x27: {  	s1 =	sld [smem:$0x3F9F]  }
0x28: {  	s2 =	sld [smem:$0x3FA0]  }
0x29: {  	s4 =	sld [smem:$0x3FA2]  }
0x2a: {  	p0 =	seq.s32 s5, $0x0;
	s5 =	sld [smem:$0x3FA3]  }
0x2b: {  	s6 =	sld [smem:$0x3FA4]  }
0x2c: {  	s7 =	sld [smem:$0x3FA5]  }
0x2d: {  	s3 =	simm.s32 $0x108;
	s8 =	sld [smem:$0x3FA6]  }
0x2e: {  	s3 =	simm.s32 @!p0 $0x1082;
	s9 =	sld [smem:$0x3FA7]  }
0x2f: {  	lr =	sadd.s32 s0, s3;
	s0 =	sld [smem:$0x3F9E]  }
0x30: {  	s3 =	sld [smem:$0x3FA1]  }
0x31: {  	[smem:$0x3FAA] =	sst s10  }
0x32: {  	s10 =	sld [smem:$0x3FA8];
	_ =	sdelay $0x3  }
0x33: {  	p0 =	seq.s32 s10, $0x1;
	s10 =	sld [smem:$0x3FAA];
	_ =	sdelay $0x3  }
0x34: {  	[smem:$0x3FAA] =	sst s10  }
0x35: {  	s10 =	sld [smem:$0x3FA9];
	_ =	sdelay $0x3  }
0x36: {  	p1 =	seq.s32 s10, $0x1;
	s10 =	sld [smem:$0x3FAA];
	_ =	sdelay $0x3  }
0x37: {  	[smem:$0x3FAA] =	sst s10  }
0x38: {  	s10 =	sld [smem:$0x3FAB]  }
0x39: {  	_ = 	snop;
	(pc) =	sbr.ind lr, $3  }
0x3a: {  	_ = 	snop  }
0x3b: {  	_ = 	snop  }
0x3c: {  	p2 =	seq.s32 s10, $0x1;
	s10 =	sld [smem:$0x3FAA]  }
0x3d: {  	_ =	shalt  }
0x3e: {  	_ =	shalt  }
0x3f: {  	_ =	shalt  }
0x40: {  	_ =	shalt  }
0x41: {  	_ =	shalt  }
0x42: {  	_ =	shalt  }
0x43: {  	_ =	shalt  }
0x44: {  	_ =	shalt  }
0x45: {  	_ =	shalt  }
0x46: {  	_ =	shalt  }
0x47: {  	_ =	shalt  }
0x48: {  	_ =	shalt  }
0x49: {  	_ =	shalt  }
0x4a: {  	_ =	shalt  }
0x4b: {  	_ =	shalt  }
0x4c: {  	_ =	shalt  }
0x4d: {  	_ =	shalt  }
0x4e: {  	_ =	shalt  }
0x4f: {  	_ =	shalt  }
0x50: {  	_ =	shalt  }
0x51: {  	_ =	shalt  }
0x52: {  	_ =	shalt  }
0x53: {  	_ =	shalt  }
0x54: {  	_ =	shalt  }
0x55: {  	_ =	shalt  }
0x56: {  	_ =	shalt  }
0x57: {  	_ =	shalt  }
0x58: {  	_ =	shalt  }
0x59: {  	_ =	shalt  }
0x5a: {  	_ =	shalt  }
0x5b: {  	_ =	shalt  }
0x5c: {  	_ =	shalt  }
0x5d: {  	_ =	shalt  }
0x5e: {  	_ =	shalt  }
0x5f: {  	_ =	shalt  }
0x60: {  	_ =	shalt  }
0x61: {  	_ =	shalt  }
0x62: {  	_ =	shalt  }
0x63: {  	_ =	shalt  }
0x64: {  	_ =	shalt  }
0x65: {  	_ =	shalt  }
0x66: {  	_ =	shalt  }
0x67: {  	_ =	shalt  }
0x68: {  	_ =	shalt  }
0x69: {  	_ =	shalt  }
0x6a: {  	_ =	shalt  }
0x6b: {  	_ =	shalt  }
0x6c: {  	_ =	shalt  }
0x6d: {  	_ =	shalt  }
0x6e: {  	_ =	shalt  }
0x6f: {  	_ =	shalt  }
0x70: {  	_ =	shalt  }
0x71: {  	_ =	shalt  }
0x72: {  	_ =	shalt  }
0x73: {  	_ =	shalt  }
0x74: {  	_ =	shalt  }
0x75: {  	_ =	shalt  }
0x76: {  	_ =	shalt  }
0x77: {  	_ =	shalt  }
0x78: {  	_ =	shalt  }
0x79: {  	_ =	shalt  }
0x7a: {  	_ =	shalt  }
0x7b: {  	_ =	shalt  }
0x7c: {  	_ =	shalt  }
0x7d: {  	_ =	shalt  }
0x7e: {  	_ =	shalt  }
0x7f: {  	_ =	shalt  }
0x80: {  	_ =	shalt  }
0x81: {  	_ =	shalt  }
0x82: {  	_ =	shalt  }
0x83: {  	_ =	shalt  }
0x84: {  	_ =	shalt  }
0x85: {  	_ =	shalt  }
0x86: {  	_ =	shalt  }
0x87: {  	_ =	shalt  }
.Lfunc_end0:
.L_simem_size_0:
called_computation.2_lowered:
.L_overlay_start_0:
0x88: {  	s2 =	sld [smem:$0x3FD9]  }
0x89: {  	s3 =	sld [smem:$0x3FFE];
	_ =	sdelay $0x1  }
0x8a: {  	s1 =	srdreg.scid  }
0x8b: {  	s0 =	sand.u32 $0x1, s1  }
0x8c: {  	s17 =	sshll.u32 s0, $0xA;
	s2 =	sadd.s32 s3, s2  }
0x8d: {  	s2 =	sadd.s32 s2, s17  }
0x8e: {  	[smem:$0x3FB6] =	sst s2  }
0x8f: {  	_ = 	snop  }
0x90: {  	s2 =	sld [smem:$0x3FD0];
	(tm) =	ssettm $0x1  }
0x91: {  	s18 =	sld [smem:$0x3FFB];
	_ =	sdelay $0x3  }
0x92: {  	_ =	strace s18  }
0x93: {  	s3 =	sld [smem:$0x3FFC];
	_ =	sdelay $0x3  }
0x94: {  	_ =	strace s3  }
0x95: {  	s3 =	sld [smem:$0x3FFD];
	_ =	sdelay $0x3  }
0x96: {  	_ =	strace s3  }
0x97: {  	_ =	strace $0x8FFFFFFF  }
0x98: {  	s19 =	sld [smem:$0x3FDB];
	_ =	sdelay $0x1  }
0x99: {  	s4 =	simm.s32 $_scs_section_size  }
0x9a: {  	s5 =	simm.s32 $_size__tile_overlayer_lowered;
	s6 =	simm.s32 $_tile_overlayer_lowered  }
0x9b: {  	s22 =	simm.s32 $0x1BFF;
	s21 =	sshll.u32 s6, $0x1;
	s3 =	sadd.s32 s4, s19  }
0x9c: {  	s7 =	simm.s32 $0x0;
	s20 =	sshll.u32 s5, $0x1;
	s5 =	sadd.s32 s21, s3  }
0x9d: {  	[timem:s7], [sflag:s22] =	dma.local [hbm:s5], s20  }
0x9e: {  	_ =	swait.ge [sflag:s22], s20  }
0x9f: {  	s4 =	ssub.s32 $0x0, s20;
	[sflag:s22] =	ssyncset.done $0x0  }
0xa0: {  	[sflag:s22] =	ssyncadd.s32 s4;
	_ =	sdelay $0x1  }
0xa1: {  	s23 =	simm.s32 $0x1B8B  }
0xa2: {  	_ =	swait.ge [sflag:s23], $0x1  }
0xa3: {  	[sflag:s23] =	ssyncset.done $0x0  }
0xa4: {  	s25 =	simm.s32 $0x1B8E;
	s24 =	sld [smem:$0x3FFE];
	[sflag:s23] =	ssyncadd.s32 $0xFFFFFFFF  }
0xa5: {  	s26 =	simm.s32 $execute0_lowered;
	[smem:$0x3FD2] =	sst s25  }
0xa6: {  	s5 =	sshll.u32 s26, $0x1;
	_ =	strace $0x8000004C;
	[dreg:$0x1] =	wrdreg $0xFFFFFFFF  }
0xa7: {  	s28 =	simm.s32 $_size_execute0_lowered;
	s3 =	sadd.s32 s3, s5;
	[dreg:$0x0] =	wrdreg $0x0  }
0xa8: {  	s5 =	sshll.u32 s28, $0x1;
	[dreg:$0x2] =	wrdreg s3  }
0xa9: {  	[dreg:$0x3] =	wrdreg s5  }
0xaa: {  	[dreg:$0x4] =	wrdreg $0xC0  }
0xab: {  	_ =	task [dreg:s7], $0x5FFFF  }
0xac: {  	[dreg:$0x1] =	wrdreg $0xFFFFFFFF  }
0xad: {  	[dreg:$0x0] =	wrdreg $0x60  }
0xae: {  	[dreg:$0x2] =	wrdreg s24  }
0xaf: {  	[dreg:$0x3] =	wrdreg s2  }
0xb0: {  	[dreg:$0x4] =	wrdreg $0x0  }
0xb1: {  	[dreg:$0x5] =	wrdreg $0x140000  }
0xb2: {  	[dreg:$0x6] =	wrdreg $0x9  }
0xb3: {  	_ =	task.clear_ibuf [dreg:s7], $0x7FFFF;
	_ =	strace $0x9000004C  }
0xb4: {  	s29 =	simm.s32 $0x9;
	_ =	strace $0x8000004E  }
0xb5: {  	_ =	swait.ge [sflag:s29], $0x1  }
0xb6: {  	[sflag:s29] =	ssyncadd.s32 $0xFFFFFFFF  }
0xb7: {  	_ =	strace $0x9000004E  }
0xb8: {  	_ =	sfence  }
0xb9: {  	s30 =	sld [smem:$0x0];
	_ =	sdelay $0x2  }
0xba: {  	s31 =	sshll.u32 s1, $0xD;
	s1 =	sshrl.u32 s1, $0x2  }
0xbb: {  	s3 =	sand.u32 $0x4000, s31;
	s1 =	sadd.s32 s1, s30  }
0xbc: {  	s0 =	sor.u32 s3, s0;
	s1 =	sshll.u32 s1, $0x11  }
0xbd: {  	s0 =	sor.u32 s1, s0  }
0xbe: {  	s0 =	sadd.s32 $0x8F2B, s0  }
0xbf: {  	[sflag:s0] =	ssyncadd.remote.s32 $0x1  }
0xc0: {  	_ =	sfence.sel $0xFFFF  }
0xc1: {  	[dreg:$0x0] =	wrdreg $0xFFFFFFFF;
	(pc) =	sbr.abs _section_cstart, $3  }
0xc2: {  	[dreg:$0x1] =	wrdreg $0xFFFFFFFF  }
0xc3: {  	_ =	task.clear_ibuf [dreg:s7], $0x2FFFF;
	_ =	strace $0x9FFFFFFF  }
0xc4: {  	(tm) =	ssettm $0x7FFFFFFF  }
0xc5: {  	_ =	shalt  }
tec
execute0_lowered:
.L_overlay_start_1:
0x0: {  	(tag) =	ssettag $0x1  }
0x1: {  	s0 =	rddreg [dreg:$0x0]  }
0x2: {  	s1 =	rddreg [dreg:$0x1]  }
0x3: {  	s2 =	rddreg [dreg:$0x2]  }
0x4: {  	s4 =	rddreg [dreg:$0x3]  }
0x5: {  	s5 =	simm.s32 $0x0;
	s17 =	stileid.u32;
	s7 =	srdreg.scid  }
0x6: {  	s19 =	simm.s32 $0x16800;
	s20 =	simm.s32 $0x16880;
	s21 =	simm.s32 $0x80  }
0x7: {  	s22 =	simm.s32 $0x16900;
	s23 =	simm.s32 $0x17100;
	s24 =	simm.s32 $0x18100  }
0x8: {  	s25 =	simm.s32 $0x1;
	s28 =	simm.s32 $0x3;
	s29 =	simm.s32 $0x17900  }
0x9: {  	[smem:$0x7FF] =	sst s5;
	s3 =	smul.u32 $0x14000, s17;
	s6 =	sadd.s32 $0x5E00, s0  }
0xa: {  	s9 =	smul.u32 $0x2800, s17;
	s10 =	sand.u32 $0x1, s7;
	s7 =	sadd.s32 $0x2DE00, s0  }
0xb: {  	s8 =	sadd.s32 $0x32E00, s0;
	s26 =	sshll.u32 s17, $0x1;
	s30 =	sshll.u32 s17, $0x6  }
0xc: {  	s17 =	simm.s32 $0x4;
	_ =	strace $0x8000004D;
	s11 =	smul.u32 $0x140000, s10  }
0xd: {  	s14 =	smul.u32 $0x28000, s10;
	s15 =	ssub.s32 $0x2, s10;
	s12 =	sshrl.u32 s3, $0x3  }
0xe: {  	s13 =	sshrl.u32 s9, $0x3;
	s16 =	sshrl.u32 s15, $0x1;
	s12 =	sadd.s32 s12, s0  }
0xf: {  	s13 =	sadd.s32 s13, s0;
	s11 =	sadd.s32 s3, s11;
	s14 =	sadd.s32 s9, s14  }
0x10: {  	v0 =	vimm.s32 $0xFEDCBA98;
	s15 =	ssub.s32 s15, s16;
	s3 =	sadd.s32 s3, s2;
	s9 =	sadd.s32 s9, s4  }
0x11: {  	v1 =	vimm.s32 $0x76543210;
	v0 =	vunpack.c.l.s4.s8 v0;
	s11 =	sshrl.u32 s11, $0x3;
	s14 =	sshrl.u32 s14, $0x3;
	s12 =	sadd.s32 $0x42000, s12  }
0x12: {  	vm0 =	vmmov $0xff;
	v1 =	vunpack.c.l.s4.s8 v1;
	s31 =	sadd.s32 $0x3D000, s13;
	s15 =	smax.u32 s15, $0x1;
	s16 =	sshrl.u32 s3, $0x3  }
0x13: {  	v2 =	vimm.s32 $0x1;
	v3 =	vimm.s32 $0x2;
	v0 =	vunpack.c.0.s8.s32 v0;
	s18 =	sshrl.u32 s9, $0x3;
	s11 =	sadd.s32 s11, s0;
	s0 =	sadd.s32 s14, s0  }
0x14: {  	v4 =	vimm.s32 $0x3;
	v5 =	vimm.s32 $0x4;
	v1 =	vunpack.c.0.s8.s32 v1;
	s14 =	sor.u32 s10, s26;
	[dreg:$0x5] =	wrdreg s12;
	s10 =	sor.u32 $0x1C04, s30  }
0x15: {  	v6 =	vimm.s32 $0x5;
	v7 =	vimm.s32 $0x6;
	v0 =	vand.u32 $0xF, v0;
	[dreg:$0x6] =	wrdreg s31;
	s26 =	simm.s32 $0x2;
	s11 =	sadd.s32 $0x9C000, s11  }
0x16: {  	v8 =	vimm.s32 $0x7;
	v0 =	vcombine.low v0, v1;
	v1 =	vimm.s32 $0x0;
	s12 =	smul.u32 $0x2880, s14;
	s14 =	sadd.s32 $0x92000, s0;
	[dreg:$0x7] =	wrdreg s11  }
.LBB2_1:
0x17: {  	s0 =	rddreg [dreg:$0x5]  }
0x18: {  	[spmem:s16], [sflag:s10] =	dma.local [hbm:s0], $0x2800  }
0x19: {  	_ =	swait.ge [sflag:s17], $0x2800  }
0x1a: {  	[sflag:s17] =	ssyncset.done $0x0  }
0x1b: {  	s31 =	rddreg [dreg:$0x6];
	[sflag:s17] =	ssyncadd.s32 $0xFFFFD800  }
0x1c: {  	[spmem:s18], [sflag:s10] =	dma.local [hbm:s31], $0x500  }
0x1d: {  	_ =	swait.ge [sflag:s17], $0x500  }
0x1e: {  	[sflag:s17] =	ssyncset.done $0x0  }
0x1f: {  	[sflag:s17] =	ssyncadd.s32 $0xFFFFFB00  }
0x20: {  	s30 =	simm.s32 $0x0;
	[bflag:$0x0] =	sbarrier.arrive $0xFFFF  }
.LBB2_2:
0x21: {  	s0 =	sshll.u32 s30, $0x7  }
0x22: {  	s0 =	sadd.s32 s12, s0  }
0x23: {  	s0 =	sshrl.u32 s0, $0x3  }
0x24: {  	s9 =	simm.s32 $0x0;
	s3 =	sadd.s32 s1, s0  }
0x25: {  	[tilespmem:s19], [sflag:$0x4] =	stream.linear.gather [hbm4b:s3+s9], $0x80, $0x38;
	[tilespmem:$0x1C100] =	vst v63  }
0x26: {  	_ =	swait.ge [sflag:s17], $0x80  }
0x27: {  	[sflag:s17] =	ssyncset.done $0x0  }
0x28: {  	s0 =	sadd.s32 s8, s0;
	[sflag:s17] =	ssyncadd.s32 $0xFFFFFF80  }
0x29: {  	[tilespmem:s20], [sflag:$0x4] =	stream.linear.gather [hbm4b:s0+s9], $0x80, $0x38;
	[tilespmem:$0x1C100] =	vst v63  }
0x2a: {  	_ =	swait.ge [sflag:s17], $0x80  }
0x2b: {  	[sflag:s17] =	ssyncset.done $0x0  }
0x2c: {  	[sflag:s17] =	ssyncadd.s32 $0xFFFFFF80  }
0x2d: {  	[tilespmem:s22], [sflag:$0x1] =	stream.indirect.gather [hbm4b:s7+s21], $0x10, s19, s21, $0xb8;
	[tilespmem:$0x1C100] =	vst v63  }
0x2e: {  	_ = 	snop  }
0x2f: {  	[tilespmem:s23], [sflag:$0x2] =	stream.indirect.gather [hbm4b:s7+s21], $0x10, s20, s21, $0xb8;
	[tilespmem:$0x1C100] =	vst v63  }
0x30: {  	_ = 	snop  }
0x31: {  	[tilespmem:s24], [sflag:$0x3] =	stream.indirect.gather [hbm4b:s6+s21], $0x80, s19, s21, $0xb8;
	[tilespmem:$0x1C100] =	vst v63  }
0x32: {  	_ =	swait.ge [sflag:s25], $0x800  }
0x33: {  	[sflag:s25] =	ssyncset.done $0x0  }
0x34: {  	[sflag:s25] =	ssyncadd.s32 $0xFFFFF800  }
0x35: {  	_ =	swait.ge [sflag:s26], $0x800  }
0x36: {  	[sflag:s26] =	ssyncset.done $0x0  }
0x37: {  	s31 =	simm.s32 $0x0;
	[sflag:s26] =	ssyncadd.s32 $0xFFFFF800  }
0x38: {  	s0 =	simm.s32 $0x10;
	v9 =	vld [tilespmem:s31+$0x17100]  }
0x39: {  	v10 =	vld [tilespmem:s0+$0x17100]  }
0x3a: {  	v11 =	vld [tilespmem:s31+$0x16900];
	_ =	sdelay $0x1  }
0x3b: {  	v12 =	vld [tilespmem:s0+$0x16900]  }
0x3c: {  	v9 =	vperm.xlane v9, v0  }
0x3d: {  	s3 =	simm.s32 $0x20  }
0x3e: {  	v13 =	vld [tilespmem:s3+$0x17100];
	v10 =	vperm.xlane v10, v0;
	v9 =	vadd.f32 v9, v11;
	_ =	sdelay $0x1  }
0x3f: {  	v10 =	vadd.f32 v10, v12;
	v12 =	vmul.f32 $2.000000030e-01, v9;
	_ =	sdelay $0x1  }
0x40: {  	v9 =	vmax.f32 v9, v12  }
0x41: {  	v12 =	vperm.xlane v13, v0;
	v13 =	vmul.f32 $1.442695020e+00, v9  }
0x42: {  	v14 =	vmul.f32 $2.000000030e-01, v10  }
0x43: {  	v11 =	vld [tilespmem:s3+$0x16900];
	(erf) = vpow2.f32 v13  }
0x44: {  	v10 =	vmax.f32 v10, v14  }
0x45: {  	v14 =	vmul.f32 $1.442695020e+00, v10  }
0x46: {  	s9 =	simm.s32 $0x30  }
0x47: {  	v10 =	vld [tilespmem:s9+$0x17100];
	(erf) = vpow2.f32 v14  }
0x48: {  	v9 =	vadd.f32 v12, v11  }
0x49: {  	v11 =	vld [tilespmem:s9+$0x16900]  }
0x4a: {  	s11 =	simm.s32 $0x100;
	v12 =	vmul.f32 $2.000000030e-01, v9  }
.LBB2_3:
0x4b: {  	p0 =	sne.s32 s11, $0x1FC0  }
.Ltmp0:
0x4c: {  	s13 =	sshra.s32 s11, $0x2;
	s11 =	sadd.s32 $0x40, s11;
	v13 =	vperm.xlane v10, v0;
	v9 =	vmax.f32 v9, v12;
	v12 =	vpop (erf);
	(pc) =	sbr.rel @p0 .LBB2_3-.Ltmp0, $4  }
0x4d: {  	v10 =	vld [tilespmem:s13+$0x17100];
	v14 =	vmul.f32 $1.442695020e+00, v9;
	v12 =	vnsel vm0, $0x0, v12  }
0x4e: {  	v9 =	vadd.f32 v13, v11;
	[tilespmem:s31+$0x17900] =	vst v12;
	s31 =	smov.u32 s0;
	s0 =	smov.u32 s3;
	s3 =	smov.u32 s9  }
0x4f: {  	s9 =	smov.u32 s13;
	v11 =	vld [tilespmem:s13+$0x16900];
	(erf) = vpow2.f32 v14  }
0x50: {  	v12 =	vmul.f32 $2.000000030e-01, v9  }
0x51: {  	_ = 	snop  }
0x52: {  	v10 =	vperm.xlane v10, v0;
	_ =	sdelay $0x1  }
0x53: {  	v10 =	vadd.f32 v10, v11;
	_ =	sdelay $0x1  }
0x54: {  	v11 =	vmul.f32 $2.000000030e-01, v10  }
0x55: {  	v9 =	vmax.f32 v9, v12  }
0x56: {  	v9 =	vmul.f32 $1.442695020e+00, v9;
	v10 =	vmax.f32 v10, v11  }
0x57: {  	v10 =	vmul.f32 $1.442695020e+00, v10  }
0x58: {  	(erf) = vpow2.f32 v9  }
0x59: {  	(erf) = vpow2.f32 v10;
	_ =	sdelay $0x5  }
0x5a: {  	v9 =	vpop (erf)  }
0x5b: {  	v9 =	vnsel vm0, $0x0, v9;
	v10 =	vpop (erf)  }
0x5c: {  	[tilespmem:s31+$0x17900] =	vst v9;
	v9 =	vnsel vm0, $0x0, v10;
	v10 =	vpop (erf)  }
0x5d: {  	[tilespmem:s0+$0x17900] =	vst v9;
	v9 =	vnsel vm0, $0x0, v10;
	v10 =	vpop (erf)  }
0x5e: {  	[tilespmem:s3+$0x17900] =	vst v9;
	v9 =	vnsel vm0, $0x0, v10  }
0x5f: {  	[tilespmem:s9+$0x17900] =	vst v9  }
0x60: {  	_ =	swait.ge [sflag:s28], $0x4000  }
0x61: {  	[sflag:s28] =	ssyncset.done $0x0  }
0x62: {  	s31 =	simm.s32 $0x18140;
	[sflag:s28] =	ssyncadd.s32 $0xFFFFC000  }
0x63: {  	s0 =	simm.s32 $0x18140;
	s3 =	simm.s32 $0x40;
	s9 =	simm.s32 $0x0;
	v9 =	vld [tilespmem:s31+$0xFFFFFFF0]  }
.LBB2_5:
0x64: {  	p0 =	sne.s32 s3, $0x1FC0;
	v10 =	vld [tilespmem:s9+$0x17900]  }
0x65: {  	v11 =	vld [tilespmem:s31+$0xFFFFFFD0]  }
0x66: {  	v12 =	vld [tilespmem:s31+$0xFFFFFFC0]  }
0x67: {  	v13 =	vld [tilespmem:s31+$0xFFFFFFE0]  }
0x68: {  	v14 =	vld [tilespmem:s31+$0x30]  }
0x69: {  	v15 =	vperm.xlane v10, v1;
	v16 =	vperm.xlane v10, v2;
	v17 =	vld [tilespmem:s31+$0x10]  }
0x6a: {  	v18 =	vperm.xlane v10, v3;
	v19 =	vperm.xlane v10, v4;
	v20 =	vld [tilespmem:s31+$0x0]  }
0x6b: {  	v12 =	vmul.f32 v12, v15;
	v11 =	vmul.f32 v11, v16;
	v15 =	vld [tilespmem:s31+$0x20]  }
0x6c: {  	v9 =	vmul.f32 v9, v19;
	v13 =	vmul.f32 v13, v18  }
0x6d: {  	v16 =	vperm.xlane v10, v6;
	[tilespmem:s31+$0xFFFFFFC0] =	vst v12;
	v12 =	vperm.xlane v10, v5  }
0x6e: {  	[tilespmem:s31+$0xFFFFFFD0] =	vst v11;
	v11 =	vperm.xlane v10, v7;
	v10 =	vperm.xlane v10, v8  }
0x6f: {  	[tilespmem:s31+$0xFFFFFFE0] =	vst v13;
	v12 =	vmul.f32 v20, v12;
	v13 =	vmul.f32 v17, v16  }
.Ltmp1:
0x70: {  	[tilespmem:s31+$0xFFFFFFF0] =	vst v9;
	v9 =	vmul.f32 v15, v11;
	v10 =	vmul.f32 v14, v10;
	(pc) =	sbr.rel @p0 .LBB2_5-.Ltmp1, $4  }
0x71: {  	[tilespmem:s31+$0x0] =	vst v12  }
0x72: {  	[tilespmem:s31+$0x10] =	vst v13  }
0x73: {  	s31 =	sadd.s32 $0x80, s31;
	[tilespmem:s0+$0x20] =	vst v9  }
0x74: {  	s9 =	sshra.s32 s3, $0x2;
	s3 =	sadd.s32 $0x40, s3;
	v9 =	vld [tilespmem:s31+$0xFFFFFFF0];
	[tilespmem:s0+$0x30] =	vst v10;
	s0 =	smov.u32 s31  }
0x75: {  	v10 =	vld [tilespmem:s9+$0x17900];
	_ =	sdelay $0x1  }
0x76: {  	v11 =	vld [tilespmem:s31+$0xFFFFFFC0]  }
0x77: {  	v12 =	vld [tilespmem:s31+$0xFFFFFFD0]  }
0x78: {  	v13 =	vld [tilespmem:s31+$0xFFFFFFE0]  }
0x79: {  	v14 =	vperm.xlane v10, v1  }
0x7a: {  	v17 =	vld [tilespmem:s31+$0x10];
	v15 =	vperm.xlane v10, v2  }
0x7b: {  	v16 =	vld [tilespmem:s31+$0x0];
	v18 =	vperm.xlane v10, v3;
	v11 =	vmul.f32 v11, v14  }
0x7c: {  	v60 =	vld [tilespmem:s31+$0x20];
	v59 =	vperm.xlane v10, v4;
	v12 =	vmul.f32 v12, v15  }
0x7d: {  	v19 =	vld [tilespmem:s31+$0x30];
	v61 =	vperm.xlane v10, v6;
	v13 =	vmul.f32 v13, v18;
	[tilespmem:s31+$0xFFFFFFC0] =	vst v11  }
0x7e: {  	v9 =	vmul.f32 v9, v59;
	v11 =	vperm.xlane v10, v5;
	[tilespmem:s31+$0xFFFFFFD0] =	vst v12  }
0x7f: {  	v62 =	vperm.xlane v10, v7;
	v63 =	vmul.f32 v17, v61;
	[tilespmem:s31+$0xFFFFFFE0] =	vst v13  }
0x80: {  	v10 =	vperm.xlane v10, v8;
	[tilespmem:s31+$0xFFFFFFF0] =	vst v9;
	v11 =	vmul.f32 v16, v11  }
0x81: {  	v9 =	vmul.f32 v60, v62;
	[tilespmem:s31+$0x10] =	vst v63  }
0x82: {  	v10 =	vmul.f32 v19, v10;
	[tilespmem:s31+$0x0] =	vst v11  }
0x83: {  	[tilespmem:s0+$0x20] =	vst v9  }
0x84: {  	[tilespmem:s0+$0x30] =	vst v10  }
0x85: {  	[spmem:s4] =	stream.indirect.scatter.add.f32 [tilespmem:s29], [sflag:$0x4], $0x10, s20, s21, $0xb8;
	[tilespmem:$0x1C100] =	vst v63  }
0x86: {  	s30 =	sadd.s32 $0x1, s30;
	_ =	swait.ge [sflag:s17], $0x800  }
0x87: {  	p0 =	sne.s32 s30, $0x51;
	[sflag:s17] =	ssyncset.done $0x0  }
.Ltmp2:
0x88: {  	[sflag:s17] =	ssyncadd.s32 $0xFFFFF800;
	(pc) =	sbr.rel @p0 .LBB2_2-.Ltmp2, $4  }
0x89: {  	[spmem:s2] =	stream.indirect.scatter.add.f32 [tilespmem:s24], [sflag:$0x4], $0x80, s20, s21, $0xb8;
	[tilespmem:$0x1C100] =	vst v63  }
0x8a: {  	_ =	swait.ge [sflag:s17], $0x4000  }
0x8b: {  	[sflag:s17] =	ssyncset.done $0x0  }
0x8c: {  	[sflag:s17] =	ssyncadd.s32 $0xFFFFC000  }
0x8d: {  	[bflag:$0x0] =	sbarrier.arrive $0xFFFF  }
0x8e: {  	s0 =	rddreg [dreg:$0x7]  }
0x8f: {  	[hbm:s0], [sflag:s10] =	dma.local [spmem:s16], $0x2800  }
0x90: {  	s5 =	sadd.s32 $0x1, s5;
	_ =	swait.ge [sflag:s17], $0x2800  }
0x91: {  	p0 =	sne.s32 s5, s15;
	[sflag:s17] =	ssyncset.done $0x0  }
.Ltmp3:
0x92: {  	[sflag:s17] =	ssyncadd.s32 $0xFFFFD800;
	(pc) =	sbr.rel @p0 .LBB2_1-.Ltmp3, $4  }
0x93: {  	[hbm:s14], [sflag:s10] =	dma.local [spmem:s18], $0x500  }
0x94: {  	_ =	swait.ge [sflag:s17], $0x500  }
0x95: {  	[sflag:s17] =	ssyncset.done $0x0  }
0x96: {  	[sflag:s17] =	ssyncadd.s32 $0xFFFFFB00  }
0x97: {  	_ =	sfence.sel $0x180000  }
0x98: {  	[bflag:$0x0] =	sbarrier.arrive $0xFFFF  }
0x99: {  	_ =	strace $0x9000004D  }
0x9a: {  	s0 =	stileid.u32;
	[bflag:$0x2] =	sbarrier.arrive $0xFFFF  }
0x9b: {  	p0 =	sne.s32 s0, $0x0;
	s0 =	rddreg [dreg:$0x4]  }
0x9c: {  	s0 =	sadd.s32 @!p0 $0x100000, s0  }
0x9d: {  	[sflag:s0] =	ssyncadd.tile.s32 @!p0 $0x1;
	_ =	shalt  }
.Lfunc_end2:
_tile_overlayer_lowered:
.L_overlay_start_2:
0x9e: {  	(tag) =	ssettag $0x2  }
0x9f: {  	s0 =	rddreg [dreg:$0x0];
	s2 =	stileid.u32  }
0xa0: {  	s1 =	rddreg [dreg:$0x1];
	p0 =	sne.s32 s2, $0x0  }
0xa1: {  	s3 =	rddreg [dreg:$0x2];
	[bflag:$0x3] =	sbarrier.arrive $0xFFFF;
	s2 =	simm.s32 @!p0 $0x1C04  }
0xa2: {  	[timem:s3], [sflag:s2] =	dma.local @!p0 [hbm:s0], s1  }
0xa3: {  	s0 =	simm.s32 @!p0 $0x4  }
0xa4: {  	_ =	swait.ge @!p0 [sflag:s0], s1  }
0xa5: {  	s1 =	ssub.s32 @!p0 $0x0, s1;
	[sflag:s0] =	ssyncset.done @!p0 $0x0  }
0xa6: {  	[sflag:s0] =	ssyncadd.s32 @!p0 s1  }
0xa7: {  	[bflag:$0x3] =	sbarrier.arrive $0xFFFF  }
0xa8: {  	_ =	shalt  }

// kernel: kernel.20.cloned.1.call-start
scs
__scs_entry_jumppad:
0x0: {  	(pc) =	sbr.rel $0x88, $3  }
0x1: {  	(tag) =	ssettag $0x0;
	lr =	simm.s32 $0x1  }
0x2: {  	[smem:$0x3F8F] =	sst lr;
	_ =	strace $0xD0000000  }
0x3: {  	_ = 	snop  }
0x4: {  	_ = 	snop  }
0x5: {  	_ = 	snop  }
0x6: {  	_ = 	snop  }
0x7: {  	_ = 	snop  }
__scs_overlays_trampoline_lowered:
0x8: {  	[smem:$0x3F9E] =	sst s0  }
0x9: {  	[smem:$0x3F9F] =	sst s1  }
0xa: {  	[smem:$0x3FA0] =	sst s2  }
0xb: {  	[smem:$0x3FA1] =	sst s3  }
0xc: {  	[smem:$0x3FA2] =	sst s4  }
0xd: {  	[smem:$0x3FA3] =	sst s5  }
0xe: {  	[smem:$0x3FA4] =	sst s6  }
0xf: {  	[smem:$0x3FA5] =	sst s7  }
0x10: {  	[smem:$0x3FA6] =	sst s8  }
0x11: {  	[smem:$0x3FA7] =	sst s9;
	s0 =	simm.s32 @!p0 $0x0  }
0x12: {  	s1 =	sld [smem:$0x3F8D];
	s0 =	simm.s32 @p0 $0x1  }
0x13: {  	[smem:$0x3FA8] =	sst s0;
	s0 =	simm.s32 @!p1 $0x0  }
0x14: {  	s2 =	sld [smem:$0x3F8C];
	s0 =	simm.s32 @p1 $0x1  }
0x15: {  	[smem:$0x3FA9] =	sst s0;
	s0 =	simm.s32 @!p2 $0x0  }
0x16: {  	s3 =	sld [smem:$0x3FDB];
	s0 =	simm.s32 @p2 $0x1  }
0x17: {  	s4 =	simm.s32 $0x1BF5;
	[smem:$0x3FAB] =	sst s0  }
0x18: {  	s0 =	sld [smem:$0x3F8E];
	_ =	swait.ge [sflag:s4], $0x0  }
0x19: {  	s7 =	sld [smem:$0x3F8F]  }
0x1a: {  	s8 =	sadd.s32 $0xFFFFE003, lr  }
0x1b: {  	s9 =	sadd.s32 $0xFFFFFEF7, lr;
	s5 =	simm.s32 $0xFFFFFFFF;
	p2 =	slt.u32 s8, $0xFFFFF086  }
0x1c: {  	p1 =	slt.u32 s9, $0xF7A;
	s5 =	simm.s32 @!p2 $0x0  }
0x1d: {  	s5 =	simm.s32 @p1 $0x1;
	p0 =	seq.s32 s7, s2  }
0x1e: {  	s7 =	smul.u32 @!p0 $0xF7A, s2;
	p2 =	seq.s32 @!p0 s5, $0x0  }
0x1f: {  	s9 =	smul.u32 $0xF7A, s1;
	s8 =	simm.s32 @!p0 $0x1BF5;
	p2 =	por !p2, p0  }
0x20: {  	[sflag:s8] =	ssyncset.s32 @!p0 $0xFFFFF086;
	s6 =	sadd.s32 @!p0 s3, s7;
	s7 =	simm.s32 @!p0 $0x108  }
0x21: {  	s3 =	sadd.s32 s3, s9;
	s6 =	sadd.s32 @!p0 $0x88, s6;
	s7 =	simm.s32 @p2 $0x1082  }
0x22: {  	[simem:s7], [sflag:s8] =	dma.local @!p0 [hbm:s6], $0xF7A  }
0x23: {  	s9 =	sor.u32 $0xD0000000, s2;
	s6 =	simm.s32 $0x108;
	_ =	swait.ge @!p0 [sflag:s8], $0x0  }
0x24: {  	s3 =	sadd.s32 $0x88, s3;
	s6 =	simm.s32 @!p1 $0x1082;
	[sflag:s4] =	ssyncset.s32 $0xFFFFF086  }
0x25: {  	[simem:s6], [sflag:s4] =	dma.local [hbm:s3], $0xF7A  }
0x26: {  	[smem:$0x3F8F] =	sst s1;
	(tag) =	ssettag s2;
	_ =	strace s9  }
0x27: {  	s1 =	sld [smem:$0x3F9F]  }
0x28: {  	s2 =	sld [smem:$0x3FA0]  }
0x29: {  	s4 =	sld [smem:$0x3FA2]  }
0x2a: {  	p0 =	seq.s32 s5, $0x0;
	s5 =	sld [smem:$0x3FA3]  }
0x2b: {  	s6 =	sld [smem:$0x3FA4]  }
0x2c: {  	s7 =	sld [smem:$0x3FA5]  }
0x2d: {  	s3 =	simm.s32 $0x108;
	s8 =	sld [smem:$0x3FA6]  }
0x2e: {  	s3 =	simm.s32 @!p0 $0x1082;
	s9 =	sld [smem:$0x3FA7]  }
0x2f: {  	lr =	sadd.s32 s0, s3;
	s0 =	sld [smem:$0x3F9E]  }
0x30: {  	s3 =	sld [smem:$0x3FA1]  }
0x31: {  	[smem:$0x3FAA] =	sst s10  }
0x32: {  	s10 =	sld [smem:$0x3FA8];
	_ =	sdelay $0x3  }
0x33: {  	p0 =	seq.s32 s10, $0x1;
	s10 =	sld [smem:$0x3FAA];
	_ =	sdelay $0x3  }
0x34: {  	[smem:$0x3FAA] =	sst s10  }
0x35: {  	s10 =	sld [smem:$0x3FA9];
	_ =	sdelay $0x3  }
0x36: {  	p1 =	seq.s32 s10, $0x1;
	s10 =	sld [smem:$0x3FAA];
	_ =	sdelay $0x3  }
0x37: {  	[smem:$0x3FAA] =	sst s10  }
0x38: {  	s10 =	sld [smem:$0x3FAB]  }
0x39: {  	_ = 	snop;
	(pc) =	sbr.ind lr, $3  }
0x3a: {  	_ = 	snop  }
0x3b: {  	_ = 	snop  }
0x3c: {  	p2 =	seq.s32 s10, $0x1;
	s10 =	sld [smem:$0x3FAA]  }
0x3d: {  	_ =	shalt  }
0x3e: {  	_ =	shalt  }
0x3f: {  	_ =	shalt  }
0x40: {  	_ =	shalt  }
0x41: {  	_ =	shalt  }
0x42: {  	_ =	shalt  }
0x43: {  	_ =	shalt  }
0x44: {  	_ =	shalt  }
0x45: {  	_ =	shalt  }
0x46: {  	_ =	shalt  }
0x47: {  	_ =	shalt  }
0x48: {  	_ =	shalt  }
0x49: {  	_ =	shalt  }
0x4a: {  	_ =	shalt  }
0x4b: {  	_ =	shalt  }
0x4c: {  	_ =	shalt  }
0x4d: {  	_ =	shalt  }
0x4e: {  	_ =	shalt  }
0x4f: {  	_ =	shalt  }
0x50: {  	_ =	shalt  }
0x51: {  	_ =	shalt  }
0x52: {  	_ =	shalt  }
0x53: {  	_ =	shalt  }
0x54: {  	_ =	shalt  }
0x55: {  	_ =	shalt  }
0x56: {  	_ =	shalt  }
0x57: {  	_ =	shalt  }
0x58: {  	_ =	shalt  }
0x59: {  	_ =	shalt  }
0x5a: {  	_ =	shalt  }
0x5b: {  	_ =	shalt  }
0x5c: {  	_ =	shalt  }
0x5d: {  	_ =	shalt  }
0x5e: {  	_ =	shalt  }
0x5f: {  	_ =	shalt  }
0x60: {  	_ =	shalt  }
0x61: {  	_ =	shalt  }
0x62: {  	_ =	shalt  }
0x63: {  	_ =	shalt  }
0x64: {  	_ =	shalt  }
0x65: {  	_ =	shalt  }
0x66: {  	_ =	shalt  }
0x67: {  	_ =	shalt  }
0x68: {  	_ =	shalt  }
0x69: {  	_ =	shalt  }
0x6a: {  	_ =	shalt  }
0x6b: {  	_ =	shalt  }
0x6c: {  	_ =	shalt  }
0x6d: {  	_ =	shalt  }
0x6e: {  	_ =	shalt  }
0x6f: {  	_ =	shalt  }
0x70: {  	_ =	shalt  }
0x71: {  	_ =	shalt  }
0x72: {  	_ =	shalt  }
0x73: {  	_ =	shalt  }
0x74: {  	_ =	shalt  }
0x75: {  	_ =	shalt  }
0x76: {  	_ =	shalt  }
0x77: {  	_ =	shalt  }
0x78: {  	_ =	shalt  }
0x79: {  	_ =	shalt  }
0x7a: {  	_ =	shalt  }
0x7b: {  	_ =	shalt  }
0x7c: {  	_ =	shalt  }
0x7d: {  	_ =	shalt  }
0x7e: {  	_ =	shalt  }
0x7f: {  	_ =	shalt  }
0x80: {  	_ =	shalt  }
0x81: {  	_ =	shalt  }
0x82: {  	_ =	shalt  }
0x83: {  	_ =	shalt  }
0x84: {  	_ =	shalt  }
0x85: {  	_ =	shalt  }
0x86: {  	_ =	shalt  }
0x87: {  	_ =	shalt  }
.Lfunc_end0:
.L_simem_size_0:
called_computation.3_lowered:
.L_overlay_start_0:
0x88: {  	s2 =	sld [smem:$0x3FD9]  }
0x89: {  	s3 =	sld [smem:$0x3FFE];
	_ =	sdelay $0x1  }
0x8a: {  	s1 =	srdreg.scid  }
0x8b: {  	s0 =	sand.u32 $0x1, s1  }
0x8c: {  	s17 =	sshll.u32 s0, $0xA;
	s2 =	sadd.s32 s3, s2  }
0x8d: {  	s2 =	sadd.s32 s2, s17  }
0x8e: {  	[smem:$0x3FB6] =	sst s2  }
0x8f: {  	_ = 	snop  }
0x90: {  	s2 =	sld [smem:$0x3FD0];
	(tm) =	ssettm $0x1  }
0x91: {  	s18 =	sld [smem:$0x3FFB];
	_ =	sdelay $0x3  }
0x92: {  	_ =	strace s18  }
0x93: {  	s3 =	sld [smem:$0x3FFC];
	_ =	sdelay $0x3  }
0x94: {  	_ =	strace s3  }
0x95: {  	s3 =	sld [smem:$0x3FFD];
	_ =	sdelay $0x3  }
0x96: {  	_ =	strace s3  }
0x97: {  	_ =	strace $0x8FFFFFFF  }
0x98: {  	s19 =	sld [smem:$0x3FDB];
	_ =	sdelay $0x1  }
0x99: {  	s4 =	simm.s32 $_scs_section_size  }
0x9a: {  	s5 =	simm.s32 $_size__tile_overlayer_lowered;
	s6 =	simm.s32 $_tile_overlayer_lowered  }
0x9b: {  	s22 =	simm.s32 $0x1BFF;
	s21 =	sshll.u32 s6, $0x1;
	s3 =	sadd.s32 s4, s19  }
0x9c: {  	s7 =	simm.s32 $0x0;
	s20 =	sshll.u32 s5, $0x1;
	s5 =	sadd.s32 s21, s3  }
0x9d: {  	[timem:s7], [sflag:s22] =	dma.local [hbm:s5], s20  }
0x9e: {  	_ =	swait.ge [sflag:s22], s20  }
0x9f: {  	s4 =	ssub.s32 $0x0, s20;
	[sflag:s22] =	ssyncset.done $0x0  }
0xa0: {  	[sflag:s22] =	ssyncadd.s32 s4;
	_ =	sdelay $0x1  }
0xa1: {  	s23 =	simm.s32 $0x1B8B  }
0xa2: {  	_ =	swait.ge [sflag:s23], $0x1  }
0xa3: {  	[sflag:s23] =	ssyncset.done $0x0  }
0xa4: {  	s25 =	simm.s32 $0x1B8E;
	s24 =	sld [smem:$0x3FFE];
	[sflag:s23] =	ssyncadd.s32 $0xFFFFFFFF  }
0xa5: {  	s26 =	simm.s32 $execute0_lowered;
	[smem:$0x3FD2] =	sst s25  }
0xa6: {  	s5 =	sshll.u32 s26, $0x1;
	_ =	strace $0x8000004F;
	[dreg:$0x1] =	wrdreg $0xFFFFFFFF  }
0xa7: {  	s28 =	simm.s32 $_size_execute0_lowered;
	s3 =	sadd.s32 s3, s5;
	[dreg:$0x0] =	wrdreg $0x0  }
0xa8: {  	s5 =	sshll.u32 s28, $0x1;
	[dreg:$0x2] =	wrdreg s3  }
0xa9: {  	[dreg:$0x3] =	wrdreg s5  }
0xaa: {  	[dreg:$0x4] =	wrdreg $0xC0  }
0xab: {  	_ =	task [dreg:s7], $0x5FFFF  }
0xac: {  	[dreg:$0x1] =	wrdreg $0xFFFFFFFF  }
0xad: {  	[dreg:$0x0] =	wrdreg $0x60  }
0xae: {  	[dreg:$0x2] =	wrdreg s24  }
0xaf: {  	[dreg:$0x3] =	wrdreg s2  }
0xb0: {  	[dreg:$0x4] =	wrdreg $0x0  }
0xb1: {  	[dreg:$0x5] =	wrdreg $0xA0000  }
0xb2: {  	[dreg:$0x6] =	wrdreg $0x9  }
0xb3: {  	_ =	task.clear_ibuf [dreg:s7], $0x7FFFF;
	_ =	strace $0x9000004F  }
0xb4: {  	s29 =	simm.s32 $0x9;
	_ =	strace $0x80000051  }
0xb5: {  	_ =	swait.ge [sflag:s29], $0x1  }
0xb6: {  	[sflag:s29] =	ssyncadd.s32 $0xFFFFFFFF  }
0xb7: {  	_ =	strace $0x90000051  }
0xb8: {  	_ =	sfence  }
0xb9: {  	s30 =	sld [smem:$0x0];
	_ =	sdelay $0x2  }
0xba: {  	s31 =	sshll.u32 s1, $0xD;
	s1 =	sshrl.u32 s1, $0x2  }
0xbb: {  	s3 =	sand.u32 $0x4000, s31;
	s1 =	sadd.s32 s1, s30  }
0xbc: {  	s0 =	sor.u32 s3, s0;
	s1 =	sshll.u32 s1, $0x11  }
0xbd: {  	s0 =	sor.u32 s1, s0  }
0xbe: {  	s0 =	sadd.s32 $0x8F2B, s0  }
0xbf: {  	[sflag:s0] =	ssyncadd.remote.s32 $0x1  }
0xc0: {  	_ =	sfence.sel $0xFFFF  }
0xc1: {  	[dreg:$0x0] =	wrdreg $0xFFFFFFFF;
	(pc) =	sbr.abs _section_cstart, $3  }
0xc2: {  	[dreg:$0x1] =	wrdreg $0xFFFFFFFF  }
0xc3: {  	_ =	task.clear_ibuf [dreg:s7], $0x2FFFF;
	_ =	strace $0x9FFFFFFF  }
0xc4: {  	(tm) =	ssettm $0x7FFFFFFF  }
0xc5: {  	_ =	shalt  }
tec
execute0_lowered:
.L_overlay_start_1:
0x0: {  	(tag) =	ssettag $0x1  }
0x1: {  	s0 =	rddreg [dreg:$0x0]  }
0x2: {  	s1 =	rddreg [dreg:$0x1]  }
0x3: {  	s2 =	rddreg [dreg:$0x2]  }
0x4: {  	s4 =	rddreg [dreg:$0x3]  }
0x5: {  	s5 =	simm.s32 $0x0;
	s17 =	stileid.u32;
	s7 =	srdreg.scid  }
0x6: {  	s19 =	simm.s32 $0xC800;
	s20 =	simm.s32 $0xC880;
	s21 =	simm.s32 $0x80  }
0x7: {  	s22 =	simm.s32 $0xC900;
	s23 =	simm.s32 $0xD100;
	s24 =	simm.s32 $0xE100  }
0x8: {  	s25 =	simm.s32 $0x1;
	s28 =	simm.s32 $0x3;
	s29 =	simm.s32 $0xD900  }
0x9: {  	[smem:$0x7FF] =	sst s5;
	s3 =	smul.u32 $0xA000, s17;
	s6 =	sadd.s32 $0x5E00, s0  }
0xa: {  	s9 =	smul.u32 $0x2800, s17;
	s10 =	sand.u32 $0x1, s7;
	s7 =	sadd.s32 $0x19E00, s0  }
0xb: {  	s8 =	sadd.s32 $0x32E00, s0;
	s26 =	sshll.u32 s17, $0x1;
	s30 =	sshll.u32 s17, $0x6  }
0xc: {  	s17 =	simm.s32 $0x4;
	_ =	strace $0x80000050;
	s11 =	smul.u32 $0xA0000, s10  }
0xd: {  	s14 =	smul.u32 $0x28000, s10;
	s15 =	ssub.s32 $0x2, s10;
	s12 =	sshrl.u32 s3, $0x3  }
0xe: {  	s13 =	sshrl.u32 s9, $0x3;
	s16 =	sshrl.u32 s15, $0x1;
	s12 =	sadd.s32 s12, s0  }
0xf: {  	s13 =	sadd.s32 s13, s0;
	s11 =	sadd.s32 s3, s11;
	s14 =	sadd.s32 s9, s14  }
0x10: {  	v0 =	vimm.s32 $0xFEDCBA98;
	s15 =	ssub.s32 s15, s16;
	s3 =	sadd.s32 s3, s2;
	s9 =	sadd.s32 s9, s4  }
0x11: {  	v1 =	vimm.s32 $0x76543210;
	v0 =	vunpack.c.l.s4.s8 v0;
	s11 =	sshrl.u32 s11, $0x3;
	s14 =	sshrl.u32 s14, $0x3;
	s12 =	sadd.s32 $0x1EE00, s12  }
0x12: {  	v1 =	vunpack.c.l.s4.s8 v1;
	s31 =	sadd.s32 $0x3D000, s13;
	s15 =	smax.u32 s15, $0x1;
	s16 =	sshrl.u32 s3, $0x3  }
0x13: {  	v0 =	vunpack.c.0.s8.s32 v0;
	s18 =	sshrl.u32 s9, $0x3;
	s11 =	sadd.s32 s11, s0;
	s0 =	sadd.s32 s14, s0  }
0x14: {  	v1 =	vunpack.c.0.s8.s32 v1;
	s14 =	sor.u32 s10, s26;
	[dreg:$0x5] =	wrdreg s12;
	s10 =	sor.u32 $0x1C04, s30  }
0x15: {  	v0 =	vand.u32 $0xF, v0;
	[dreg:$0x6] =	wrdreg s31;
	s26 =	simm.s32 $0x2;
	s11 =	sadd.s32 $0x4C000, s11  }
0x16: {  	vm0 =	vmmov $0x1;
	v0 =	vcombine.low v0, v1;
	v1 =	vimm.s32 $0x0;
	s12 =	smul.u32 $0x2880, s14;
	s14 =	sadd.s32 $0x42000, s0;
	[dreg:$0x7] =	wrdreg s11  }
.LBB2_1:
0x17: {  	s0 =	rddreg [dreg:$0x5]  }
0x18: {  	[spmem:s16], [sflag:s10] =	dma.local [hbm:s0], $0x1400  }
0x19: {  	_ =	swait.ge [sflag:s17], $0x1400  }
0x1a: {  	[sflag:s17] =	ssyncset.done $0x0  }
0x1b: {  	s31 =	rddreg [dreg:$0x6];
	[sflag:s17] =	ssyncadd.s32 $0xFFFFEC00  }
0x1c: {  	[spmem:s18], [sflag:s10] =	dma.local [hbm:s31], $0x500  }
0x1d: {  	_ =	swait.ge [sflag:s17], $0x500  }
0x1e: {  	[sflag:s17] =	ssyncset.done $0x0  }
0x1f: {  	[sflag:s17] =	ssyncadd.s32 $0xFFFFFB00  }
0x20: {  	s30 =	simm.s32 $0x0;
	[bflag:$0x0] =	sbarrier.arrive $0xFFFF  }
.LBB2_2:
0x21: {  	s0 =	sshll.u32 s30, $0x7  }
0x22: {  	s0 =	sadd.s32 s12, s0  }
0x23: {  	s0 =	sshrl.u32 s0, $0x3  }
0x24: {  	s9 =	simm.s32 $0x0;
	s3 =	sadd.s32 s1, s0  }
0x25: {  	[tilespmem:s19], [sflag:$0x4] =	stream.linear.gather [hbm4b:s3+s9], $0x80, $0x38;
	[tilespmem:$0x10100] =	vst v63  }
0x26: {  	_ =	swait.ge [sflag:s17], $0x80  }
0x27: {  	[sflag:s17] =	ssyncset.done $0x0  }
0x28: {  	s0 =	sadd.s32 s8, s0;
	[sflag:s17] =	ssyncadd.s32 $0xFFFFFF80  }
0x29: {  	[tilespmem:s20], [sflag:$0x4] =	stream.linear.gather [hbm4b:s0+s9], $0x80, $0x38;
	[tilespmem:$0x10100] =	vst v63  }
0x2a: {  	_ =	swait.ge [sflag:s17], $0x80  }
0x2b: {  	[sflag:s17] =	ssyncset.done $0x0  }
0x2c: {  	[sflag:s17] =	ssyncadd.s32 $0xFFFFFF80  }
0x2d: {  	[tilespmem:s22], [sflag:$0x1] =	stream.indirect.gather [hbm4b:s7+s21], $0x10, s19, s21, $0xb8;
	[tilespmem:$0x10100] =	vst v63  }
0x2e: {  	_ = 	snop  }
0x2f: {  	[tilespmem:s23], [sflag:$0x2] =	stream.indirect.gather [hbm4b:s7+s21], $0x10, s20, s21, $0xb8;
	[tilespmem:$0x10100] =	vst v63  }
0x30: {  	_ = 	snop  }
0x31: {  	[tilespmem:s24], [sflag:$0x3] =	stream.indirect.gather [hbm4b:s6+s21], $0x40, s19, s21, $0xb8;
	[tilespmem:$0x10100] =	vst v63  }
0x32: {  	_ =	swait.ge [sflag:s25], $0x800  }
0x33: {  	[sflag:s25] =	ssyncset.done $0x0  }
0x34: {  	[sflag:s25] =	ssyncadd.s32 $0xFFFFF800  }
0x35: {  	_ =	swait.ge [sflag:s26], $0x800  }
0x36: {  	[sflag:s26] =	ssyncset.done $0x0  }
0x37: {  	s0 =	simm.s32 $0x0;
	[sflag:s26] =	ssyncadd.s32 $0xFFFFF800  }
0x38: {  	s31 =	simm.s32 $0x10;
	v2 =	vld [tilespmem:s0+$0xD100]  }
0x39: {  	v3 =	vld [tilespmem:s31+$0xD100]  }
0x3a: {  	v4 =	vld [tilespmem:s0+$0xC900];
	_ =	sdelay $0x1  }
0x3b: {  	v5 =	vld [tilespmem:s31+$0xC900]  }
0x3c: {  	v2 =	vperm.xlane v2, v0  }
0x3d: {  	s3 =	simm.s32 $0x20  }
0x3e: {  	v6 =	vld [tilespmem:s3+$0xD100];
	v3 =	vperm.xlane v3, v0;
	v2 =	vadd.f32 v2, v4;
	_ =	sdelay $0x1  }
0x3f: {  	v3 =	vadd.f32 v3, v5;
	v5 =	vmul.f32 $2.000000030e-01, v2;
	_ =	sdelay $0x1  }
0x40: {  	v2 =	vmax.f32 v2, v5  }
0x41: {  	v5 =	vperm.xlane v6, v0;
	v6 =	vmul.f32 $1.442695020e+00, v2  }
0x42: {  	v7 =	vmul.f32 $2.000000030e-01, v3  }
0x43: {  	v4 =	vld [tilespmem:s3+$0xC900];
	(erf) = vpow2.f32 v6  }
0x44: {  	v3 =	vmax.f32 v3, v7  }
0x45: {  	v7 =	vmul.f32 $1.442695020e+00, v3  }
0x46: {  	s9 =	simm.s32 $0x30  }
0x47: {  	v3 =	vld [tilespmem:s9+$0xD100];
	(erf) = vpow2.f32 v7  }
0x48: {  	v2 =	vadd.f32 v5, v4  }
0x49: {  	v4 =	vld [tilespmem:s9+$0xC900]  }
0x4a: {  	s11 =	simm.s32 $0x100;
	v5 =	vmul.f32 $2.000000030e-01, v2  }
.LBB2_3:
0x4b: {  	p0 =	sne.s32 s11, $0x1FC0  }
.Ltmp0:
0x4c: {  	s13 =	sshra.s32 s11, $0x2;
	s11 =	sadd.s32 $0x40, s11;
	v6 =	vperm.xlane v3, v0;
	v2 =	vmax.f32 v2, v5;
	v5 =	vpop (erf);
	(pc) =	sbr.rel @p0 .LBB2_3-.Ltmp0, $4  }
0x4d: {  	v3 =	vld [tilespmem:s13+$0xD100];
	v7 =	vmul.f32 $1.442695020e+00, v2;
	v5 =	vnsel vm0, $0x0, v5  }
0x4e: {  	v2 =	vadd.f32 v6, v4;
	[tilespmem:s0+$0xD900] =	vst v5;
	s0 =	smov.u32 s31;
	s31 =	smov.u32 s3;
	s3 =	smov.u32 s9  }
0x4f: {  	s9 =	smov.u32 s13;
	v4 =	vld [tilespmem:s13+$0xC900];
	(erf) = vpow2.f32 v7  }
0x50: {  	v5 =	vmul.f32 $2.000000030e-01, v2  }
0x51: {  	_ = 	snop  }
0x52: {  	v3 =	vperm.xlane v3, v0;
	_ =	sdelay $0x1  }
0x53: {  	v3 =	vadd.f32 v3, v4;
	_ =	sdelay $0x1  }
0x54: {  	v4 =	vmul.f32 $2.000000030e-01, v3  }
0x55: {  	v2 =	vmax.f32 v2, v5  }
0x56: {  	v2 =	vmul.f32 $1.442695020e+00, v2;
	v3 =	vmax.f32 v3, v4  }
0x57: {  	v3 =	vmul.f32 $1.442695020e+00, v3  }
0x58: {  	(erf) = vpow2.f32 v2  }
0x59: {  	(erf) = vpow2.f32 v3;
	_ =	sdelay $0x5  }
0x5a: {  	v2 =	vpop (erf)  }
0x5b: {  	v2 =	vnsel vm0, $0x0, v2;
	v3 =	vpop (erf)  }
0x5c: {  	[tilespmem:s0+$0xD900] =	vst v2;
	v2 =	vnsel vm0, $0x0, v3;
	v3 =	vpop (erf)  }
0x5d: {  	[tilespmem:s31+$0xD900] =	vst v2;
	v2 =	vnsel vm0, $0x0, v3;
	v3 =	vpop (erf)  }
0x5e: {  	[tilespmem:s3+$0xD900] =	vst v2;
	v2 =	vnsel vm0, $0x0, v3  }
0x5f: {  	[tilespmem:s9+$0xD900] =	vst v2  }
0x60: {  	_ =	swait.ge [sflag:s28], $0x2000  }
0x61: {  	[sflag:s28] =	ssyncset.done $0x0  }
0x62: {  	s0 =	simm.s32 $0xE120;
	[sflag:s28] =	ssyncadd.s32 $0xFFFFE000  }
0x63: {  	s11 =	simm.s32 $0x0;
	s3 =	simm.s32 $0xE120;
	s9 =	simm.s32 $0x40;
	v2 =	vld [tilespmem:s0+$0xFFFFFFF0]  }
.LBB2_5:
0x64: {  	p0 =	sne.s32 s9, $0x1FC0;
	v3 =	vld [tilespmem:s11+$0xD900]  }
0x65: {  	v4 =	vld [tilespmem:s0+$0x10]  }
0x66: {  	v5 =	vld [tilespmem:s0+$0xFFFFFFE0]  }
0x67: {  	v6 =	vld [tilespmem:s0+$0x0];
	_ =	sdelay $0x1  }
0x68: {  	v3 =	vperm.xlane v3, v1;
	_ =	sdelay $0x1  }
0x69: {  	v5 =	vmul.f32 v5, v3;
	v2 =	vmul.f32 v2, v3  }
.Ltmp1:
0x6a: {  	v6 =	vmul.f32 v6, v3;
	v3 =	vmul.f32 v4, v3;
	(pc) =	sbr.rel @p0 .LBB2_5-.Ltmp1, $4  }
0x6b: {  	[tilespmem:s0+$0xFFFFFFE0] =	vst v5  }
0x6c: {  	[tilespmem:s0+$0xFFFFFFF0] =	vst v2  }
0x6d: {  	s0 =	sadd.s32 $0x40, s0;
	[tilespmem:s3+$0x0] =	vst v6  }
0x6e: {  	s11 =	sshra.s32 s9, $0x2;
	s9 =	sadd.s32 $0x40, s9;
	v2 =	vld [tilespmem:s0+$0xFFFFFFF0];
	[tilespmem:s3+$0x10] =	vst v3;
	s3 =	smov.u32 s0  }
0x6f: {  	v3 =	vld [tilespmem:s11+$0xD900];
	_ =	sdelay $0x1  }
0x70: {  	v4 =	vld [tilespmem:s0+$0xFFFFFFE0];
	_ =	sdelay $0x1  }
0x71: {  	v5 =	vld [tilespmem:s0+$0x0]  }
0x72: {  	v6 =	vld [tilespmem:s0+$0x10];
	v3 =	vperm.xlane v3, v1;
	_ =	sdelay $0x1  }
0x73: {  	v4 =	vmul.f32 v4, v3  }
0x74: {  	v2 =	vmul.f32 v2, v3  }
0x75: {  	v5 =	vmul.f32 v5, v3;
	[tilespmem:s0+$0xFFFFFFE0] =	vst v4  }
0x76: {  	v3 =	vmul.f32 v6, v3;
	[tilespmem:s0+$0xFFFFFFF0] =	vst v2  }
0x77: {  	[tilespmem:s3+$0x0] =	vst v5  }
0x78: {  	[tilespmem:s3+$0x10] =	vst v3  }
0x79: {  	[spmem:s4] =	stream.indirect.scatter.add.f32 [tilespmem:s29], [sflag:$0x4], $0x10, s20, s21, $0xb8;
	[tilespmem:$0x10100] =	vst v63  }
0x7a: {  	s30 =	sadd.s32 $0x1, s30;
	_ =	swait.ge [sflag:s17], $0x800  }
0x7b: {  	p0 =	sne.s32 s30, $0x51;
	[sflag:s17] =	ssyncset.done $0x0  }
.Ltmp2:
0x7c: {  	[sflag:s17] =	ssyncadd.s32 $0xFFFFF800;
	(pc) =	sbr.rel @p0 .LBB2_2-.Ltmp2, $4  }
0x7d: {  	[spmem:s2] =	stream.indirect.scatter.add.f32 [tilespmem:s24], [sflag:$0x4], $0x40, s20, s21, $0xb8;
	[tilespmem:$0x10100] =	vst v63  }
0x7e: {  	_ =	swait.ge [sflag:s17], $0x2000  }
0x7f: {  	[sflag:s17] =	ssyncset.done $0x0  }
0x80: {  	[sflag:s17] =	ssyncadd.s32 $0xFFFFE000  }
0x81: {  	[bflag:$0x0] =	sbarrier.arrive $0xFFFF  }
0x82: {  	s0 =	rddreg [dreg:$0x7]  }
0x83: {  	[hbm:s0], [sflag:s10] =	dma.local [spmem:s16], $0x1400  }
0x84: {  	s5 =	sadd.s32 $0x1, s5;
	_ =	swait.ge [sflag:s17], $0x1400  }
0x85: {  	p0 =	sne.s32 s5, s15;
	[sflag:s17] =	ssyncset.done $0x0  }
.Ltmp3:
0x86: {  	[sflag:s17] =	ssyncadd.s32 $0xFFFFEC00;
	(pc) =	sbr.rel @p0 .LBB2_1-.Ltmp3, $4  }
0x87: {  	[hbm:s14], [sflag:s10] =	dma.local [spmem:s18], $0x500  }
0x88: {  	_ =	swait.ge [sflag:s17], $0x500  }
0x89: {  	[sflag:s17] =	ssyncset.done $0x0  }
0x8a: {  	[sflag:s17] =	ssyncadd.s32 $0xFFFFFB00  }
0x8b: {  	_ =	sfence.sel $0x180000  }
0x8c: {  	[bflag:$0x0] =	sbarrier.arrive $0xFFFF  }
0x8d: {  	_ =	strace $0x90000050  }
0x8e: {  	s0 =	stileid.u32;
	[bflag:$0x2] =	sbarrier.arrive $0xFFFF  }
0x8f: {  	p0 =	sne.s32 s0, $0x0;
	s0 =	rddreg [dreg:$0x4]  }
0x90: {  	s0 =	sadd.s32 @!p0 $0x100000, s0  }
0x91: {  	[sflag:s0] =	ssyncadd.tile.s32 @!p0 $0x1;
	_ =	shalt  }
.Lfunc_end2:
_tile_overlayer_lowered:
.L_overlay_start_2:
0x92: {  	(tag) =	ssettag $0x2  }
0x93: {  	s0 =	rddreg [dreg:$0x0];
	s2 =	stileid.u32  }
0x94: {  	s1 =	rddreg [dreg:$0x1];
	p0 =	sne.s32 s2, $0x0  }
0x95: {  	s3 =	rddreg [dreg:$0x2];
	[bflag:$0x3] =	sbarrier.arrive $0xFFFF;
	s2 =	simm.s32 @!p0 $0x1C04  }
0x96: {  	[timem:s3], [sflag:s2] =	dma.local @!p0 [hbm:s0], s1  }
0x97: {  	s0 =	simm.s32 @!p0 $0x4  }
0x98: {  	_ =	swait.ge @!p0 [sflag:s0], s1  }
0x99: {  	s1 =	ssub.s32 @!p0 $0x0, s1;
	[sflag:s0] =	ssyncset.done @!p0 $0x0  }
0x9a: {  	[sflag:s0] =	ssyncadd.s32 @!p0 s1  }
0x9b: {  	[bflag:$0x3] =	sbarrier.arrive $0xFFFF  }
0x9c: {  	_ =	shalt  }

</sc_bundles>
